<compile_context>
chip_gen: v7x
topology: tpu7x:2x2x1
jax: 0.10.2.dev20260603
libtpu: 0.0.44.dev20260713+nightly
codegen_flags: <defaults>
</compile_context>

<pallas_src>
import jax
import jax.numpy as jnp
from jax import lax
from jax.experimental import pallas as pl
from jax.experimental.pallas import tpu as pltpu
from jax.experimental.pallas import tpu_sc as plsc

_B, _T, _D = 4, 2048, 4096
_RT = 2
_NW = 32
_ROWS_PER_W = _T // _NW
_NT = _ROWS_PER_W // _RT
_U = 8
_NVEC = _RT * _D // 16


def _sc_add_kernel(x_hbm, pe_hbm, out_hbm, pe_buf, x_buf,
                   pe_sems, in_sems, out_sems):
    wid = lax.axis_index("s") * 2 + lax.axis_index("c")
    base = wid * _ROWS_PER_W

    def pe_copy(t, k):
        return pltpu.make_async_copy(
            pe_hbm.at[pl.ds(base + t * _RT, _RT)], pe_buf.at[k],
            pe_sems.at[k])

    def in_copy(t, b, k):
        return pltpu.make_async_copy(
            x_hbm.at[b, pl.ds(base + t * _RT, _RT)], x_buf.at[b, k],
            in_sems.at[b, k])

    def out_copy(t, b, k):
        return pltpu.make_async_copy(
            x_buf.at[b, k], out_hbm.at[b, pl.ds(base + t * _RT, _RT)],
            out_sems.at[b, k])

    pe_copy(0, 0).start()
    for b in range(_B):
        in_copy(0, b, 0).start()

    def outer(t2, _):
        for k in (0, 1):
            t = t2 * 2 + k
            kn = 1 - k
            pe_copy(t, k).wait()

            @pl.when(t + 1 < _NT)
            def _():
                pe_copy(t + 1, kn).start()

            for b in range(_B):
                in_copy(t, b, k).wait()

                @pl.when(t + 1 < _NT)
                def _(_b=b):
                    @pl.when(t >= 1)
                    def _():
                        out_copy(t - 1, _b, kn).wait()
                    in_copy(t + 1, _b, kn).start()

                @plsc.parallel_loop(0, _NVEC, unroll=_U)
                def _vec_body(g, _b=b, _k=k):
                    r = g // (_D // 16)
                    c = (g % (_D // 16)) * 16
                    pe_v = pe_buf[_k, r, pl.ds(c, 16)]
                    plsc.addupdate(x_buf.at[_b, _k, r, pl.ds(c, 16)], pe_v)

                out_copy(t, b, k).start()
        return 0

    lax.fori_loop(0, _NT // 2, outer, 0)

    k_last = (_NT - 1) % 2
    for b in range(_B):
        out_copy(_NT - 2, b, 1 - k_last).wait()
        out_copy(_NT - 1, b, k_last).wait()


def kernel(x, pe):
    B, T, D = x.shape
    mesh = plsc.VectorSubcoreMesh(core_axis_name="c", subcore_axis_name="s")
    f = pl.kernel(
        _sc_add_kernel,
        mesh=mesh,
        out_type=jax.ShapeDtypeStruct((B, T, D), x.dtype),
        scratch_types=[
            pltpu.VMEM((2, _RT, _D), jnp.float32),
            pltpu.VMEM((_B, 2, _RT, _D), jnp.float32),
            pltpu.SemaphoreType.DMA((2,)),
            pltpu.SemaphoreType.DMA((_B, 2)),
            pltpu.SemaphoreType.DMA((_B, 2)),
        ],
    )
    return f(x, pe[:T])

# --- scband reference (transcript-rebuilt; emitter-appended) ---
"""Pipeline reference for scband-relative-positional-encoding-3212635538162 (READ-ONLY COPY).

The authoritative reference and input builder live on the scoring server;
editing this copy changes nothing except your own understanding.
"""

import jax, jax.numpy as jnp
import numpy as np

D_MODEL = 4096
MAX_LEN = 2048
BATCH = 4
SEQ = 2048

def setup_inputs(seed: int = 0) -> dict:
    key = jax.random.key(seed)
    k1, k2 = jax.random.split(key)
    x = jax.random.normal(k1, (BATCH, SEQ, D_MODEL), dtype=jnp.float32)
    # learned positional embedding table, nn.Embedding default init ~ N(0,1)
    pe = jax.random.normal(k2, (MAX_LEN, D_MODEL), dtype=jnp.float32)
    return {"x": x, "pe": pe}

def reference(x, pe):
    T = x.shape[1]
    positions = jnp.arange(T)
    pos_emb = jnp.take(pe, positions, axis=0)  # [T, d_model]
    return x + pos_emb[None, :, :]

if __name__ == "__main__":
    import jax
    _d = setup_inputs()
    print(jax.jit(kernel)(*tuple(_d.values())))

</pallas_src>

<mosaic_0001>
#map = affine_map<(d0, d1) -> (0, 0, 0)>
#map1 = affine_map<(d0, d1) -> (0, 0)>
module attributes {stable_mosaic.version = 14 : i64} {
  func.func @_sc_add_kernel(%arg0: i32, %arg1: i32, %arg2: memref<4x2048x4096xf32, #tpu.memory_space<hbm>>, %arg3: memref<2048x4096xf32, #tpu.memory_space<hbm>>, %arg4: memref<4x2048x4096xf32, #tpu.memory_space<hbm>>, %arg5: memref<2x2x4096xf32, #tpu.memory_space<vmem>>, %arg6: memref<4x2x2x4096xf32, #tpu.memory_space<vmem>>, %arg7: memref<2x!tpu.dma_semaphore, #tpu.memory_space<semaphore_mem>>, %arg8: memref<4x2x!tpu.dma_semaphore, #tpu.memory_space<semaphore_mem>>, %arg9: memref<4x2x!tpu.dma_semaphore, #tpu.memory_space<semaphore_mem>>) attributes {dimension_semantics = [#tpu.dimension_semantics<core_parallel>, #tpu.dimension_semantics<subcore_parallel>], iteration_bounds = array<i64: 2, 16>, scalar_prefetch = 0 : i64, scratch_operands = 5 : i64, tpu.core_type = #tpu.core_type<sc_vector_subcore>, window_params = [{transform_indices = #map}, {transform_indices = #map1}, {transform_indices = #map}]} {
    %mul3A = arith.constant 2 : i32
    %mul3A_0 = arith.muli %arg1, %mul3A : i32
    %add3A = arith.addi %mul3A_0, %arg0 : i32
    %mul3A_1 = arith.constant 64 : i32
    %mul3A_2 = arith.muli %add3A, %mul3A_1 : i32
    %add3A_3 = arith.constant 0 : i32
    %add3A_4 = arith.addi %mul3A_2, %add3A_3 : i32
    %dma_start3A = arith.constant 0 : i32
    %dma_start3A_5 = arith.constant 0 : i32
    %dma_start3A_6 = arith.constant 0 : i32
    %dma_start3A_7 = arith.constant 0 : i32
    %dma_start3A_8 = tpu.memref_slice %arg5[%dma_start3A, %dma_start3A_6, %dma_start3A_7] : memref<2x2x4096xf32, #tpu.memory_space<vmem>> -> memref<1x2x4096xf32, #tpu.memory_space<vmem>>
    %dma_start3A_9 = tpu.memref_squeeze %dma_start3A_8 : memref<1x2x4096xf32, #tpu.memory_space<vmem>> -> memref<2x4096xf32, #tpu.memory_space<vmem>>
    %dma_start3A_10 = arith.constant 0 : i32
    %dma_start3A_11 = tpu.memref_slice %arg3[%add3A_4, %dma_start3A_10] : memref<2048x4096xf32, #tpu.memory_space<hbm>> -> memref<2x4096xf32, #tpu.memory_space<hbm>>
    %dma_start3A_12 = tpu.memref_slice %arg7[%dma_start3A_5] : memref<2x!tpu.dma_semaphore, #tpu.memory_space<semaphore_mem>> -> memref<1x!tpu.dma_semaphore, #tpu.memory_space<semaphore_mem>>
    %dma_start3A_13 = tpu.memref_squeeze %dma_start3A_12 : memref<1x!tpu.dma_semaphore, #tpu.memory_space<semaphore_mem>> -> memref<!tpu.dma_semaphore, #tpu.memory_space<semaphore_mem>>
    %dma_start3A_14 = arith.constant 0 : i32
    %dma_start3A_15 = arith.constant 0 : i32
    %dma_start3A_16 = tpu.memref_slice %arg5[%dma_start3A, %dma_start3A_14, %dma_start3A_15] : memref<2x2x4096xf32, #tpu.memory_space<vmem>> -> memref<1x2x4096xf32, #tpu.memory_space<vmem>>
    %dma_start3A_17 = tpu.memref_squeeze %dma_start3A_16 : memref<1x2x4096xf32, #tpu.memory_space<vmem>> -> memref<2x4096xf32, #tpu.memory_space<vmem>>
    %dma_start3A_18 = arith.constant 0 : i32
    %dma_start3A_19 = tpu.memref_slice %arg3[%add3A_4, %dma_start3A_18] : memref<2048x4096xf32, #tpu.memory_space<hbm>> -> memref<2x4096xf32, #tpu.memory_space<hbm>>
    tpu.enqueue_dma source(%dma_start3A_19 : memref<2x4096xf32, #tpu.memory_space<hbm>>) target(%dma_start3A_17 : memref<2x4096xf32, #tpu.memory_space<vmem>>) target_semaphore(%dma_start3A_13 : memref<!tpu.dma_semaphore, #tpu.memory_space<semaphore_mem>>)
    %add3A_20 = arith.constant 0 : i32
    %add3A_21 = arith.addi %mul3A_2, %add3A_20 : i32
    %dma_start3A_22 = arith.constant 0 : i32
    %dma_start3A_23 = arith.constant 0 : i32
    %dma_start3A_24 = arith.constant 0 : i32
    %dma_start3A_25 = arith.constant 0 : i32
    %dma_start3A_26 = arith.constant 0 : i32
    %dma_start3A_27 = arith.constant 0 : i32
    %dma_start3A_28 = arith.constant 0 : i32
    %dma_start3A_29 = tpu.memref_slice %arg6[%dma_start3A_23, %dma_start3A_24, %dma_start3A_27, %dma_start3A_28] : memref<4x2x2x4096xf32, #tpu.memory_space<vmem>> -> memref<1x1x2x4096xf32, #tpu.memory_space<vmem>>
    %dma_start3A_30 = tpu.memref_squeeze %dma_start3A_29 : memref<1x1x2x4096xf32, #tpu.memory_space<vmem>> -> memref<2x4096xf32, #tpu.memory_space<vmem>>
    %dma_start3A_31 = arith.constant 0 : i32
    %dma_start3A_32 = tpu.memref_slice %arg2[%dma_start3A_22, %add3A_21, %dma_start3A_31] : memref<4x2048x4096xf32, #tpu.memory_space<hbm>> -> memref<1x2x4096xf32, #tpu.memory_space<hbm>>
    %dma_start3A_33 = tpu.memref_squeeze %dma_start3A_32 : memref<1x2x4096xf32, #tpu.memory_space<hbm>> -> memref<2x4096xf32, #tpu.memory_space<hbm>>
    %dma_start3A_34 = tpu.memref_slice %arg8[%dma_start3A_25, %dma_start3A_26] : memref<4x2x!tpu.dma_semaphore, #tpu.memory_space<semaphore_mem>> -> memref<1x1x!tpu.dma_semaphore, #tpu.memory_space<semaphore_mem>>
    %dma_start3A_35 = tpu.memref_squeeze %dma_start3A_34 : memref<1x1x!tpu.dma_semaphore, #tpu.memory_space<semaphore_mem>> -> memref<!tpu.dma_semaphore, #tpu.memory_space<semaphore_mem>>
    %dma_start3A_36 = arith.constant 0 : i32
    %dma_start3A_37 = arith.constant 0 : i32
    %dma_start3A_38 = tpu.memref_slice %arg6[%dma_start3A_23, %dma_start3A_24, %dma_start3A_36, %dma_start3A_37] : memref<4x2x2x4096xf32, #tpu.memory_space<vmem>> -> memref<1x1x2x4096xf32, #tpu.memory_space<vmem>>
    %dma_start3A_39 = tpu.memref_squeeze %dma_start3A_38 : memref<1x1x2x4096xf32, #tpu.memory_space<vmem>> -> memref<2x4096xf32, #tpu.memory_space<vmem>>
    %dma_start3A_40 = arith.constant 0 : i32
    %dma_start3A_41 = tpu.memref_slice %arg2[%dma_start3A_22, %add3A_21, %dma_start3A_40] : memref<4x2048x4096xf32, #tpu.memory_space<hbm>> -> memref<1x2x4096xf32, #tpu.memory_space<hbm>>
    %dma_start3A_42 = tpu.memref_squeeze %dma_start3A_41 : memref<1x2x4096xf32, #tpu.memory_space<hbm>> -> memref<2x4096xf32, #tpu.memory_space<hbm>>
    tpu.enqueue_dma source(%dma_start3A_42 : memref<2x4096xf32, #tpu.memory_space<hbm>>) target(%dma_start3A_39 : memref<2x4096xf32, #tpu.memory_space<vmem>>) target_semaphore(%dma_start3A_35 : memref<!tpu.dma_semaphore, #tpu.memory_space<semaphore_mem>>)
    %add3A_43 = arith.constant 0 : i32
    %add3A_44 = arith.addi %mul3A_2, %add3A_43 : i32
    %dma_start3A_45 = arith.constant 1 : i32
    %dma_start3A_46 = arith.constant 1 : i32
    %dma_start3A_47 = arith.constant 0 : i32
    %dma_start3A_48 = arith.constant 1 : i32
    %dma_start3A_49 = arith.constant 0 : i32
    %dma_start3A_50 = arith.constant 0 : i32
    %dma_start3A_51 = arith.constant 0 : i32
    %dma_start3A_52 = tpu.memref_slice %arg6[%dma_start3A_46, %dma_start3A_47, %dma_start3A_50, %dma_start3A_51] : memref<4x2x2x4096xf32, #tpu.memory_space<vmem>> -> memref<1x1x2x4096xf32, #tpu.memory_space<vmem>>
    %dma_start3A_53 = tpu.memref_squeeze %dma_start3A_52 : memref<1x1x2x4096xf32, #tpu.memory_space<vmem>> -> memref<2x4096xf32, #tpu.memory_space<vmem>>
    %dma_start3A_54 = arith.constant 0 : i32
    %dma_start3A_55 = tpu.memref_slice %arg2[%dma_start3A_45, %add3A_44, %dma_start3A_54] : memref<4x2048x4096xf32, #tpu.memory_space<hbm>> -> memref<1x2x4096xf32, #tpu.memory_space<hbm>>
    %dma_start3A_56 = tpu.memref_squeeze %dma_start3A_55 : memref<1x2x4096xf32, #tpu.memory_space<hbm>> -> memref<2x4096xf32, #tpu.memory_space<hbm>>
    %dma_start3A_57 = tpu.memref_slice %arg8[%dma_start3A_48, %dma_start3A_49] : memref<4x2x!tpu.dma_semaphore, #tpu.memory_space<semaphore_mem>> -> memref<1x1x!tpu.dma_semaphore, #tpu.memory_space<semaphore_mem>>
    %dma_start3A_58 = tpu.memref_squeeze %dma_start3A_57 : memref<1x1x!tpu.dma_semaphore, #tpu.memory_space<semaphore_mem>> -> memref<!tpu.dma_semaphore, #tpu.memory_space<semaphore_mem>>
    %dma_start3A_59 = arith.constant 0 : i32
    %dma_start3A_60 = arith.constant 0 : i32
    %dma_start3A_61 = tpu.memref_slice %arg6[%dma_start3A_46, %dma_start3A_47, %dma_start3A_59, %dma_start3A_60] : memref<4x2x2x4096xf32, #tpu.memory_space<vmem>> -> memref<1x1x2x4096xf32, #tpu.memory_space<vmem>>
    %dma_start3A_62 = tpu.memref_squeeze %dma_start3A_61 : memref<1x1x2x4096xf32, #tpu.memory_space<vmem>> -> memref<2x4096xf32, #tpu.memory_space<vmem>>
    %dma_start3A_63 = arith.constant 0 : i32
    %dma_start3A_64 = tpu.memref_slice %arg2[%dma_start3A_45, %add3A_44, %dma_start3A_63] : memref<4x2048x4096xf32, #tpu.memory_space<hbm>> -> memref<1x2x4096xf32, #tpu.memory_space<hbm>>
    %dma_start3A_65 = tpu.memref_squeeze %dma_start3A_64 : memref<1x2x4096xf32, #tpu.memory_space<hbm>> -> memref<2x4096xf32, #tpu.memory_space<hbm>>
    tpu.enqueue_dma source(%dma_start3A_65 : memref<2x4096xf32, #tpu.memory_space<hbm>>) target(%dma_start3A_62 : memref<2x4096xf32, #tpu.memory_space<vmem>>) target_semaphore(%dma_start3A_58 : memref<!tpu.dma_semaphore, #tpu.memory_space<semaphore_mem>>)
    %add3A_66 = arith.constant 0 : i32
    %add3A_67 = arith.addi %mul3A_2, %add3A_66 : i32
    %dma_start3A_68 = arith.constant 2 : i32
    %dma_start3A_69 = arith.constant 2 : i32
    %dma_start3A_70 = arith.constant 0 : i32
    %dma_start3A_71 = arith.constant 2 : i32
    %dma_start3A_72 = arith.constant 0 : i32
    %dma_start3A_73 = arith.constant 0 : i32
    %dma_start3A_74 = arith.constant 0 : i32
    %dma_start3A_75 = tpu.memref_slice %arg6[%dma_start3A_69, %dma_start3A_70, %dma_start3A_73, %dma_start3A_74] : memref<4x2x2x4096xf32, #tpu.memory_space<vmem>> -> memref<1x1x2x4096xf32, #tpu.memory_space<vmem>>
    %dma_start3A_76 = tpu.memref_squeeze %dma_start3A_75 : memref<1x1x2x4096xf32, #tpu.memory_space<vmem>> -> memref<2x4096xf32, #tpu.memory_space<vmem>>
    %dma_start3A_77 = arith.constant 0 : i32
    %dma_start3A_78 = tpu.memref_slice %arg2[%dma_start3A_68, %add3A_67, %dma_start3A_77] : memref<4x2048x4096xf32, #tpu.memory_space<hbm>> -> memref<1x2x4096xf32, #tpu.memory_space<hbm>>
    %dma_start3A_79 = tpu.memref_squeeze %dma_start3A_78 : memref<1x2x4096xf32, #tpu.memory_space<hbm>> -> memref<2x4096xf32, #tpu.memory_space<hbm>>
    %dma_start3A_80 = tpu.memref_slice %arg8[%dma_start3A_71, %dma_start3A_72] : memref<4x2x!tpu.dma_semaphore, #tpu.memory_space<semaphore_mem>> -> memref<1x1x!tpu.dma_semaphore, #tpu.memory_space<semaphore_mem>>
    %dma_start3A_81 = tpu.memref_squeeze %dma_start3A_80 : memref<1x1x!tpu.dma_semaphore, #tpu.memory_space<semaphore_mem>> -> memref<!tpu.dma_semaphore, #tpu.memory_space<semaphore_mem>>
    %dma_start3A_82 = arith.constant 0 : i32
    %dma_start3A_83 = arith.constant 0 : i32
    %dma_start3A_84 = tpu.memref_slice %arg6[%dma_start3A_69, %dma_start3A_70, %dma_start3A_82, %dma_start3A_83] : memref<4x2x2x4096xf32, #tpu.memory_space<vmem>> -> memref<1x1x2x4096xf32, #tpu.memory_space<vmem>>
    %dma_start3A_85 = tpu.memref_squeeze %dma_start3A_84 : memref<1x1x2x4096xf32, #tpu.memory_space<vmem>> -> memref<2x4096xf32, #tpu.memory_space<vmem>>
    %dma_start3A_86 = arith.constant 0 : i32
    %dma_start3A_87 = tpu.memref_slice %arg2[%dma_start3A_68, %add3A_67, %dma_start3A_86] : memref<4x2048x4096xf32, #tpu.memory_space<hbm>> -> memref<1x2x4096xf32, #tpu.memory_space<hbm>>
    %dma_start3A_88 = tpu.memref_squeeze %dma_start3A_87 : memref<1x2x4096xf32, #tpu.memory_space<hbm>> -> memref<2x4096xf32, #tpu.memory_space<hbm>>
    tpu.enqueue_dma source(%dma_start3A_88 : memref<2x4096xf32, #tpu.memory_space<hbm>>) target(%dma_start3A_85 : memref<2x4096xf32, #tpu.memory_space<vmem>>) target_semaphore(%dma_start3A_81 : memref<!tpu.dma_semaphore, #tpu.memory_space<semaphore_mem>>)
    %add3A_89 = arith.constant 0 : i32
    %add3A_90 = arith.addi %mul3A_2, %add3A_89 : i32
    %dma_start3A_91 = arith.constant 3 : i32
    %dma_start3A_92 = arith.constant 3 : i32
    %dma_start3A_93 = arith.constant 0 : i32
    %dma_start3A_94 = arith.constant 3 : i32
    %dma_start3A_95 = arith.constant 0 : i32
    %dma_start3A_96 = arith.constant 0 : i32
    %dma_start3A_97 = arith.constant 0 : i32
    %dma_start3A_98 = tpu.memref_slice %arg6[%dma_start3A_92, %dma_start3A_93, %dma_start3A_96, %dma_start3A_97] : memref<4x2x2x4096xf32, #tpu.memory_space<vmem>> -> memref<1x1x2x4096xf32, #tpu.memory_space<vmem>>
    %dma_start3A_99 = tpu.memref_squeeze %dma_start3A_98 : memref<1x1x2x4096xf32, #tpu.memory_space<vmem>> -> memref<2x4096xf32, #tpu.memory_space<vmem>>
    %dma_start3A_100 = arith.constant 0 : i32
    %dma_start3A_101 = tpu.memref_slice %arg2[%dma_start3A_91, %add3A_90, %dma_start3A_100] : memref<4x2048x4096xf32, #tpu.memory_space<hbm>> -> memref<1x2x4096xf32, #tpu.memory_space<hbm>>
    %dma_start3A_102 = tpu.memref_squeeze %dma_start3A_101 : memref<1x2x4096xf32, #tpu.memory_space<hbm>> -> memref<2x4096xf32, #tpu.memory_space<hbm>>
    %dma_start3A_103 = tpu.memref_slice %arg8[%dma_start3A_94, %dma_start3A_95] : memref<4x2x!tpu.dma_semaphore, #tpu.memory_space<semaphore_mem>> -> memref<1x1x!tpu.dma_semaphore, #tpu.memory_space<semaphore_mem>>
    %dma_start3A_104 = tpu.memref_squeeze %dma_start3A_103 : memref<1x1x!tpu.dma_semaphore, #tpu.memory_space<semaphore_mem>> -> memref<!tpu.dma_semaphore, #tpu.memory_space<semaphore_mem>>
    %dma_start3A_105 = arith.constant 0 : i32
    %dma_start3A_106 = arith.constant 0 : i32
    %dma_start3A_107 = tpu.memref_slice %arg6[%dma_start3A_92, %dma_start3A_93, %dma_start3A_105, %dma_start3A_106] : memref<4x2x2x4096xf32, #tpu.memory_space<vmem>> -> memref<1x1x2x4096xf32, #tpu.memory_space<vmem>>
    %dma_start3A_108 = tpu.memref_squeeze %dma_start3A_107 : memref<1x1x2x4096xf32, #tpu.memory_space<vmem>> -> memref<2x4096xf32, #tpu.memory_space<vmem>>
    %dma_start3A_109 = arith.constant 0 : i32
    %dma_start3A_110 = tpu.memref_slice %arg2[%dma_start3A_91, %add3A_90, %dma_start3A_109] : memref<4x2048x4096xf32, #tpu.memory_space<hbm>> -> memref<1x2x4096xf32, #tpu.memory_space<hbm>>
    %dma_start3A_111 = tpu.memref_squeeze %dma_start3A_110 : memref<1x2x4096xf32, #tpu.memory_space<hbm>> -> memref<2x4096xf32, #tpu.memory_space<hbm>>
    tpu.enqueue_dma source(%dma_start3A_111 : memref<2x4096xf32, #tpu.memory_space<hbm>>) target(%dma_start3A_108 : memref<2x4096xf32, #tpu.memory_space<vmem>>) target_semaphore(%dma_start3A_104 : memref<!tpu.dma_semaphore, #tpu.memory_space<semaphore_mem>>)
    %scan3A = arith.constant 0 : i32
    %scan3A_112 = arith.constant 0 : i32
    %scan3A_113 = arith.constant 16 : i32
    %scan3A_114 = arith.addi %scan3A_112, %scan3A_113 : i32
    %scan3A_115 = arith.constant 1 : i32
    %scan3A_116 = scf.for %scan3A_301 = %scan3A_112 to %scan3A_114 step %scan3A_115 iter_args(%scan3A_302 = %scan3A) -> (i32)  : i32 {
      %mul3A_303 = arith.constant 2 : i32
      %mul3A_304 = arith.muli %scan3A_301, %mul3A_303 : i32
      %add3A_305 = arith.constant 0 : i32
      %add3A_306 = arith.addi %mul3A_304, %add3A_305 : i32
      %mul3A_307 = arith.constant 2 : i32
      %mul3A_308 = arith.muli %add3A_306, %mul3A_307 : i32
      %add3A_309 = arith.addi %mul3A_2, %mul3A_308 : i32
      %dma_wait3A_310 = arith.constant 0 : i32
      %dma_wait3A_311 = arith.constant 0 : i32
      %dma_wait3A_312 = arith.constant 0 : i32
      %dma_wait3A_313 = arith.constant 0 : i32
      %dma_wait3A_314 = tpu.memref_slice %arg5[%dma_wait3A_310, %dma_wait3A_312, %dma_wait3A_313] : memref<2x2x4096xf32, #tpu.memory_space<vmem>> -> memref<1x2x4096xf32, #tpu.memory_space<vmem>>
      %dma_wait3A_315 = tpu.memref_squeeze %dma_wait3A_314 : memref<1x2x4096xf32, #tpu.memory_space<vmem>> -> memref<2x4096xf32, #tpu.memory_space<vmem>>
      %dma_wait3A_316 = arith.constant 0 : i32
      %dma_wait3A_317 = tpu.memref_slice %arg3[%add3A_309, %dma_wait3A_316] : memref<2048x4096xf32, #tpu.memory_space<hbm>> -> memref<2x4096xf32, #tpu.memory_space<hbm>>
      %dma_wait3A_318 = tpu.memref_slice %arg7[%dma_wait3A_311] : memref<2x!tpu.dma_semaphore, #tpu.memory_space<semaphore_mem>> -> memref<1x!tpu.dma_semaphore, #tpu.memory_space<semaphore_mem>>
      %dma_wait3A_319 = tpu.memref_squeeze %dma_wait3A_318 : memref<1x!tpu.dma_semaphore, #tpu.memory_space<semaphore_mem>> -> memref<!tpu.dma_semaphore, #tpu.memory_space<semaphore_mem>>
      %dma_wait3A_320 = arith.constant 0 : i32
      %dma_wait3A_321 = arith.constant 0 : i32
      %dma_wait3A_322 = tpu.memref_slice %arg5[%dma_wait3A_310, %dma_wait3A_320, %dma_wait3A_321] : memref<2x2x4096xf32, #tpu.memory_space<vmem>> -> memref<1x2x4096xf32, #tpu.memory_space<vmem>>
      %dma_wait3A_323 = tpu.memref_squeeze %dma_wait3A_322 : memref<1x2x4096xf32, #tpu.memory_space<vmem>> -> memref<2x4096xf32, #tpu.memory_space<vmem>>
      %dma_wait3A_324 = arith.constant 0 : i32
      %dma_wait3A_325 = tpu.memref_slice %arg3[%add3A_309, %dma_wait3A_324] : memref<2048x4096xf32, #tpu.memory_space<hbm>> -> memref<2x4096xf32, #tpu.memory_space<hbm>>
      tpu.wait_dma2 semaphore(%dma_wait3A_319 : memref<!tpu.dma_semaphore, #tpu.memory_space<semaphore_mem>>) src(%dma_wait3A_325 : memref<2x4096xf32, #tpu.memory_space<hbm>>) dst(%dma_wait3A_323 : memref<2x4096xf32, #tpu.memory_space<vmem>>)
      %add3A_326 = arith.constant 1 : i32
      %add3A_327 = arith.addi %add3A_306, %add3A_326 : i32
      %lt3A = arith.constant 32 : i32
      %lt3A_328 = arith.cmpi slt, %add3A_327, %lt3A : i32
      %convert_element_type3A = arith.extui %lt3A_328 : i1 to i32
      %cond3A = arith.constant 0 : i32
      %cond3A_329 = arith.cmpi ne, %convert_element_type3A, %cond3A : i32
      scf.if %cond3A_329 {
        %add3A_824 = arith.constant 1 : i32
        %add3A_825 = arith.addi %add3A_306, %add3A_824 : i32
        %mul3A_826 = arith.constant 2 : i32
        %mul3A_827 = arith.muli %add3A_825, %mul3A_826 : i32
        %add3A_828 = arith.addi %mul3A_2, %mul3A_827 : i32
        %dma_start3A_829 = arith.constant 1 : i32
        %dma_start3A_830 = arith.constant 1 : i32
        %dma_start3A_831 = arith.constant 0 : i32
        %dma_start3A_832 = arith.constant 0 : i32
        %dma_start3A_833 = tpu.memref_slice %arg5[%dma_start3A_829, %dma_start3A_831, %dma_start3A_832] : memref<2x2x4096xf32, #tpu.memory_space<vmem>> -> memref<1x2x4096xf32, #tpu.memory_space<vmem>>
        %dma_start3A_834 = tpu.memref_squeeze %dma_start3A_833 : memref<1x2x4096xf32, #tpu.memory_space<vmem>> -> memref<2x4096xf32, #tpu.memory_space<vmem>>
        %dma_start3A_835 = arith.constant 0 : i32
        %dma_start3A_836 = tpu.memref_slice %arg3[%add3A_828, %dma_start3A_835] : memref<2048x4096xf32, #tpu.memory_space<hbm>> -> memref<2x4096xf32, #tpu.memory_space<hbm>>
        %dma_start3A_837 = tpu.memref_slice %arg7[%dma_start3A_830] : memref<2x!tpu.dma_semaphore, #tpu.memory_space<semaphore_mem>> -> memref<1x!tpu.dma_semaphore, #tpu.memory_space<semaphore_mem>>
        %dma_start3A_838 = tpu.memref_squeeze %dma_start3A_837 : memref<1x!tpu.dma_semaphore, #tpu.memory_space<semaphore_mem>> -> memref<!tpu.dma_semaphore, #tpu.memory_space<semaphore_mem>>
        %dma_start3A_839 = arith.constant 0 : i32
        %dma_start3A_840 = arith.constant 0 : i32
        %dma_start3A_841 = tpu.memref_slice %arg5[%dma_start3A_829, %dma_start3A_839, %dma_start3A_840] : memref<2x2x4096xf32, #tpu.memory_space<vmem>> -> memref<1x2x4096xf32, #tpu.memory_space<vmem>>
        %dma_start3A_842 = tpu.memref_squeeze %dma_start3A_841 : memref<1x2x4096xf32, #tpu.memory_space<vmem>> -> memref<2x4096xf32, #tpu.memory_space<vmem>>
        %dma_start3A_843 = arith.constant 0 : i32
        %dma_start3A_844 = tpu.memref_slice %arg3[%add3A_828, %dma_start3A_843] : memref<2048x4096xf32, #tpu.memory_space<hbm>> -> memref<2x4096xf32, #tpu.memory_space<hbm>>
        tpu.enqueue_dma source(%dma_start3A_844 : memref<2x4096xf32, #tpu.memory_space<hbm>>) target(%dma_start3A_842 : memref<2x4096xf32, #tpu.memory_space<vmem>>) target_semaphore(%dma_start3A_838 : memref<!tpu.dma_semaphore, #tpu.memory_space<semaphore_mem>>)
      } else {
      }
      %mul3A_330 = arith.constant 2 : i32
      %mul3A_331 = arith.muli %add3A_306, %mul3A_330 : i32
      %add3A_332 = arith.addi %mul3A_2, %mul3A_331 : i32
      %dma_wait3A_333 = arith.constant 0 : i32
      %dma_wait3A_334 = arith.constant 0 : i32
      %dma_wait3A_335 = arith.constant 0 : i32
      %dma_wait3A_336 = arith.constant 0 : i32
      %dma_wait3A_337 = arith.constant 0 : i32
      %dma_wait3A_338 = arith.constant 0 : i32
      %dma_wait3A_339 = arith.constant 0 : i32
      %dma_wait3A_340 = tpu.memref_slice %arg6[%dma_wait3A_334, %dma_wait3A_335, %dma_wait3A_338, %dma_wait3A_339] : memref<4x2x2x4096xf32, #tpu.memory_space<vmem>> -> memref<1x1x2x4096xf32, #tpu.memory_space<vmem>>
      %dma_wait3A_341 = tpu.memref_squeeze %dma_wait3A_340 : memref<1x1x2x4096xf32, #tpu.memory_space<vmem>> -> memref<2x4096xf32, #tpu.memory_space<vmem>>
      %dma_wait3A_342 = arith.constant 0 : i32
      %dma_wait3A_343 = tpu.memref_slice %arg2[%dma_wait3A_333, %add3A_332, %dma_wait3A_342] : memref<4x2048x4096xf32, #tpu.memory_space<hbm>> -> memref<1x2x4096xf32, #tpu.memory_space<hbm>>
      %dma_wait3A_344 = tpu.memref_squeeze %dma_wait3A_343 : memref<1x2x4096xf32, #tpu.memory_space<hbm>> -> memref<2x4096xf32, #tpu.memory_space<hbm>>
      %dma_wait3A_345 = tpu.memref_slice %arg8[%dma_wait3A_336, %dma_wait3A_337] : memref<4x2x!tpu.dma_semaphore, #tpu.memory_space<semaphore_mem>> -> memref<1x1x!tpu.dma_semaphore, #tpu.memory_space<semaphore_mem>>
      %dma_wait3A_346 = tpu.memref_squeeze %dma_wait3A_345 : memref<1x1x!tpu.dma_semaphore, #tpu.memory_space<semaphore_mem>> -> memref<!tpu.dma_semaphore, #tpu.memory_space<semaphore_mem>>
      %dma_wait3A_347 = arith.constant 0 : i32
      %dma_wait3A_348 = arith.constant 0 : i32
      %dma_wait3A_349 = tpu.memref_slice %arg6[%dma_wait3A_334, %dma_wait3A_335, %dma_wait3A_347, %dma_wait3A_348] : memref<4x2x2x4096xf32, #tpu.memory_space<vmem>> -> memref<1x1x2x4096xf32, #tpu.memory_space<vmem>>
      %dma_wait3A_350 = tpu.memref_squeeze %dma_wait3A_349 : memref<1x1x2x4096xf32, #tpu.memory_space<vmem>> -> memref<2x4096xf32, #tpu.memory_space<vmem>>
      %dma_wait3A_351 = arith.constant 0 : i32
      %dma_wait3A_352 = tpu.memref_slice %arg2[%dma_wait3A_333, %add3A_332, %dma_wait3A_351] : memref<4x2048x4096xf32, #tpu.memory_space<hbm>> -> memref<1x2x4096xf32, #tpu.memory_space<hbm>>
      %dma_wait3A_353 = tpu.memref_squeeze %dma_wait3A_352 : memref<1x2x4096xf32, #tpu.memory_space<hbm>> -> memref<2x4096xf32, #tpu.memory_space<hbm>>
      tpu.wait_dma2 semaphore(%dma_wait3A_346 : memref<!tpu.dma_semaphore, #tpu.memory_space<semaphore_mem>>) src(%dma_wait3A_353 : memref<2x4096xf32, #tpu.memory_space<hbm>>) dst(%dma_wait3A_350 : memref<2x4096xf32, #tpu.memory_space<vmem>>)
      %add3A_354 = arith.constant 1 : i32
      %add3A_355 = arith.addi %add3A_306, %add3A_354 : i32
      %lt3A_356 = arith.constant 32 : i32
      %lt3A_357 = arith.cmpi slt, %add3A_355, %lt3A_356 : i32
      %convert_element_type3A_358 = arith.extui %lt3A_357 : i1 to i32
      %cond3A_359 = arith.constant 0 : i32
      %cond3A_360 = arith.cmpi ne, %convert_element_type3A_358, %cond3A_359 : i32
      scf.if %cond3A_360 {
        %ge3A = arith.constant 1 : i32
        %ge3A_824 = arith.cmpi sge, %add3A_306, %ge3A : i32
        %convert_element_type3A_825 = arith.extui %ge3A_824 : i1 to i32
        %cond3A_826 = arith.constant 0 : i32
        %cond3A_827 = arith.cmpi ne, %convert_element_type3A_825, %cond3A_826 : i32
        scf.if %cond3A_827 {
          %sub3A = arith.constant 1 : i32
          %sub3A_854 = arith.subi %add3A_306, %sub3A : i32
          %mul3A_855 = arith.constant 2 : i32
          %mul3A_856 = arith.muli %sub3A_854, %mul3A_855 : i32
          %add3A_857 = arith.addi %mul3A_2, %mul3A_856 : i32
          %dma_wait3A_858 = arith.constant 0 : i32
          %dma_wait3A_859 = arith.constant 1 : i32
          %dma_wait3A_860 = arith.constant 0 : i32
          %dma_wait3A_861 = arith.constant 0 : i32
          %dma_wait3A_862 = arith.constant 1 : i32
          %dma_wait3A_863 = arith.constant 0 : i32
          %dma_wait3A_864 = arith.constant 0 : i32
          %dma_wait3A_865 = tpu.memref_slice %arg6[%dma_wait3A_858, %dma_wait3A_859, %dma_wait3A_863, %dma_wait3A_864] : memref<4x2x2x4096xf32, #tpu.memory_space<vmem>> -> memref<1x1x2x4096xf32, #tpu.memory_space<vmem>>
          %dma_wait3A_866 = tpu.memref_squeeze %dma_wait3A_865 : memref<1x1x2x4096xf32, #tpu.memory_space<vmem>> -> memref<2x4096xf32, #tpu.memory_space<vmem>>
          %dma_wait3A_867 = arith.constant 0 : i32
          %dma_wait3A_868 = tpu.memref_slice %arg4[%dma_wait3A_860, %add3A_857, %dma_wait3A_867] : memref<4x2048x4096xf32, #tpu.memory_space<hbm>> -> memref<1x2x4096xf32, #tpu.memory_space<hbm>>
          %dma_wait3A_869 = tpu.memref_squeeze %dma_wait3A_868 : memref<1x2x4096xf32, #tpu.memory_space<hbm>> -> memref<2x4096xf32, #tpu.memory_space<hbm>>
          %dma_wait3A_870 = tpu.memref_slice %arg9[%dma_wait3A_861, %dma_wait3A_862] : memref<4x2x!tpu.dma_semaphore, #tpu.memory_space<semaphore_mem>> -> memref<1x1x!tpu.dma_semaphore, #tpu.memory_space<semaphore_mem>>
          %dma_wait3A_871 = tpu.memref_squeeze %dma_wait3A_870 : memref<1x1x!tpu.dma_semaphore, #tpu.memory_space<semaphore_mem>> -> memref<!tpu.dma_semaphore, #tpu.memory_space<semaphore_mem>>
          %dma_wait3A_872 = arith.constant 0 : i32
          %dma_wait3A_873 = tpu.memref_slice %arg4[%dma_wait3A_860, %add3A_857, %dma_wait3A_872] : memref<4x2048x4096xf32, #tpu.memory_space<hbm>> -> memref<1x2x4096xf32, #tpu.memory_space<hbm>>
          %dma_wait3A_874 = tpu.memref_squeeze %dma_wait3A_873 : memref<1x2x4096xf32, #tpu.memory_space<hbm>> -> memref<2x4096xf32, #tpu.memory_space<hbm>>
          %dma_wait3A_875 = arith.constant 0 : i32
          %dma_wait3A_876 = arith.constant 0 : i32
          %dma_wait3A_877 = tpu.memref_slice %arg6[%dma_wait3A_858, %dma_wait3A_859, %dma_wait3A_875, %dma_wait3A_876] : memref<4x2x2x4096xf32, #tpu.memory_space<vmem>> -> memref<1x1x2x4096xf32, #tpu.memory_space<vmem>>
          %dma_wait3A_878 = tpu.memref_squeeze %dma_wait3A_877 : memref<1x1x2x4096xf32, #tpu.memory_space<vmem>> -> memref<2x4096xf32, #tpu.memory_space<vmem>>
          tpu.wait_dma2 semaphore(%dma_wait3A_871 : memref<!tpu.dma_semaphore, #tpu.memory_space<semaphore_mem>>) src(%dma_wait3A_878 : memref<2x4096xf32, #tpu.memory_space<vmem>>) dst(%dma_wait3A_874 : memref<2x4096xf32, #tpu.memory_space<hbm>>)
        } else {
        }
        %add3A_828 = arith.constant 1 : i32
        %add3A_829 = arith.addi %add3A_306, %add3A_828 : i32
        %mul3A_830 = arith.constant 2 : i32
        %mul3A_831 = arith.muli %add3A_829, %mul3A_830 : i32
        %add3A_832 = arith.addi %mul3A_2, %mul3A_831 : i32
        %dma_start3A_833 = arith.constant 0 : i32
        %dma_start3A_834 = arith.constant 0 : i32
        %dma_start3A_835 = arith.constant 1 : i32
        %dma_start3A_836 = arith.constant 0 : i32
        %dma_start3A_837 = arith.constant 1 : i32
        %dma_start3A_838 = arith.constant 0 : i32
        %dma_start3A_839 = arith.constant 0 : i32
        %dma_start3A_840 = tpu.memref_slice %arg6[%dma_start3A_834, %dma_start3A_835, %dma_start3A_838, %dma_start3A_839] : memref<4x2x2x4096xf32, #tpu.memory_space<vmem>> -> memref<1x1x2x4096xf32, #tpu.memory_space<vmem>>
        %dma_start3A_841 = tpu.memref_squeeze %dma_start3A_840 : memref<1x1x2x4096xf32, #tpu.memory_space<vmem>> -> memref<2x4096xf32, #tpu.memory_space<vmem>>
        %dma_start3A_842 = arith.constant 0 : i32
        %dma_start3A_843 = tpu.memref_slice %arg2[%dma_start3A_833, %add3A_832, %dma_start3A_842] : memref<4x2048x4096xf32, #tpu.memory_space<hbm>> -> memref<1x2x4096xf32, #tpu.memory_space<hbm>>
        %dma_start3A_844 = tpu.memref_squeeze %dma_start3A_843 : memref<1x2x4096xf32, #tpu.memory_space<hbm>> -> memref<2x4096xf32, #tpu.memory_space<hbm>>
        %dma_start3A_845 = tpu.memref_slice %arg8[%dma_start3A_836, %dma_start3A_837] : memref<4x2x!tpu.dma_semaphore, #tpu.memory_space<semaphore_mem>> -> memref<1x1x!tpu.dma_semaphore, #tpu.memory_space<semaphore_mem>>
        %dma_start3A_846 = tpu.memref_squeeze %dma_start3A_845 : memref<1x1x!tpu.dma_semaphore, #tpu.memory_space<semaphore_mem>> -> memref<!tpu.dma_semaphore, #tpu.memory_space<semaphore_mem>>
        %dma_start3A_847 = arith.constant 0 : i32
        %dma_start3A_848 = arith.constant 0 : i32
        %dma_start3A_849 = tpu.memref_slice %arg6[%dma_start3A_834, %dma_start3A_835, %dma_start3A_847, %dma_start3A_848] : memref<4x2x2x4096xf32, #tpu.memory_space<vmem>> -> memref<1x1x2x4096xf32, #tpu.memory_space<vmem>>
        %dma_start3A_850 = tpu.memref_squeeze %dma_start3A_849 : memref<1x1x2x4096xf32, #tpu.memory_space<vmem>> -> memref<2x4096xf32, #tpu.memory_space<vmem>>
        %dma_start3A_851 = arith.constant 0 : i32
        %dma_start3A_852 = tpu.memref_slice %arg2[%dma_start3A_833, %add3A_832, %dma_start3A_851] : memref<4x2048x4096xf32, #tpu.memory_space<hbm>> -> memref<1x2x4096xf32, #tpu.memory_space<hbm>>
        %dma_start3A_853 = tpu.memref_squeeze %dma_start3A_852 : memref<1x2x4096xf32, #tpu.memory_space<hbm>> -> memref<2x4096xf32, #tpu.memory_space<hbm>>
        tpu.enqueue_dma source(%dma_start3A_853 : memref<2x4096xf32, #tpu.memory_space<hbm>>) target(%dma_start3A_850 : memref<2x4096xf32, #tpu.memory_space<vmem>>) target_semaphore(%dma_start3A_846 : memref<!tpu.dma_semaphore, #tpu.memory_space<semaphore_mem>>)
      } else {
      }
      %parallel_loop3A = arith.constant 0 : i32
      %parallel_loop3A_361 = arith.constant 512 : i32
      %parallel_loop3A_362 = arith.constant 1 : i32
      scf.for %parallel_loop3A_824 = %parallel_loop3A to %parallel_loop3A_361 step %parallel_loop3A_362  : i32 {
        %parallel_loop3A_825 = arith.constant 256 : i32
        %parallel_loop3A_826 = arith.divsi %parallel_loop3A_824, %parallel_loop3A_825 : i32
        %parallel_loop3A_827 = arith.constant 0 : i32
        %parallel_loop3A_828 = arith.cmpi sgt, %parallel_loop3A_824, %parallel_loop3A_827 : i32
        %parallel_loop3A_829 = arith.extui %parallel_loop3A_828 : i1 to i32
        %parallel_loop3A_830 = arith.constant 0 : i32
        %parallel_loop3A_831 = arith.cmpi slt, %parallel_loop3A_824, %parallel_loop3A_830 : i32
        %parallel_loop3A_832 = arith.extui %parallel_loop3A_831 : i1 to i32
        %parallel_loop3A_833 = arith.subi %parallel_loop3A_829, %parallel_loop3A_832 : i32
        %parallel_loop3A_834 = arith.constant 0 : i32
        %parallel_loop3A_835 = arith.cmpi sgt, %parallel_loop3A_825, %parallel_loop3A_834 : i32
        %parallel_loop3A_836 = arith.extui %parallel_loop3A_835 : i1 to i32
        %parallel_loop3A_837 = arith.constant 0 : i32
        %parallel_loop3A_838 = arith.cmpi slt, %parallel_loop3A_825, %parallel_loop3A_837 : i32
        %parallel_loop3A_839 = arith.extui %parallel_loop3A_838 : i1 to i32
        %parallel_loop3A_840 = arith.subi %parallel_loop3A_836, %parallel_loop3A_839 : i32
        %parallel_loop3A_841 = arith.cmpi ne, %parallel_loop3A_833, %parallel_loop3A_840 : i32
        %parallel_loop3A_842 = arith.remsi %parallel_loop3A_824, %parallel_loop3A_825 : i32
        %parallel_loop3A_843 = arith.constant 0 : i32
        %parallel_loop3A_844 = arith.cmpi ne, %parallel_loop3A_842, %parallel_loop3A_843 : i32
        %parallel_loop3A_845 = arith.andi %parallel_loop3A_841, %parallel_loop3A_844 : i1
        %parallel_loop3A_846 = arith.constant 1 : i32
        %parallel_loop3A_847 = arith.subi %parallel_loop3A_826, %parallel_loop3A_846 : i32
        %parallel_loop3A_848 = arith.select %parallel_loop3A_845, %parallel_loop3A_847, %parallel_loop3A_826 : i32
        %parallel_loop3A_849 = arith.constant 256 : i32
        %parallel_loop3A_850 = arith.constant 0 : i32
        %parallel_loop3A_851 = arith.cmpi eq, %parallel_loop3A_849, %parallel_loop3A_850 : i32
        %parallel_loop3A_852 = arith.constant 1 : i32
        %parallel_loop3A_853 = arith.select %parallel_loop3A_851, %parallel_loop3A_852, %parallel_loop3A_849 : i32
        %parallel_loop3A_854 = arith.remsi %parallel_loop3A_824, %parallel_loop3A_853 : i32
        %parallel_loop3A_855 = arith.constant 0 : i32
        %parallel_loop3A_856 = arith.cmpi ne, %parallel_loop3A_854, %parallel_loop3A_855 : i32
        %parallel_loop3A_857 = arith.constant 0 : i32
        %parallel_loop3A_858 = arith.cmpi slt, %parallel_loop3A_854, %parallel_loop3A_857 : i32
        %parallel_loop3A_859 = arith.constant 0 : i32
        %parallel_loop3A_860 = arith.cmpi slt, %parallel_loop3A_853, %parallel_loop3A_859 : i32
        %parallel_loop3A_861 = arith.xori %parallel_loop3A_858, %parallel_loop3A_860 : i1
        %parallel_loop3A_862 = arith.andi %parallel_loop3A_861, %parallel_loop3A_856 : i1
        %parallel_loop3A_863 = arith.addi %parallel_loop3A_854, %parallel_loop3A_853 : i32
        %parallel_loop3A_864 = arith.select %parallel_loop3A_862, %parallel_loop3A_863, %parallel_loop3A_854 : i32
        %parallel_loop3A_865 = arith.constant 16 : i32
        %parallel_loop3A_866 = arith.muli %parallel_loop3A_864, %parallel_loop3A_865 : i32
        %parallel_loop3A_867 = arith.constant 0 : i32
        %parallel_loop3A_868 = arith.index_cast %parallel_loop3A_867 : i32 to index
        %parallel_loop3A_869 = arith.index_cast %parallel_loop3A_848 : i32 to index
        %parallel_loop3A_870 = arith.index_cast %parallel_loop3A_866 : i32 to index
        %parallel_loop3A_871 = tpu.vector_load %arg5[%parallel_loop3A_868, %parallel_loop3A_869, %parallel_loop3A_870] {strides = array<i32>} : memref<2x2x4096xf32, #tpu.memory_space<vmem>>, vector<1x1x16xf32>,
        %parallel_loop3A_872 = vector.shape_cast %parallel_loop3A_871 : vector<1x1x16xf32> to vector<16xf32>
        %parallel_loop3A_873 = arith.constant 0 : i32
        %parallel_loop3A_874 = arith.constant 0 : i32
        %parallel_loop3A_875 = arith.index_cast %parallel_loop3A_873 : i32 to index
        %parallel_loop3A_876 = arith.index_cast %parallel_loop3A_874 : i32 to index
        %parallel_loop3A_877 = arith.index_cast %parallel_loop3A_848 : i32 to index
        %parallel_loop3A_878 = arith.index_cast %parallel_loop3A_866 : i32 to index
        %parallel_loop3A_879 = tpu.vector_load %arg6[%parallel_loop3A_875, %parallel_loop3A_876, %parallel_loop3A_877, %parallel_loop3A_878] {strides = array<i32>} : memref<4x2x2x4096xf32, #tpu.memory_space<vmem>>, vector<1x1x1x16xf32>,
        %parallel_loop3A_880 = vector.shape_cast %parallel_loop3A_879 : vector<1x1x1x16xf32> to vector<16xf32>
        %parallel_loop3A_881 = vector.shape_cast %parallel_loop3A_872 : vector<16xf32> to vector<1x1x1x16xf32>
        tpu.vector_store %arg6[%parallel_loop3A_875, %parallel_loop3A_876, %parallel_loop3A_877, %parallel_loop3A_878], %parallel_loop3A_881 {add = true, strides = array<i32>} : memref<4x2x2x4096xf32, #tpu.memory_space<vmem>>, vector<1x1x1x16xf32>,
      } {sc.loop_unroll_factor = 8 : i64, sc.parallel_access}
      %mul3A_363 = arith.constant 2 : i32
      %mul3A_364 = arith.muli %add3A_306, %mul3A_363 : i32
      %add3A_365 = arith.addi %mul3A_2, %mul3A_364 : i32
      %dma_start3A_366 = arith.constant 0 : i32
      %dma_start3A_367 = arith.constant 0 : i32
      %dma_start3A_368 = arith.constant 0 : i32
      %dma_start3A_369 = arith.constant 0 : i32
      %dma_start3A_370 = arith.constant 0 : i32
      %dma_start3A_371 = arith.constant 0 : i32
      %dma_start3A_372 = arith.constant 0 : i32
      %dma_start3A_373 = tpu.memref_slice %arg6[%dma_start3A_366, %dma_start3A_367, %dma_start3A_371, %dma_start3A_372] : memref<4x2x2x4096xf32, #tpu.memory_space<vmem>> -> memref<1x1x2x4096xf32, #tpu.memory_space<vmem>>
      %dma_start3A_374 = tpu.memref_squeeze %dma_start3A_373 : memref<1x1x2x4096xf32, #tpu.memory_space<vmem>> -> memref<2x4096xf32, #tpu.memory_space<vmem>>
      %dma_start3A_375 = arith.constant 0 : i32
      %dma_start3A_376 = tpu.memref_slice %arg4[%dma_start3A_368, %add3A_365, %dma_start3A_375] : memref<4x2048x4096xf32, #tpu.memory_space<hbm>> -> memref<1x2x4096xf32, #tpu.memory_space<hbm>>
      %dma_start3A_377 = tpu.memref_squeeze %dma_start3A_376 : memref<1x2x4096xf32, #tpu.memory_space<hbm>> -> memref<2x4096xf32, #tpu.memory_space<hbm>>
      %dma_start3A_378 = tpu.memref_slice %arg9[%dma_start3A_369, %dma_start3A_370] : memref<4x2x!tpu.dma_semaphore, #tpu.memory_space<semaphore_mem>> -> memref<1x1x!tpu.dma_semaphore, #tpu.memory_space<semaphore_mem>>
      %dma_start3A_379 = tpu.memref_squeeze %dma_start3A_378 : memref<1x1x!tpu.dma_semaphore, #tpu.memory_space<semaphore_mem>> -> memref<!tpu.dma_semaphore, #tpu.memory_space<semaphore_mem>>
      %dma_start3A_380 = arith.constant 0 : i32
      %dma_start3A_381 = tpu.memref_slice %arg4[%dma_start3A_368, %add3A_365, %dma_start3A_380] : memref<4x2048x4096xf32, #tpu.memory_space<hbm>> -> memref<1x2x4096xf32, #tpu.memory_space<hbm>>
      %dma_start3A_382 = tpu.memref_squeeze %dma_start3A_381 : memref<1x2x4096xf32, #tpu.memory_space<hbm>> -> memref<2x4096xf32, #tpu.memory_space<hbm>>
      %dma_start3A_383 = arith.constant 0 : i32
      %dma_start3A_384 = arith.constant 0 : i32
      %dma_start3A_385 = tpu.memref_slice %arg6[%dma_start3A_366, %dma_start3A_367, %dma_start3A_383, %dma_start3A_384] : memref<4x2x2x4096xf32, #tpu.memory_space<vmem>> -> memref<1x1x2x4096xf32, #tpu.memory_space<vmem>>
      %dma_start3A_386 = tpu.memref_squeeze %dma_start3A_385 : memref<1x1x2x4096xf32, #tpu.memory_space<vmem>> -> memref<2x4096xf32, #tpu.memory_space<vmem>>
      tpu.enqueue_dma source(%dma_start3A_386 : memref<2x4096xf32, #tpu.memory_space<vmem>>) target(%dma_start3A_382 : memref<2x4096xf32, #tpu.memory_space<hbm>>) target_semaphore(%dma_start3A_379 : memref<!tpu.dma_semaphore, #tpu.memory_space<semaphore_mem>>)
      %mul3A_387 = arith.constant 2 : i32
      %mul3A_388 = arith.muli %add3A_306, %mul3A_387 : i32
      %add3A_389 = arith.addi %mul3A_2, %mul3A_388 : i32
      %dma_wait3A_390 = arith.constant 1 : i32
      %dma_wait3A_391 = arith.constant 1 : i32
      %dma_wait3A_392 = arith.constant 0 : i32
      %dma_wait3A_393 = arith.constant 1 : i32
      %dma_wait3A_394 = arith.constant 0 : i32
      %dma_wait3A_395 = arith.constant 0 : i32
      %dma_wait3A_396 = arith.constant 0 : i32
      %dma_wait3A_397 = tpu.memref_slice %arg6[%dma_wait3A_391, %dma_wait3A_392, %dma_wait3A_395, %dma_wait3A_396] : memref<4x2x2x4096xf32, #tpu.memory_space<vmem>> -> memref<1x1x2x4096xf32, #tpu.memory_space<vmem>>
      %dma_wait3A_398 = tpu.memref_squeeze %dma_wait3A_397 : memref<1x1x2x4096xf32, #tpu.memory_space<vmem>> -> memref<2x4096xf32, #tpu.memory_space<vmem>>
      %dma_wait3A_399 = arith.constant 0 : i32
      %dma_wait3A_400 = tpu.memref_slice %arg2[%dma_wait3A_390, %add3A_389, %dma_wait3A_399] : memref<4x2048x4096xf32, #tpu.memory_space<hbm>> -> memref<1x2x4096xf32, #tpu.memory_space<hbm>>
      %dma_wait3A_401 = tpu.memref_squeeze %dma_wait3A_400 : memref<1x2x4096xf32, #tpu.memory_space<hbm>> -> memref<2x4096xf32, #tpu.memory_space<hbm>>
      %dma_wait3A_402 = tpu.memref_slice %arg8[%dma_wait3A_393, %dma_wait3A_394] : memref<4x2x!tpu.dma_semaphore, #tpu.memory_space<semaphore_mem>> -> memref<1x1x!tpu.dma_semaphore, #tpu.memory_space<semaphore_mem>>
      %dma_wait3A_403 = tpu.memref_squeeze %dma_wait3A_402 : memref<1x1x!tpu.dma_semaphore, #tpu.memory_space<semaphore_mem>> -> memref<!tpu.dma_semaphore, #tpu.memory_space<semaphore_mem>>
      %dma_wait3A_404 = arith.constant 0 : i32
      %dma_wait3A_405 = arith.constant 0 : i32
      %dma_wait3A_406 = tpu.memref_slice %arg6[%dma_wait3A_391, %dma_wait3A_392, %dma_wait3A_404, %dma_wait3A_405] : memref<4x2x2x4096xf32, #tpu.memory_space<vmem>> -> memref<1x1x2x4096xf32, #tpu.memory_space<vmem>>
      %dma_wait3A_407 = tpu.memref_squeeze %dma_wait3A_406 : memref<1x1x2x4096xf32, #tpu.memory_space<vmem>> -> memref<2x4096xf32, #tpu.memory_space<vmem>>
      %dma_wait3A_408 = arith.constant 0 : i32
      %dma_wait3A_409 = tpu.memref_slice %arg2[%dma_wait3A_390, %add3A_389, %dma_wait3A_408] : memref<4x2048x4096xf32, #tpu.memory_space<hbm>> -> memref<1x2x4096xf32, #tpu.memory_space<hbm>>
      %dma_wait3A_410 = tpu.memref_squeeze %dma_wait3A_409 : memref<1x2x4096xf32, #tpu.memory_space<hbm>> -> memref<2x4096xf32, #tpu.memory_space<hbm>>
      tpu.wait_dma2 semaphore(%dma_wait3A_403 : memref<!tpu.dma_semaphore, #tpu.memory_space<semaphore_mem>>) src(%dma_wait3A_410 : memref<2x4096xf32, #tpu.memory_space<hbm>>) dst(%dma_wait3A_407 : memref<2x4096xf32, #tpu.memory_space<vmem>>)
      %add3A_411 = arith.constant 1 : i32
      %add3A_412 = arith.addi %add3A_306, %add3A_411 : i32
      %lt3A_413 = arith.constant 32 : i32
      %lt3A_414 = arith.cmpi slt, %add3A_412, %lt3A_413 : i32
      %convert_element_type3A_415 = arith.extui %lt3A_414 : i1 to i32
      %cond3A_416 = arith.constant 0 : i32
      %cond3A_417 = arith.cmpi ne, %convert_element_type3A_415, %cond3A_416 : i32
      scf.if %cond3A_417 {
        %ge3A = arith.constant 1 : i32
        %ge3A_824 = arith.cmpi sge, %add3A_306, %ge3A : i32
        %convert_element_type3A_825 = arith.extui %ge3A_824 : i1 to i32
        %cond3A_826 = arith.constant 0 : i32
        %cond3A_827 = arith.cmpi ne, %convert_element_type3A_825, %cond3A_826 : i32
        scf.if %cond3A_827 {
          %sub3A = arith.constant 1 : i32
          %sub3A_854 = arith.subi %add3A_306, %sub3A : i32
          %mul3A_855 = arith.constant 2 : i32
          %mul3A_856 = arith.muli %sub3A_854, %mul3A_855 : i32
          %add3A_857 = arith.addi %mul3A_2, %mul3A_856 : i32
          %dma_wait3A_858 = arith.constant 1 : i32
          %dma_wait3A_859 = arith.constant 1 : i32
          %dma_wait3A_860 = arith.constant 1 : i32
          %dma_wait3A_861 = arith.constant 1 : i32
          %dma_wait3A_862 = arith.constant 1 : i32
          %dma_wait3A_863 = arith.constant 0 : i32
          %dma_wait3A_864 = arith.constant 0 : i32
          %dma_wait3A_865 = tpu.memref_slice %arg6[%dma_wait3A_858, %dma_wait3A_859, %dma_wait3A_863, %dma_wait3A_864] : memref<4x2x2x4096xf32, #tpu.memory_space<vmem>> -> memref<1x1x2x4096xf32, #tpu.memory_space<vmem>>
          %dma_wait3A_866 = tpu.memref_squeeze %dma_wait3A_865 : memref<1x1x2x4096xf32, #tpu.memory_space<vmem>> -> memref<2x4096xf32, #tpu.memory_space<vmem>>
          %dma_wait3A_867 = arith.constant 0 : i32
          %dma_wait3A_868 = tpu.memref_slice %arg4[%dma_wait3A_860, %add3A_857, %dma_wait3A_867] : memref<4x2048x4096xf32, #tpu.memory_space<hbm>> -> memref<1x2x4096xf32, #tpu.memory_space<hbm>>
          %dma_wait3A_869 = tpu.memref_squeeze %dma_wait3A_868 : memref<1x2x4096xf32, #tpu.memory_space<hbm>> -> memref<2x4096xf32, #tpu.memory_space<hbm>>
          %dma_wait3A_870 = tpu.memref_slice %arg9[%dma_wait3A_861, %dma_wait3A_862] : memref<4x2x!tpu.dma_semaphore, #tpu.memory_space<semaphore_mem>> -> memref<1x1x!tpu.dma_semaphore, #tpu.memory_space<semaphore_mem>>
          %dma_wait3A_871 = tpu.memref_squeeze %dma_wait3A_870 : memref<1x1x!tpu.dma_semaphore, #tpu.memory_space<semaphore_mem>> -> memref<!tpu.dma_semaphore, #tpu.memory_space<semaphore_mem>>
          %dma_wait3A_872 = arith.constant 0 : i32
          %dma_wait3A_873 = tpu.memref_slice %arg4[%dma_wait3A_860, %add3A_857, %dma_wait3A_872] : memref<4x2048x4096xf32, #tpu.memory_space<hbm>> -> memref<1x2x4096xf32, #tpu.memory_space<hbm>>
          %dma_wait3A_874 = tpu.memref_squeeze %dma_wait3A_873 : memref<1x2x4096xf32, #tpu.memory_space<hbm>> -> memref<2x4096xf32, #tpu.memory_space<hbm>>
          %dma_wait3A_875 = arith.constant 0 : i32
          %dma_wait3A_876 = arith.constant 0 : i32
          %dma_wait3A_877 = tpu.memref_slice %arg6[%dma_wait3A_858, %dma_wait3A_859, %dma_wait3A_875, %dma_wait3A_876] : memref<4x2x2x4096xf32, #tpu.memory_space<vmem>> -> memref<1x1x2x4096xf32, #tpu.memory_space<vmem>>
          %dma_wait3A_878 = tpu.memref_squeeze %dma_wait3A_877 : memref<1x1x2x4096xf32, #tpu.memory_space<vmem>> -> memref<2x4096xf32, #tpu.memory_space<vmem>>
          tpu.wait_dma2 semaphore(%dma_wait3A_871 : memref<!tpu.dma_semaphore, #tpu.memory_space<semaphore_mem>>) src(%dma_wait3A_878 : memref<2x4096xf32, #tpu.memory_space<vmem>>) dst(%dma_wait3A_874 : memref<2x4096xf32, #tpu.memory_space<hbm>>)
        } else {
        }
        %add3A_828 = arith.constant 1 : i32
        %add3A_829 = arith.addi %add3A_306, %add3A_828 : i32
        %mul3A_830 = arith.constant 2 : i32
        %mul3A_831 = arith.muli %add3A_829, %mul3A_830 : i32
        %add3A_832 = arith.addi %mul3A_2, %mul3A_831 : i32
        %dma_start3A_833 = arith.constant 1 : i32
        %dma_start3A_834 = arith.constant 1 : i32
        %dma_start3A_835 = arith.constant 1 : i32
        %dma_start3A_836 = arith.constant 1 : i32
        %dma_start3A_837 = arith.constant 1 : i32
        %dma_start3A_838 = arith.constant 0 : i32
        %dma_start3A_839 = arith.constant 0 : i32
        %dma_start3A_840 = tpu.memref_slice %arg6[%dma_start3A_834, %dma_start3A_835, %dma_start3A_838, %dma_start3A_839] : memref<4x2x2x4096xf32, #tpu.memory_space<vmem>> -> memref<1x1x2x4096xf32, #tpu.memory_space<vmem>>
        %dma_start3A_841 = tpu.memref_squeeze %dma_start3A_840 : memref<1x1x2x4096xf32, #tpu.memory_space<vmem>> -> memref<2x4096xf32, #tpu.memory_space<vmem>>
        %dma_start3A_842 = arith.constant 0 : i32
        %dma_start3A_843 = tpu.memref_slice %arg2[%dma_start3A_833, %add3A_832, %dma_start3A_842] : memref<4x2048x4096xf32, #tpu.memory_space<hbm>> -> memref<1x2x4096xf32, #tpu.memory_space<hbm>>
        %dma_start3A_844 = tpu.memref_squeeze %dma_start3A_843 : memref<1x2x4096xf32, #tpu.memory_space<hbm>> -> memref<2x4096xf32, #tpu.memory_space<hbm>>
        %dma_start3A_845 = tpu.memref_slice %arg8[%dma_start3A_836, %dma_start3A_837] : memref<4x2x!tpu.dma_semaphore, #tpu.memory_space<semaphore_mem>> -> memref<1x1x!tpu.dma_semaphore, #tpu.memory_space<semaphore_mem>>
        %dma_start3A_846 = tpu.memref_squeeze %dma_start3A_845 : memref<1x1x!tpu.dma_semaphore, #tpu.memory_space<semaphore_mem>> -> memref<!tpu.dma_semaphore, #tpu.memory_space<semaphore_mem>>
        %dma_start3A_847 = arith.constant 0 : i32
        %dma_start3A_848 = arith.constant 0 : i32
        %dma_start3A_849 = tpu.memref_slice %arg6[%dma_start3A_834, %dma_start3A_835, %dma_start3A_847, %dma_start3A_848] : memref<4x2x2x4096xf32, #tpu.memory_space<vmem>> -> memref<1x1x2x4096xf32, #tpu.memory_space<vmem>>
        %dma_start3A_850 = tpu.memref_squeeze %dma_start3A_849 : memref<1x1x2x4096xf32, #tpu.memory_space<vmem>> -> memref<2x4096xf32, #tpu.memory_space<vmem>>
        %dma_start3A_851 = arith.constant 0 : i32
        %dma_start3A_852 = tpu.memref_slice %arg2[%dma_start3A_833, %add3A_832, %dma_start3A_851] : memref<4x2048x4096xf32, #tpu.memory_space<hbm>> -> memref<1x2x4096xf32, #tpu.memory_space<hbm>>
        %dma_start3A_853 = tpu.memref_squeeze %dma_start3A_852 : memref<1x2x4096xf32, #tpu.memory_space<hbm>> -> memref<2x4096xf32, #tpu.memory_space<hbm>>
        tpu.enqueue_dma source(%dma_start3A_853 : memref<2x4096xf32, #tpu.memory_space<hbm>>) target(%dma_start3A_850 : memref<2x4096xf32, #tpu.memory_space<vmem>>) target_semaphore(%dma_start3A_846 : memref<!tpu.dma_semaphore, #tpu.memory_space<semaphore_mem>>)
      } else {
      }
      %parallel_loop3A_418 = arith.constant 0 : i32
      %parallel_loop3A_419 = arith.constant 512 : i32
      %parallel_loop3A_420 = arith.constant 1 : i32
      scf.for %parallel_loop3A_824 = %parallel_loop3A_418 to %parallel_loop3A_419 step %parallel_loop3A_420  : i32 {
        %parallel_loop3A_825 = arith.constant 256 : i32
        %parallel_loop3A_826 = arith.divsi %parallel_loop3A_824, %parallel_loop3A_825 : i32
        %parallel_loop3A_827 = arith.constant 0 : i32
        %parallel_loop3A_828 = arith.cmpi sgt, %parallel_loop3A_824, %parallel_loop3A_827 : i32
        %parallel_loop3A_829 = arith.extui %parallel_loop3A_828 : i1 to i32
        %parallel_loop3A_830 = arith.constant 0 : i32
        %parallel_loop3A_831 = arith.cmpi slt, %parallel_loop3A_824, %parallel_loop3A_830 : i32
        %parallel_loop3A_832 = arith.extui %parallel_loop3A_831 : i1 to i32
        %parallel_loop3A_833 = arith.subi %parallel_loop3A_829, %parallel_loop3A_832 : i32
        %parallel_loop3A_834 = arith.constant 0 : i32
        %parallel_loop3A_835 = arith.cmpi sgt, %parallel_loop3A_825, %parallel_loop3A_834 : i32
        %parallel_loop3A_836 = arith.extui %parallel_loop3A_835 : i1 to i32
        %parallel_loop3A_837 = arith.constant 0 : i32
        %parallel_loop3A_838 = arith.cmpi slt, %parallel_loop3A_825, %parallel_loop3A_837 : i32
        %parallel_loop3A_839 = arith.extui %parallel_loop3A_838 : i1 to i32
        %parallel_loop3A_840 = arith.subi %parallel_loop3A_836, %parallel_loop3A_839 : i32
        %parallel_loop3A_841 = arith.cmpi ne, %parallel_loop3A_833, %parallel_loop3A_840 : i32
        %parallel_loop3A_842 = arith.remsi %parallel_loop3A_824, %parallel_loop3A_825 : i32
        %parallel_loop3A_843 = arith.constant 0 : i32
        %parallel_loop3A_844 = arith.cmpi ne, %parallel_loop3A_842, %parallel_loop3A_843 : i32
        %parallel_loop3A_845 = arith.andi %parallel_loop3A_841, %parallel_loop3A_844 : i1
        %parallel_loop3A_846 = arith.constant 1 : i32
        %parallel_loop3A_847 = arith.subi %parallel_loop3A_826, %parallel_loop3A_846 : i32
        %parallel_loop3A_848 = arith.select %parallel_loop3A_845, %parallel_loop3A_847, %parallel_loop3A_826 : i32
        %parallel_loop3A_849 = arith.constant 256 : i32
        %parallel_loop3A_850 = arith.constant 0 : i32
        %parallel_loop3A_851 = arith.cmpi eq, %parallel_loop3A_849, %parallel_loop3A_850 : i32
        %parallel_loop3A_852 = arith.constant 1 : i32
        %parallel_loop3A_853 = arith.select %parallel_loop3A_851, %parallel_loop3A_852, %parallel_loop3A_849 : i32
        %parallel_loop3A_854 = arith.remsi %parallel_loop3A_824, %parallel_loop3A_853 : i32
        %parallel_loop3A_855 = arith.constant 0 : i32
        %parallel_loop3A_856 = arith.cmpi ne, %parallel_loop3A_854, %parallel_loop3A_855 : i32
        %parallel_loop3A_857 = arith.constant 0 : i32
        %parallel_loop3A_858 = arith.cmpi slt, %parallel_loop3A_854, %parallel_loop3A_857 : i32
        %parallel_loop3A_859 = arith.constant 0 : i32
        %parallel_loop3A_860 = arith.cmpi slt, %parallel_loop3A_853, %parallel_loop3A_859 : i32
        %parallel_loop3A_861 = arith.xori %parallel_loop3A_858, %parallel_loop3A_860 : i1
        %parallel_loop3A_862 = arith.andi %parallel_loop3A_861, %parallel_loop3A_856 : i1
        %parallel_loop3A_863 = arith.addi %parallel_loop3A_854, %parallel_loop3A_853 : i32
        %parallel_loop3A_864 = arith.select %parallel_loop3A_862, %parallel_loop3A_863, %parallel_loop3A_854 : i32
        %parallel_loop3A_865 = arith.constant 16 : i32
        %parallel_loop3A_866 = arith.muli %parallel_loop3A_864, %parallel_loop3A_865 : i32
        %parallel_loop3A_867 = arith.constant 0 : i32
        %parallel_loop3A_868 = arith.index_cast %parallel_loop3A_867 : i32 to index
        %parallel_loop3A_869 = arith.index_cast %parallel_loop3A_848 : i32 to index
        %parallel_loop3A_870 = arith.index_cast %parallel_loop3A_866 : i32 to index
        %parallel_loop3A_871 = tpu.vector_load %arg5[%parallel_loop3A_868, %parallel_loop3A_869, %parallel_loop3A_870] {strides = array<i32>} : memref<2x2x4096xf32, #tpu.memory_space<vmem>>, vector<1x1x16xf32>,
        %parallel_loop3A_872 = vector.shape_cast %parallel_loop3A_871 : vector<1x1x16xf32> to vector<16xf32>
        %parallel_loop3A_873 = arith.constant 1 : i32
        %parallel_loop3A_874 = arith.constant 0 : i32
        %parallel_loop3A_875 = arith.index_cast %parallel_loop3A_873 : i32 to index
        %parallel_loop3A_876 = arith.index_cast %parallel_loop3A_874 : i32 to index
        %parallel_loop3A_877 = arith.index_cast %parallel_loop3A_848 : i32 to index
        %parallel_loop3A_878 = arith.index_cast %parallel_loop3A_866 : i32 to index
        %parallel_loop3A_879 = tpu.vector_load %arg6[%parallel_loop3A_875, %parallel_loop3A_876, %parallel_loop3A_877, %parallel_loop3A_878] {strides = array<i32>} : memref<4x2x2x4096xf32, #tpu.memory_space<vmem>>, vector<1x1x1x16xf32>,
        %parallel_loop3A_880 = vector.shape_cast %parallel_loop3A_879 : vector<1x1x1x16xf32> to vector<16xf32>
        %parallel_loop3A_881 = vector.shape_cast %parallel_loop3A_872 : vector<16xf32> to vector<1x1x1x16xf32>
        tpu.vector_store %arg6[%parallel_loop3A_875, %parallel_loop3A_876, %parallel_loop3A_877, %parallel_loop3A_878], %parallel_loop3A_881 {add = true, strides = array<i32>} : memref<4x2x2x4096xf32, #tpu.memory_space<vmem>>, vector<1x1x1x16xf32>,
      } {sc.loop_unroll_factor = 8 : i64, sc.parallel_access}
      %mul3A_421 = arith.constant 2 : i32
      %mul3A_422 = arith.muli %add3A_306, %mul3A_421 : i32
      %add3A_423 = arith.addi %mul3A_2, %mul3A_422 : i32
      %dma_start3A_424 = arith.constant 1 : i32
      %dma_start3A_425 = arith.constant 0 : i32
      %dma_start3A_426 = arith.constant 1 : i32
      %dma_start3A_427 = arith.constant 1 : i32
      %dma_start3A_428 = arith.constant 0 : i32
      %dma_start3A_429 = arith.constant 0 : i32
      %dma_start3A_430 = arith.constant 0 : i32
      %dma_start3A_431 = tpu.memref_slice %arg6[%dma_start3A_424, %dma_start3A_425, %dma_start3A_429, %dma_start3A_430] : memref<4x2x2x4096xf32, #tpu.memory_space<vmem>> -> memref<1x1x2x4096xf32, #tpu.memory_space<vmem>>
      %dma_start3A_432 = tpu.memref_squeeze %dma_start3A_431 : memref<1x1x2x4096xf32, #tpu.memory_space<vmem>> -> memref<2x4096xf32, #tpu.memory_space<vmem>>
      %dma_start3A_433 = arith.constant 0 : i32
      %dma_start3A_434 = tpu.memref_slice %arg4[%dma_start3A_426, %add3A_423, %dma_start3A_433] : memref<4x2048x4096xf32, #tpu.memory_space<hbm>> -> memref<1x2x4096xf32, #tpu.memory_space<hbm>>
      %dma_start3A_435 = tpu.memref_squeeze %dma_start3A_434 : memref<1x2x4096xf32, #tpu.memory_space<hbm>> -> memref<2x4096xf32, #tpu.memory_space<hbm>>
      %dma_start3A_436 = tpu.memref_slice %arg9[%dma_start3A_427, %dma_start3A_428] : memref<4x2x!tpu.dma_semaphore, #tpu.memory_space<semaphore_mem>> -> memref<1x1x!tpu.dma_semaphore, #tpu.memory_space<semaphore_mem>>
      %dma_start3A_437 = tpu.memref_squeeze %dma_start3A_436 : memref<1x1x!tpu.dma_semaphore, #tpu.memory_space<semaphore_mem>> -> memref<!tpu.dma_semaphore, #tpu.memory_space<semaphore_mem>>
      %dma_start3A_438 = arith.constant 0 : i32
      %dma_start3A_439 = tpu.memref_slice %arg4[%dma_start3A_426, %add3A_423, %dma_start3A_438] : memref<4x2048x4096xf32, #tpu.memory_space<hbm>> -> memref<1x2x4096xf32, #tpu.memory_space<hbm>>
      %dma_start3A_440 = tpu.memref_squeeze %dma_start3A_439 : memref<1x2x4096xf32, #tpu.memory_space<hbm>> -> memref<2x4096xf32, #tpu.memory_space<hbm>>
      %dma_start3A_441 = arith.constant 0 : i32
      %dma_start3A_442 = arith.constant 0 : i32
      %dma_start3A_443 = tpu.memref_slice %arg6[%dma_start3A_424, %dma_start3A_425, %dma_start3A_441, %dma_start3A_442] : memref<4x2x2x4096xf32, #tpu.memory_space<vmem>> -> memref<1x1x2x4096xf32, #tpu.memory_space<vmem>>
      %dma_start3A_444 = tpu.memref_squeeze %dma_start3A_443 : memref<1x1x2x4096xf32, #tpu.memory_space<vmem>> -> memref<2x4096xf32, #tpu.memory_space<vmem>>
      tpu.enqueue_dma source(%dma_start3A_444 : memref<2x4096xf32, #tpu.memory_space<vmem>>) target(%dma_start3A_440 : memref<2x4096xf32, #tpu.memory_space<hbm>>) target_semaphore(%dma_start3A_437 : memref<!tpu.dma_semaphore, #tpu.memory_space<semaphore_mem>>)
      %mul3A_445 = arith.constant 2 : i32
      %mul3A_446 = arith.muli %add3A_306, %mul3A_445 : i32
      %add3A_447 = arith.addi %mul3A_2, %mul3A_446 : i32
      %dma_wait3A_448 = arith.constant 2 : i32
      %dma_wait3A_449 = arith.constant 2 : i32
      %dma_wait3A_450 = arith.constant 0 : i32
      %dma_wait3A_451 = arith.constant 2 : i32
      %dma_wait3A_452 = arith.constant 0 : i32
      %dma_wait3A_453 = arith.constant 0 : i32
      %dma_wait3A_454 = arith.constant 0 : i32
      %dma_wait3A_455 = tpu.memref_slice %arg6[%dma_wait3A_449, %dma_wait3A_450, %dma_wait3A_453, %dma_wait3A_454] : memref<4x2x2x4096xf32, #tpu.memory_space<vmem>> -> memref<1x1x2x4096xf32, #tpu.memory_space<vmem>>
      %dma_wait3A_456 = tpu.memref_squeeze %dma_wait3A_455 : memref<1x1x2x4096xf32, #tpu.memory_space<vmem>> -> memref<2x4096xf32, #tpu.memory_space<vmem>>
      %dma_wait3A_457 = arith.constant 0 : i32
      %dma_wait3A_458 = tpu.memref_slice %arg2[%dma_wait3A_448, %add3A_447, %dma_wait3A_457] : memref<4x2048x4096xf32, #tpu.memory_space<hbm>> -> memref<1x2x4096xf32, #tpu.memory_space<hbm>>
      %dma_wait3A_459 = tpu.memref_squeeze %dma_wait3A_458 : memref<1x2x4096xf32, #tpu.memory_space<hbm>> -> memref<2x4096xf32, #tpu.memory_space<hbm>>
      %dma_wait3A_460 = tpu.memref_slice %arg8[%dma_wait3A_451, %dma_wait3A_452] : memref<4x2x!tpu.dma_semaphore, #tpu.memory_space<semaphore_mem>> -> memref<1x1x!tpu.dma_semaphore, #tpu.memory_space<semaphore_mem>>
      %dma_wait3A_461 = tpu.memref_squeeze %dma_wait3A_460 : memref<1x1x!tpu.dma_semaphore, #tpu.memory_space<semaphore_mem>> -> memref<!tpu.dma_semaphore, #tpu.memory_space<semaphore_mem>>
      %dma_wait3A_462 = arith.constant 0 : i32
      %dma_wait3A_463 = arith.constant 0 : i32
      %dma_wait3A_464 = tpu.memref_slice %arg6[%dma_wait3A_449, %dma_wait3A_450, %dma_wait3A_462, %dma_wait3A_463] : memref<4x2x2x4096xf32, #tpu.memory_space<vmem>> -> memref<1x1x2x4096xf32, #tpu.memory_space<vmem>>
      %dma_wait3A_465 = tpu.memref_squeeze %dma_wait3A_464 : memref<1x1x2x4096xf32, #tpu.memory_space<vmem>> -> memref<2x4096xf32, #tpu.memory_space<vmem>>
      %dma_wait3A_466 = arith.constant 0 : i32
      %dma_wait3A_467 = tpu.memref_slice %arg2[%dma_wait3A_448, %add3A_447, %dma_wait3A_466] : memref<4x2048x4096xf32, #tpu.memory_space<hbm>> -> memref<1x2x4096xf32, #tpu.memory_space<hbm>>
      %dma_wait3A_468 = tpu.memref_squeeze %dma_wait3A_467 : memref<1x2x4096xf32, #tpu.memory_space<hbm>> -> memref<2x4096xf32, #tpu.memory_space<hbm>>
      tpu.wait_dma2 semaphore(%dma_wait3A_461 : memref<!tpu.dma_semaphore, #tpu.memory_space<semaphore_mem>>) src(%dma_wait3A_468 : memref<2x4096xf32, #tpu.memory_space<hbm>>) dst(%dma_wait3A_465 : memref<2x4096xf32, #tpu.memory_space<vmem>>)
      %add3A_469 = arith.constant 1 : i32
      %add3A_470 = arith.addi %add3A_306, %add3A_469 : i32
      %lt3A_471 = arith.constant 32 : i32
      %lt3A_472 = arith.cmpi slt, %add3A_470, %lt3A_471 : i32
      %convert_element_type3A_473 = arith.extui %lt3A_472 : i1 to i32
      %cond3A_474 = arith.constant 0 : i32
      %cond3A_475 = arith.cmpi ne, %convert_element_type3A_473, %cond3A_474 : i32
      scf.if %cond3A_475 {
        %ge3A = arith.constant 1 : i32
        %ge3A_824 = arith.cmpi sge, %add3A_306, %ge3A : i32
        %convert_element_type3A_825 = arith.extui %ge3A_824 : i1 to i32
        %cond3A_826 = arith.constant 0 : i32
        %cond3A_827 = arith.cmpi ne, %convert_element_type3A_825, %cond3A_826 : i32
        scf.if %cond3A_827 {
          %sub3A = arith.constant 1 : i32
          %sub3A_854 = arith.subi %add3A_306, %sub3A : i32
          %mul3A_855 = arith.constant 2 : i32
          %mul3A_856 = arith.muli %sub3A_854, %mul3A_855 : i32
          %add3A_857 = arith.addi %mul3A_2, %mul3A_856 : i32
          %dma_wait3A_858 = arith.constant 2 : i32
          %dma_wait3A_859 = arith.constant 1 : i32
          %dma_wait3A_860 = arith.constant 2 : i32
          %dma_wait3A_861 = arith.constant 2 : i32
          %dma_wait3A_862 = arith.constant 1 : i32
          %dma_wait3A_863 = arith.constant 0 : i32
          %dma_wait3A_864 = arith.constant 0 : i32
          %dma_wait3A_865 = tpu.memref_slice %arg6[%dma_wait3A_858, %dma_wait3A_859, %dma_wait3A_863, %dma_wait3A_864] : memref<4x2x2x4096xf32, #tpu.memory_space<vmem>> -> memref<1x1x2x4096xf32, #tpu.memory_space<vmem>>
          %dma_wait3A_866 = tpu.memref_squeeze %dma_wait3A_865 : memref<1x1x2x4096xf32, #tpu.memory_space<vmem>> -> memref<2x4096xf32, #tpu.memory_space<vmem>>
          %dma_wait3A_867 = arith.constant 0 : i32
          %dma_wait3A_868 = tpu.memref_slice %arg4[%dma_wait3A_860, %add3A_857, %dma_wait3A_867] : memref<4x2048x4096xf32, #tpu.memory_space<hbm>> -> memref<1x2x4096xf32, #tpu.memory_space<hbm>>
          %dma_wait3A_869 = tpu.memref_squeeze %dma_wait3A_868 : memref<1x2x4096xf32, #tpu.memory_space<hbm>> -> memref<2x4096xf32, #tpu.memory_space<hbm>>
          %dma_wait3A_870 = tpu.memref_slice %arg9[%dma_wait3A_861, %dma_wait3A_862] : memref<4x2x!tpu.dma_semaphore, #tpu.memory_space<semaphore_mem>> -> memref<1x1x!tpu.dma_semaphore, #tpu.memory_space<semaphore_mem>>
          %dma_wait3A_871 = tpu.memref_squeeze %dma_wait3A_870 : memref<1x1x!tpu.dma_semaphore, #tpu.memory_space<semaphore_mem>> -> memref<!tpu.dma_semaphore, #tpu.memory_space<semaphore_mem>>
          %dma_wait3A_872 = arith.constant 0 : i32
          %dma_wait3A_873 = tpu.memref_slice %arg4[%dma_wait3A_860, %add3A_857, %dma_wait3A_872] : memref<4x2048x4096xf32, #tpu.memory_space<hbm>> -> memref<1x2x4096xf32, #tpu.memory_space<hbm>>
          %dma_wait3A_874 = tpu.memref_squeeze %dma_wait3A_873 : memref<1x2x4096xf32, #tpu.memory_space<hbm>> -> memref<2x4096xf32, #tpu.memory_space<hbm>>
          %dma_wait3A_875 = arith.constant 0 : i32
          %dma_wait3A_876 = arith.constant 0 : i32
          %dma_wait3A_877 = tpu.memref_slice %arg6[%dma_wait3A_858, %dma_wait3A_859, %dma_wait3A_875, %dma_wait3A_876] : memref<4x2x2x4096xf32, #tpu.memory_space<vmem>> -> memref<1x1x2x4096xf32, #tpu.memory_space<vmem>>
          %dma_wait3A_878 = tpu.memref_squeeze %dma_wait3A_877 : memref<1x1x2x4096xf32, #tpu.memory_space<vmem>> -> memref<2x4096xf32, #tpu.memory_space<vmem>>
          tpu.wait_dma2 semaphore(%dma_wait3A_871 : memref<!tpu.dma_semaphore, #tpu.memory_space<semaphore_mem>>) src(%dma_wait3A_878 : memref<2x4096xf32, #tpu.memory_space<vmem>>) dst(%dma_wait3A_874 : memref<2x4096xf32, #tpu.memory_space<hbm>>)
        } else {
        }
        %add3A_828 = arith.constant 1 : i32
        %add3A_829 = arith.addi %add3A_306, %add3A_828 : i32
        %mul3A_830 = arith.constant 2 : i32
        %mul3A_831 = arith.muli %add3A_829, %mul3A_830 : i32
        %add3A_832 = arith.addi %mul3A_2, %mul3A_831 : i32
        %dma_start3A_833 = arith.constant 2 : i32
        %dma_start3A_834 = arith.constant 2 : i32
        %dma_start3A_835 = arith.constant 1 : i32
        %dma_start3A_836 = arith.constant 2 : i32
        %dma_start3A_837 = arith.constant 1 : i32
        %dma_start3A_838 = arith.constant 0 : i32
        %dma_start3A_839 = arith.constant 0 : i32
        %dma_start3A_840 = tpu.memref_slice %arg6[%dma_start3A_834, %dma_start3A_835, %dma_start3A_838, %dma_start3A_839] : memref<4x2x2x4096xf32, #tpu.memory_space<vmem>> -> memref<1x1x2x4096xf32, #tpu.memory_space<vmem>>
        %dma_start3A_841 = tpu.memref_squeeze %dma_start3A_840 : memref<1x1x2x4096xf32, #tpu.memory_space<vmem>> -> memref<2x4096xf32, #tpu.memory_space<vmem>>
        %dma_start3A_842 = arith.constant 0 : i32
        %dma_start3A_843 = tpu.memref_slice %arg2[%dma_start3A_833, %add3A_832, %dma_start3A_842] : memref<4x2048x4096xf32, #tpu.memory_space<hbm>> -> memref<1x2x4096xf32, #tpu.memory_space<hbm>>
        %dma_start3A_844 = tpu.memref_squeeze %dma_start3A_843 : memref<1x2x4096xf32, #tpu.memory_space<hbm>> -> memref<2x4096xf32, #tpu.memory_space<hbm>>
        %dma_start3A_845 = tpu.memref_slice %arg8[%dma_start3A_836, %dma_start3A_837] : memref<4x2x!tpu.dma_semaphore, #tpu.memory_space<semaphore_mem>> -> memref<1x1x!tpu.dma_semaphore, #tpu.memory_space<semaphore_mem>>
        %dma_start3A_846 = tpu.memref_squeeze %dma_start3A_845 : memref<1x1x!tpu.dma_semaphore, #tpu.memory_space<semaphore_mem>> -> memref<!tpu.dma_semaphore, #tpu.memory_space<semaphore_mem>>
        %dma_start3A_847 = arith.constant 0 : i32
        %dma_start3A_848 = arith.constant 0 : i32
        %dma_start3A_849 = tpu.memref_slice %arg6[%dma_start3A_834, %dma_start3A_835, %dma_start3A_847, %dma_start3A_848] : memref<4x2x2x4096xf32, #tpu.memory_space<vmem>> -> memref<1x1x2x4096xf32, #tpu.memory_space<vmem>>
        %dma_start3A_850 = tpu.memref_squeeze %dma_start3A_849 : memref<1x1x2x4096xf32, #tpu.memory_space<vmem>> -> memref<2x4096xf32, #tpu.memory_space<vmem>>
        %dma_start3A_851 = arith.constant 0 : i32
        %dma_start3A_852 = tpu.memref_slice %arg2[%dma_start3A_833, %add3A_832, %dma_start3A_851] : memref<4x2048x4096xf32, #tpu.memory_space<hbm>> -> memref<1x2x4096xf32, #tpu.memory_space<hbm>>
        %dma_start3A_853 = tpu.memref_squeeze %dma_start3A_852 : memref<1x2x4096xf32, #tpu.memory_space<hbm>> -> memref<2x4096xf32, #tpu.memory_space<hbm>>
        tpu.enqueue_dma source(%dma_start3A_853 : memref<2x4096xf32, #tpu.memory_space<hbm>>) target(%dma_start3A_850 : memref<2x4096xf32, #tpu.memory_space<vmem>>) target_semaphore(%dma_start3A_846 : memref<!tpu.dma_semaphore, #tpu.memory_space<semaphore_mem>>)
      } else {
      }
      %parallel_loop3A_476 = arith.constant 0 : i32
      %parallel_loop3A_477 = arith.constant 512 : i32
      %parallel_loop3A_478 = arith.constant 1 : i32
      scf.for %parallel_loop3A_824 = %parallel_loop3A_476 to %parallel_loop3A_477 step %parallel_loop3A_478  : i32 {
        %parallel_loop3A_825 = arith.constant 256 : i32
        %parallel_loop3A_826 = arith.divsi %parallel_loop3A_824, %parallel_loop3A_825 : i32
        %parallel_loop3A_827 = arith.constant 0 : i32
        %parallel_loop3A_828 = arith.cmpi sgt, %parallel_loop3A_824, %parallel_loop3A_827 : i32
        %parallel_loop3A_829 = arith.extui %parallel_loop3A_828 : i1 to i32
        %parallel_loop3A_830 = arith.constant 0 : i32
        %parallel_loop3A_831 = arith.cmpi slt, %parallel_loop3A_824, %parallel_loop3A_830 : i32
        %parallel_loop3A_832 = arith.extui %parallel_loop3A_831 : i1 to i32
        %parallel_loop3A_833 = arith.subi %parallel_loop3A_829, %parallel_loop3A_832 : i32
        %parallel_loop3A_834 = arith.constant 0 : i32
        %parallel_loop3A_835 = arith.cmpi sgt, %parallel_loop3A_825, %parallel_loop3A_834 : i32
        %parallel_loop3A_836 = arith.extui %parallel_loop3A_835 : i1 to i32
        %parallel_loop3A_837 = arith.constant 0 : i32
        %parallel_loop3A_838 = arith.cmpi slt, %parallel_loop3A_825, %parallel_loop3A_837 : i32
        %parallel_loop3A_839 = arith.extui %parallel_loop3A_838 : i1 to i32
        %parallel_loop3A_840 = arith.subi %parallel_loop3A_836, %parallel_loop3A_839 : i32
        %parallel_loop3A_841 = arith.cmpi ne, %parallel_loop3A_833, %parallel_loop3A_840 : i32
        %parallel_loop3A_842 = arith.remsi %parallel_loop3A_824, %parallel_loop3A_825 : i32
        %parallel_loop3A_843 = arith.constant 0 : i32
        %parallel_loop3A_844 = arith.cmpi ne, %parallel_loop3A_842, %parallel_loop3A_843 : i32
        %parallel_loop3A_845 = arith.andi %parallel_loop3A_841, %parallel_loop3A_844 : i1
        %parallel_loop3A_846 = arith.constant 1 : i32
        %parallel_loop3A_847 = arith.subi %parallel_loop3A_826, %parallel_loop3A_846 : i32
        %parallel_loop3A_848 = arith.select %parallel_loop3A_845, %parallel_loop3A_847, %parallel_loop3A_826 : i32
        %parallel_loop3A_849 = arith.constant 256 : i32
        %parallel_loop3A_850 = arith.constant 0 : i32
        %parallel_loop3A_851 = arith.cmpi eq, %parallel_loop3A_849, %parallel_loop3A_850 : i32
        %parallel_loop3A_852 = arith.constant 1 : i32
        %parallel_loop3A_853 = arith.select %parallel_loop3A_851, %parallel_loop3A_852, %parallel_loop3A_849 : i32
        %parallel_loop3A_854 = arith.remsi %parallel_loop3A_824, %parallel_loop3A_853 : i32
        %parallel_loop3A_855 = arith.constant 0 : i32
        %parallel_loop3A_856 = arith.cmpi ne, %parallel_loop3A_854, %parallel_loop3A_855 : i32
        %parallel_loop3A_857 = arith.constant 0 : i32
        %parallel_loop3A_858 = arith.cmpi slt, %parallel_loop3A_854, %parallel_loop3A_857 : i32
        %parallel_loop3A_859 = arith.constant 0 : i32
        %parallel_loop3A_860 = arith.cmpi slt, %parallel_loop3A_853, %parallel_loop3A_859 : i32
        %parallel_loop3A_861 = arith.xori %parallel_loop3A_858, %parallel_loop3A_860 : i1
        %parallel_loop3A_862 = arith.andi %parallel_loop3A_861, %parallel_loop3A_856 : i1
        %parallel_loop3A_863 = arith.addi %parallel_loop3A_854, %parallel_loop3A_853 : i32
        %parallel_loop3A_864 = arith.select %parallel_loop3A_862, %parallel_loop3A_863, %parallel_loop3A_854 : i32
        %parallel_loop3A_865 = arith.constant 16 : i32
        %parallel_loop3A_866 = arith.muli %parallel_loop3A_864, %parallel_loop3A_865 : i32
        %parallel_loop3A_867 = arith.constant 0 : i32
        %parallel_loop3A_868 = arith.index_cast %parallel_loop3A_867 : i32 to index
        %parallel_loop3A_869 = arith.index_cast %parallel_loop3A_848 : i32 to index
        %parallel_loop3A_870 = arith.index_cast %parallel_loop3A_866 : i32 to index
        %parallel_loop3A_871 = tpu.vector_load %arg5[%parallel_loop3A_868, %parallel_loop3A_869, %parallel_loop3A_870] {strides = array<i32>} : memref<2x2x4096xf32, #tpu.memory_space<vmem>>, vector<1x1x16xf32>,
        %parallel_loop3A_872 = vector.shape_cast %parallel_loop3A_871 : vector<1x1x16xf32> to vector<16xf32>
        %parallel_loop3A_873 = arith.constant 2 : i32
        %parallel_loop3A_874 = arith.constant 0 : i32
        %parallel_loop3A_875 = arith.index_cast %parallel_loop3A_873 : i32 to index
        %parallel_loop3A_876 = arith.index_cast %parallel_loop3A_874 : i32 to index
        %parallel_loop3A_877 = arith.index_cast %parallel_loop3A_848 : i32 to index
        %parallel_loop3A_878 = arith.index_cast %parallel_loop3A_866 : i32 to index
        %parallel_loop3A_879 = tpu.vector_load %arg6[%parallel_loop3A_875, %parallel_loop3A_876, %parallel_loop3A_877, %parallel_loop3A_878] {strides = array<i32>} : memref<4x2x2x4096xf32, #tpu.memory_space<vmem>>, vector<1x1x1x16xf32>,
        %parallel_loop3A_880 = vector.shape_cast %parallel_loop3A_879 : vector<1x1x1x16xf32> to vector<16xf32>
        %parallel_loop3A_881 = vector.shape_cast %parallel_loop3A_872 : vector<16xf32> to vector<1x1x1x16xf32>
        tpu.vector_store %arg6[%parallel_loop3A_875, %parallel_loop3A_876, %parallel_loop3A_877, %parallel_loop3A_878], %parallel_loop3A_881 {add = true, strides = array<i32>} : memref<4x2x2x4096xf32, #tpu.memory_space<vmem>>, vector<1x1x1x16xf32>,
      } {sc.loop_unroll_factor = 8 : i64, sc.parallel_access}
      %mul3A_479 = arith.constant 2 : i32
      %mul3A_480 = arith.muli %add3A_306, %mul3A_479 : i32
      %add3A_481 = arith.addi %mul3A_2, %mul3A_480 : i32
      %dma_start3A_482 = arith.constant 2 : i32
      %dma_start3A_483 = arith.constant 0 : i32
      %dma_start3A_484 = arith.constant 2 : i32
      %dma_start3A_485 = arith.constant 2 : i32
      %dma_start3A_486 = arith.constant 0 : i32
      %dma_start3A_487 = arith.constant 0 : i32
      %dma_start3A_488 = arith.constant 0 : i32
      %dma_start3A_489 = tpu.memref_slice %arg6[%dma_start3A_482, %dma_start3A_483, %dma_start3A_487, %dma_start3A_488] : memref<4x2x2x4096xf32, #tpu.memory_space<vmem>> -> memref<1x1x2x4096xf32, #tpu.memory_space<vmem>>
      %dma_start3A_490 = tpu.memref_squeeze %dma_start3A_489 : memref<1x1x2x4096xf32, #tpu.memory_space<vmem>> -> memref<2x4096xf32, #tpu.memory_space<vmem>>
      %dma_start3A_491 = arith.constant 0 : i32
      %dma_start3A_492 = tpu.memref_slice %arg4[%dma_start3A_484, %add3A_481, %dma_start3A_491] : memref<4x2048x4096xf32, #tpu.memory_space<hbm>> -> memref<1x2x4096xf32, #tpu.memory_space<hbm>>
      %dma_start3A_493 = tpu.memref_squeeze %dma_start3A_492 : memref<1x2x4096xf32, #tpu.memory_space<hbm>> -> memref<2x4096xf32, #tpu.memory_space<hbm>>
      %dma_start3A_494 = tpu.memref_slice %arg9[%dma_start3A_485, %dma_start3A_486] : memref<4x2x!tpu.dma_semaphore, #tpu.memory_space<semaphore_mem>> -> memref<1x1x!tpu.dma_semaphore, #tpu.memory_space<semaphore_mem>>
      %dma_start3A_495 = tpu.memref_squeeze %dma_start3A_494 : memref<1x1x!tpu.dma_semaphore, #tpu.memory_space<semaphore_mem>> -> memref<!tpu.dma_semaphore, #tpu.memory_space<semaphore_mem>>
      %dma_start3A_496 = arith.constant 0 : i32
      %dma_start3A_497 = tpu.memref_slice %arg4[%dma_start3A_484, %add3A_481, %dma_start3A_496] : memref<4x2048x4096xf32, #tpu.memory_space<hbm>> -> memref<1x2x4096xf32, #tpu.memory_space<hbm>>
      %dma_start3A_498 = tpu.memref_squeeze %dma_start3A_497 : memref<1x2x4096xf32, #tpu.memory_space<hbm>> -> memref<2x4096xf32, #tpu.memory_space<hbm>>
      %dma_start3A_499 = arith.constant 0 : i32
      %dma_start3A_500 = arith.constant 0 : i32
      %dma_start3A_501 = tpu.memref_slice %arg6[%dma_start3A_482, %dma_start3A_483, %dma_start3A_499, %dma_start3A_500] : memref<4x2x2x4096xf32, #tpu.memory_space<vmem>> -> memref<1x1x2x4096xf32, #tpu.memory_space<vmem>>
      %dma_start3A_502 = tpu.memref_squeeze %dma_start3A_501 : memref<1x1x2x4096xf32, #tpu.memory_space<vmem>> -> memref<2x4096xf32, #tpu.memory_space<vmem>>
      tpu.enqueue_dma source(%dma_start3A_502 : memref<2x4096xf32, #tpu.memory_space<vmem>>) target(%dma_start3A_498 : memref<2x4096xf32, #tpu.memory_space<hbm>>) target_semaphore(%dma_start3A_495 : memref<!tpu.dma_semaphore, #tpu.memory_space<semaphore_mem>>)
      %mul3A_503 = arith.constant 2 : i32
      %mul3A_504 = arith.muli %add3A_306, %mul3A_503 : i32
      %add3A_505 = arith.addi %mul3A_2, %mul3A_504 : i32
      %dma_wait3A_506 = arith.constant 3 : i32
      %dma_wait3A_507 = arith.constant 3 : i32
      %dma_wait3A_508 = arith.constant 0 : i32
      %dma_wait3A_509 = arith.constant 3 : i32
      %dma_wait3A_510 = arith.constant 0 : i32
      %dma_wait3A_511 = arith.constant 0 : i32
      %dma_wait3A_512 = arith.constant 0 : i32
      %dma_wait3A_513 = tpu.memref_slice %arg6[%dma_wait3A_507, %dma_wait3A_508, %dma_wait3A_511, %dma_wait3A_512] : memref<4x2x2x4096xf32, #tpu.memory_space<vmem>> -> memref<1x1x2x4096xf32, #tpu.memory_space<vmem>>
      %dma_wait3A_514 = tpu.memref_squeeze %dma_wait3A_513 : memref<1x1x2x4096xf32, #tpu.memory_space<vmem>> -> memref<2x4096xf32, #tpu.memory_space<vmem>>
      %dma_wait3A_515 = arith.constant 0 : i32
      %dma_wait3A_516 = tpu.memref_slice %arg2[%dma_wait3A_506, %add3A_505, %dma_wait3A_515] : memref<4x2048x4096xf32, #tpu.memory_space<hbm>> -> memref<1x2x4096xf32, #tpu.memory_space<hbm>>
      %dma_wait3A_517 = tpu.memref_squeeze %dma_wait3A_516 : memref<1x2x4096xf32, #tpu.memory_space<hbm>> -> memref<2x4096xf32, #tpu.memory_space<hbm>>
      %dma_wait3A_518 = tpu.memref_slice %arg8[%dma_wait3A_509, %dma_wait3A_510] : memref<4x2x!tpu.dma_semaphore, #tpu.memory_space<semaphore_mem>> -> memref<1x1x!tpu.dma_semaphore, #tpu.memory_space<semaphore_mem>>
      %dma_wait3A_519 = tpu.memref_squeeze %dma_wait3A_518 : memref<1x1x!tpu.dma_semaphore, #tpu.memory_space<semaphore_mem>> -> memref<!tpu.dma_semaphore, #tpu.memory_space<semaphore_mem>>
      %dma_wait3A_520 = arith.constant 0 : i32
      %dma_wait3A_521 = arith.constant 0 : i32
      %dma_wait3A_522 = tpu.memref_slice %arg6[%dma_wait3A_507, %dma_wait3A_508, %dma_wait3A_520, %dma_wait3A_521] : memref<4x2x2x4096xf32, #tpu.memory_space<vmem>> -> memref<1x1x2x4096xf32, #tpu.memory_space<vmem>>
      %dma_wait3A_523 = tpu.memref_squeeze %dma_wait3A_522 : memref<1x1x2x4096xf32, #tpu.memory_space<vmem>> -> memref<2x4096xf32, #tpu.memory_space<vmem>>
      %dma_wait3A_524 = arith.constant 0 : i32
      %dma_wait3A_525 = tpu.memref_slice %arg2[%dma_wait3A_506, %add3A_505, %dma_wait3A_524] : memref<4x2048x4096xf32, #tpu.memory_space<hbm>> -> memref<1x2x4096xf32, #tpu.memory_space<hbm>>
      %dma_wait3A_526 = tpu.memref_squeeze %dma_wait3A_525 : memref<1x2x4096xf32, #tpu.memory_space<hbm>> -> memref<2x4096xf32, #tpu.memory_space<hbm>>
      tpu.wait_dma2 semaphore(%dma_wait3A_519 : memref<!tpu.dma_semaphore, #tpu.memory_space<semaphore_mem>>) src(%dma_wait3A_526 : memref<2x4096xf32, #tpu.memory_space<hbm>>) dst(%dma_wait3A_523 : memref<2x4096xf32, #tpu.memory_space<vmem>>)
      %add3A_527 = arith.constant 1 : i32
      %add3A_528 = arith.addi %add3A_306, %add3A_527 : i32
      %lt3A_529 = arith.constant 32 : i32
      %lt3A_530 = arith.cmpi slt, %add3A_528, %lt3A_529 : i32
      %convert_element_type3A_531 = arith.extui %lt3A_530 : i1 to i32
      %cond3A_532 = arith.constant 0 : i32
      %cond3A_533 = arith.cmpi ne, %convert_element_type3A_531, %cond3A_532 : i32
      scf.if %cond3A_533 {
        %ge3A = arith.constant 1 : i32
        %ge3A_824 = arith.cmpi sge, %add3A_306, %ge3A : i32
        %convert_element_type3A_825 = arith.extui %ge3A_824 : i1 to i32
        %cond3A_826 = arith.constant 0 : i32
        %cond3A_827 = arith.cmpi ne, %convert_element_type3A_825, %cond3A_826 : i32
        scf.if %cond3A_827 {
          %sub3A = arith.constant 1 : i32
          %sub3A_854 = arith.subi %add3A_306, %sub3A : i32
          %mul3A_855 = arith.constant 2 : i32
          %mul3A_856 = arith.muli %sub3A_854, %mul3A_855 : i32
          %add3A_857 = arith.addi %mul3A_2, %mul3A_856 : i32
          %dma_wait3A_858 = arith.constant 3 : i32
          %dma_wait3A_859 = arith.constant 1 : i32
          %dma_wait3A_860 = arith.constant 3 : i32
          %dma_wait3A_861 = arith.constant 3 : i32
          %dma_wait3A_862 = arith.constant 1 : i32
          %dma_wait3A_863 = arith.constant 0 : i32
          %dma_wait3A_864 = arith.constant 0 : i32
          %dma_wait3A_865 = tpu.memref_slice %arg6[%dma_wait3A_858, %dma_wait3A_859, %dma_wait3A_863, %dma_wait3A_864] : memref<4x2x2x4096xf32, #tpu.memory_space<vmem>> -> memref<1x1x2x4096xf32, #tpu.memory_space<vmem>>
          %dma_wait3A_866 = tpu.memref_squeeze %dma_wait3A_865 : memref<1x1x2x4096xf32, #tpu.memory_space<vmem>> -> memref<2x4096xf32, #tpu.memory_space<vmem>>
          %dma_wait3A_867 = arith.constant 0 : i32
          %dma_wait3A_868 = tpu.memref_slice %arg4[%dma_wait3A_860, %add3A_857, %dma_wait3A_867] : memref<4x2048x4096xf32, #tpu.memory_space<hbm>> -> memref<1x2x4096xf32, #tpu.memory_space<hbm>>
          %dma_wait3A_869 = tpu.memref_squeeze %dma_wait3A_868 : memref<1x2x4096xf32, #tpu.memory_space<hbm>> -> memref<2x4096xf32, #tpu.memory_space<hbm>>
          %dma_wait3A_870 = tpu.memref_slice %arg9[%dma_wait3A_861, %dma_wait3A_862] : memref<4x2x!tpu.dma_semaphore, #tpu.memory_space<semaphore_mem>> -> memref<1x1x!tpu.dma_semaphore, #tpu.memory_space<semaphore_mem>>
          %dma_wait3A_871 = tpu.memref_squeeze %dma_wait3A_870 : memref<1x1x!tpu.dma_semaphore, #tpu.memory_space<semaphore_mem>> -> memref<!tpu.dma_semaphore, #tpu.memory_space<semaphore_mem>>
          %dma_wait3A_872 = arith.constant 0 : i32
          %dma_wait3A_873 = tpu.memref_slice %arg4[%dma_wait3A_860, %add3A_857, %dma_wait3A_872] : memref<4x2048x4096xf32, #tpu.memory_space<hbm>> -> memref<1x2x4096xf32, #tpu.memory_space<hbm>>
          %dma_wait3A_874 = tpu.memref_squeeze %dma_wait3A_873 : memref<1x2x4096xf32, #tpu.memory_space<hbm>> -> memref<2x4096xf32, #tpu.memory_space<hbm>>
          %dma_wait3A_875 = arith.constant 0 : i32
          %dma_wait3A_876 = arith.constant 0 : i32
          %dma_wait3A_877 = tpu.memref_slice %arg6[%dma_wait3A_858, %dma_wait3A_859, %dma_wait3A_875, %dma_wait3A_876] : memref<4x2x2x4096xf32, #tpu.memory_space<vmem>> -> memref<1x1x2x4096xf32, #tpu.memory_space<vmem>>
          %dma_wait3A_878 = tpu.memref_squeeze %dma_wait3A_877 : memref<1x1x2x4096xf32, #tpu.memory_space<vmem>> -> memref<2x4096xf32, #tpu.memory_space<vmem>>
          tpu.wait_dma2 semaphore(%dma_wait3A_871 : memref<!tpu.dma_semaphore, #tpu.memory_space<semaphore_mem>>) src(%dma_wait3A_878 : memref<2x4096xf32, #tpu.memory_space<vmem>>) dst(%dma_wait3A_874 : memref<2x4096xf32, #tpu.memory_space<hbm>>)
        } else {
        }
        %add3A_828 = arith.constant 1 : i32
        %add3A_829 = arith.addi %add3A_306, %add3A_828 : i32
        %mul3A_830 = arith.constant 2 : i32
        %mul3A_831 = arith.muli %add3A_829, %mul3A_830 : i32
        %add3A_832 = arith.addi %mul3A_2, %mul3A_831 : i32
        %dma_start3A_833 = arith.constant 3 : i32
        %dma_start3A_834 = arith.constant 3 : i32
        %dma_start3A_835 = arith.constant 1 : i32
        %dma_start3A_836 = arith.constant 3 : i32
        %dma_start3A_837 = arith.constant 1 : i32
        %dma_start3A_838 = arith.constant 0 : i32
        %dma_start3A_839 = arith.constant 0 : i32
        %dma_start3A_840 = tpu.memref_slice %arg6[%dma_start3A_834, %dma_start3A_835, %dma_start3A_838, %dma_start3A_839] : memref<4x2x2x4096xf32, #tpu.memory_space<vmem>> -> memref<1x1x2x4096xf32, #tpu.memory_space<vmem>>
        %dma_start3A_841 = tpu.memref_squeeze %dma_start3A_840 : memref<1x1x2x4096xf32, #tpu.memory_space<vmem>> -> memref<2x4096xf32, #tpu.memory_space<vmem>>
        %dma_start3A_842 = arith.constant 0 : i32
        %dma_start3A_843 = tpu.memref_slice %arg2[%dma_start3A_833, %add3A_832, %dma_start3A_842] : memref<4x2048x4096xf32, #tpu.memory_space<hbm>> -> memref<1x2x4096xf32, #tpu.memory_space<hbm>>
        %dma_start3A_844 = tpu.memref_squeeze %dma_start3A_843 : memref<1x2x4096xf32, #tpu.memory_space<hbm>> -> memref<2x4096xf32, #tpu.memory_space<hbm>>
        %dma_start3A_845 = tpu.memref_slice %arg8[%dma_start3A_836, %dma_start3A_837] : memref<4x2x!tpu.dma_semaphore, #tpu.memory_space<semaphore_mem>> -> memref<1x1x!tpu.dma_semaphore, #tpu.memory_space<semaphore_mem>>
        %dma_start3A_846 = tpu.memref_squeeze %dma_start3A_845 : memref<1x1x!tpu.dma_semaphore, #tpu.memory_space<semaphore_mem>> -> memref<!tpu.dma_semaphore, #tpu.memory_space<semaphore_mem>>
        %dma_start3A_847 = arith.constant 0 : i32
        %dma_start3A_848 = arith.constant 0 : i32
        %dma_start3A_849 = tpu.memref_slice %arg6[%dma_start3A_834, %dma_start3A_835, %dma_start3A_847, %dma_start3A_848] : memref<4x2x2x4096xf32, #tpu.memory_space<vmem>> -> memref<1x1x2x4096xf32, #tpu.memory_space<vmem>>
        %dma_start3A_850 = tpu.memref_squeeze %dma_start3A_849 : memref<1x1x2x4096xf32, #tpu.memory_space<vmem>> -> memref<2x4096xf32, #tpu.memory_space<vmem>>
        %dma_start3A_851 = arith.constant 0 : i32
        %dma_start3A_852 = tpu.memref_slice %arg2[%dma_start3A_833, %add3A_832, %dma_start3A_851] : memref<4x2048x4096xf32, #tpu.memory_space<hbm>> -> memref<1x2x4096xf32, #tpu.memory_space<hbm>>
        %dma_start3A_853 = tpu.memref_squeeze %dma_start3A_852 : memref<1x2x4096xf32, #tpu.memory_space<hbm>> -> memref<2x4096xf32, #tpu.memory_space<hbm>>
        tpu.enqueue_dma source(%dma_start3A_853 : memref<2x4096xf32, #tpu.memory_space<hbm>>) target(%dma_start3A_850 : memref<2x4096xf32, #tpu.memory_space<vmem>>) target_semaphore(%dma_start3A_846 : memref<!tpu.dma_semaphore, #tpu.memory_space<semaphore_mem>>)
      } else {
      }
      %parallel_loop3A_534 = arith.constant 0 : i32
      %parallel_loop3A_535 = arith.constant 512 : i32
      %parallel_loop3A_536 = arith.constant 1 : i32
      scf.for %parallel_loop3A_824 = %parallel_loop3A_534 to %parallel_loop3A_535 step %parallel_loop3A_536  : i32 {
        %parallel_loop3A_825 = arith.constant 256 : i32
        %parallel_loop3A_826 = arith.divsi %parallel_loop3A_824, %parallel_loop3A_825 : i32
        %parallel_loop3A_827 = arith.constant 0 : i32
        %parallel_loop3A_828 = arith.cmpi sgt, %parallel_loop3A_824, %parallel_loop3A_827 : i32
        %parallel_loop3A_829 = arith.extui %parallel_loop3A_828 : i1 to i32
        %parallel_loop3A_830 = arith.constant 0 : i32
        %parallel_loop3A_831 = arith.cmpi slt, %parallel_loop3A_824, %parallel_loop3A_830 : i32
        %parallel_loop3A_832 = arith.extui %parallel_loop3A_831 : i1 to i32
        %parallel_loop3A_833 = arith.subi %parallel_loop3A_829, %parallel_loop3A_832 : i32
        %parallel_loop3A_834 = arith.constant 0 : i32
        %parallel_loop3A_835 = arith.cmpi sgt, %parallel_loop3A_825, %parallel_loop3A_834 : i32
        %parallel_loop3A_836 = arith.extui %parallel_loop3A_835 : i1 to i32
        %parallel_loop3A_837 = arith.constant 0 : i32
        %parallel_loop3A_838 = arith.cmpi slt, %parallel_loop3A_825, %parallel_loop3A_837 : i32
        %parallel_loop3A_839 = arith.extui %parallel_loop3A_838 : i1 to i32
        %parallel_loop3A_840 = arith.subi %parallel_loop3A_836, %parallel_loop3A_839 : i32
        %parallel_loop3A_841 = arith.cmpi ne, %parallel_loop3A_833, %parallel_loop3A_840 : i32
        %parallel_loop3A_842 = arith.remsi %parallel_loop3A_824, %parallel_loop3A_825 : i32
        %parallel_loop3A_843 = arith.constant 0 : i32
        %parallel_loop3A_844 = arith.cmpi ne, %parallel_loop3A_842, %parallel_loop3A_843 : i32
        %parallel_loop3A_845 = arith.andi %parallel_loop3A_841, %parallel_loop3A_844 : i1
        %parallel_loop3A_846 = arith.constant 1 : i32
        %parallel_loop3A_847 = arith.subi %parallel_loop3A_826, %parallel_loop3A_846 : i32
        %parallel_loop3A_848 = arith.select %parallel_loop3A_845, %parallel_loop3A_847, %parallel_loop3A_826 : i32
        %parallel_loop3A_849 = arith.constant 256 : i32
        %parallel_loop3A_850 = arith.constant 0 : i32
        %parallel_loop3A_851 = arith.cmpi eq, %parallel_loop3A_849, %parallel_loop3A_850 : i32
        %parallel_loop3A_852 = arith.constant 1 : i32
        %parallel_loop3A_853 = arith.select %parallel_loop3A_851, %parallel_loop3A_852, %parallel_loop3A_849 : i32
        %parallel_loop3A_854 = arith.remsi %parallel_loop3A_824, %parallel_loop3A_853 : i32
        %parallel_loop3A_855 = arith.constant 0 : i32
        %parallel_loop3A_856 = arith.cmpi ne, %parallel_loop3A_854, %parallel_loop3A_855 : i32
        %parallel_loop3A_857 = arith.constant 0 : i32
        %parallel_loop3A_858 = arith.cmpi slt, %parallel_loop3A_854, %parallel_loop3A_857 : i32
        %parallel_loop3A_859 = arith.constant 0 : i32
        %parallel_loop3A_860 = arith.cmpi slt, %parallel_loop3A_853, %parallel_loop3A_859 : i32
        %parallel_loop3A_861 = arith.xori %parallel_loop3A_858, %parallel_loop3A_860 : i1
        %parallel_loop3A_862 = arith.andi %parallel_loop3A_861, %parallel_loop3A_856 : i1
        %parallel_loop3A_863 = arith.addi %parallel_loop3A_854, %parallel_loop3A_853 : i32
        %parallel_loop3A_864 = arith.select %parallel_loop3A_862, %parallel_loop3A_863, %parallel_loop3A_854 : i32
        %parallel_loop3A_865 = arith.constant 16 : i32
        %parallel_loop3A_866 = arith.muli %parallel_loop3A_864, %parallel_loop3A_865 : i32
        %parallel_loop3A_867 = arith.constant 0 : i32
        %parallel_loop3A_868 = arith.index_cast %parallel_loop3A_867 : i32 to index
        %parallel_loop3A_869 = arith.index_cast %parallel_loop3A_848 : i32 to index
        %parallel_loop3A_870 = arith.index_cast %parallel_loop3A_866 : i32 to index
        %parallel_loop3A_871 = tpu.vector_load %arg5[%parallel_loop3A_868, %parallel_loop3A_869, %parallel_loop3A_870] {strides = array<i32>} : memref<2x2x4096xf32, #tpu.memory_space<vmem>>, vector<1x1x16xf32>,
        %parallel_loop3A_872 = vector.shape_cast %parallel_loop3A_871 : vector<1x1x16xf32> to vector<16xf32>
        %parallel_loop3A_873 = arith.constant 3 : i32
        %parallel_loop3A_874 = arith.constant 0 : i32
        %parallel_loop3A_875 = arith.index_cast %parallel_loop3A_873 : i32 to index
        %parallel_loop3A_876 = arith.index_cast %parallel_loop3A_874 : i32 to index
        %parallel_loop3A_877 = arith.index_cast %parallel_loop3A_848 : i32 to index
        %parallel_loop3A_878 = arith.index_cast %parallel_loop3A_866 : i32 to index
        %parallel_loop3A_879 = tpu.vector_load %arg6[%parallel_loop3A_875, %parallel_loop3A_876, %parallel_loop3A_877, %parallel_loop3A_878] {strides = array<i32>} : memref<4x2x2x4096xf32, #tpu.memory_space<vmem>>, vector<1x1x1x16xf32>,
        %parallel_loop3A_880 = vector.shape_cast %parallel_loop3A_879 : vector<1x1x1x16xf32> to vector<16xf32>
        %parallel_loop3A_881 = vector.shape_cast %parallel_loop3A_872 : vector<16xf32> to vector<1x1x1x16xf32>
        tpu.vector_store %arg6[%parallel_loop3A_875, %parallel_loop3A_876, %parallel_loop3A_877, %parallel_loop3A_878], %parallel_loop3A_881 {add = true, strides = array<i32>} : memref<4x2x2x4096xf32, #tpu.memory_space<vmem>>, vector<1x1x1x16xf32>,
      } {sc.loop_unroll_factor = 8 : i64, sc.parallel_access}
      %mul3A_537 = arith.constant 2 : i32
      %mul3A_538 = arith.muli %add3A_306, %mul3A_537 : i32
      %add3A_539 = arith.addi %mul3A_2, %mul3A_538 : i32
      %dma_start3A_540 = arith.constant 3 : i32
      %dma_start3A_541 = arith.constant 0 : i32
      %dma_start3A_542 = arith.constant 3 : i32
      %dma_start3A_543 = arith.constant 3 : i32
      %dma_start3A_544 = arith.constant 0 : i32
      %dma_start3A_545 = arith.constant 0 : i32
      %dma_start3A_546 = arith.constant 0 : i32
      %dma_start3A_547 = tpu.memref_slice %arg6[%dma_start3A_540, %dma_start3A_541, %dma_start3A_545, %dma_start3A_546] : memref<4x2x2x4096xf32, #tpu.memory_space<vmem>> -> memref<1x1x2x4096xf32, #tpu.memory_space<vmem>>
      %dma_start3A_548 = tpu.memref_squeeze %dma_start3A_547 : memref<1x1x2x4096xf32, #tpu.memory_space<vmem>> -> memref<2x4096xf32, #tpu.memory_space<vmem>>
      %dma_start3A_549 = arith.constant 0 : i32
      %dma_start3A_550 = tpu.memref_slice %arg4[%dma_start3A_542, %add3A_539, %dma_start3A_549] : memref<4x2048x4096xf32, #tpu.memory_space<hbm>> -> memref<1x2x4096xf32, #tpu.memory_space<hbm>>
      %dma_start3A_551 = tpu.memref_squeeze %dma_start3A_550 : memref<1x2x4096xf32, #tpu.memory_space<hbm>> -> memref<2x4096xf32, #tpu.memory_space<hbm>>
      %dma_start3A_552 = tpu.memref_slice %arg9[%dma_start3A_543, %dma_start3A_544] : memref<4x2x!tpu.dma_semaphore, #tpu.memory_space<semaphore_mem>> -> memref<1x1x!tpu.dma_semaphore, #tpu.memory_space<semaphore_mem>>
      %dma_start3A_553 = tpu.memref_squeeze %dma_start3A_552 : memref<1x1x!tpu.dma_semaphore, #tpu.memory_space<semaphore_mem>> -> memref<!tpu.dma_semaphore, #tpu.memory_space<semaphore_mem>>
      %dma_start3A_554 = arith.constant 0 : i32
      %dma_start3A_555 = tpu.memref_slice %arg4[%dma_start3A_542, %add3A_539, %dma_start3A_554] : memref<4x2048x4096xf32, #tpu.memory_space<hbm>> -> memref<1x2x4096xf32, #tpu.memory_space<hbm>>
      %dma_start3A_556 = tpu.memref_squeeze %dma_start3A_555 : memref<1x2x4096xf32, #tpu.memory_space<hbm>> -> memref<2x4096xf32, #tpu.memory_space<hbm>>
      %dma_start3A_557 = arith.constant 0 : i32
      %dma_start3A_558 = arith.constant 0 : i32
      %dma_start3A_559 = tpu.memref_slice %arg6[%dma_start3A_540, %dma_start3A_541, %dma_start3A_557, %dma_start3A_558] : memref<4x2x2x4096xf32, #tpu.memory_space<vmem>> -> memref<1x1x2x4096xf32, #tpu.memory_space<vmem>>
      %dma_start3A_560 = tpu.memref_squeeze %dma_start3A_559 : memref<1x1x2x4096xf32, #tpu.memory_space<vmem>> -> memref<2x4096xf32, #tpu.memory_space<vmem>>
      tpu.enqueue_dma source(%dma_start3A_560 : memref<2x4096xf32, #tpu.memory_space<vmem>>) target(%dma_start3A_556 : memref<2x4096xf32, #tpu.memory_space<hbm>>) target_semaphore(%dma_start3A_553 : memref<!tpu.dma_semaphore, #tpu.memory_space<semaphore_mem>>)
      %mul3A_561 = arith.constant 2 : i32
      %mul3A_562 = arith.muli %scan3A_301, %mul3A_561 : i32
      %add3A_563 = arith.constant 1 : i32
      %add3A_564 = arith.addi %mul3A_562, %add3A_563 : i32
      %mul3A_565 = arith.constant 2 : i32
      %mul3A_566 = arith.muli %add3A_564, %mul3A_565 : i32
      %add3A_567 = arith.addi %mul3A_2, %mul3A_566 : i32
      %dma_wait3A_568 = arith.constant 1 : i32
      %dma_wait3A_569 = arith.constant 1 : i32
      %dma_wait3A_570 = arith.constant 0 : i32
      %dma_wait3A_571 = arith.constant 0 : i32
      %dma_wait3A_572 = tpu.memref_slice %arg5[%dma_wait3A_568, %dma_wait3A_570, %dma_wait3A_571] : memref<2x2x4096xf32, #tpu.memory_space<vmem>> -> memref<1x2x4096xf32, #tpu.memory_space<vmem>>
      %dma_wait3A_573 = tpu.memref_squeeze %dma_wait3A_572 : memref<1x2x4096xf32, #tpu.memory_space<vmem>> -> memref<2x4096xf32, #tpu.memory_space<vmem>>
      %dma_wait3A_574 = arith.constant 0 : i32
      %dma_wait3A_575 = tpu.memref_slice %arg3[%add3A_567, %dma_wait3A_574] : memref<2048x4096xf32, #tpu.memory_space<hbm>> -> memref<2x4096xf32, #tpu.memory_space<hbm>>
      %dma_wait3A_576 = tpu.memref_slice %arg7[%dma_wait3A_569] : memref<2x!tpu.dma_semaphore, #tpu.memory_space<semaphore_mem>> -> memref<1x!tpu.dma_semaphore, #tpu.memory_space<semaphore_mem>>
      %dma_wait3A_577 = tpu.memref_squeeze %dma_wait3A_576 : memref<1x!tpu.dma_semaphore, #tpu.memory_space<semaphore_mem>> -> memref<!tpu.dma_semaphore, #tpu.memory_space<semaphore_mem>>
      %dma_wait3A_578 = arith.constant 0 : i32
      %dma_wait3A_579 = arith.constant 0 : i32
      %dma_wait3A_580 = tpu.memref_slice %arg5[%dma_wait3A_568, %dma_wait3A_578, %dma_wait3A_579] : memref<2x2x4096xf32, #tpu.memory_space<vmem>> -> memref<1x2x4096xf32, #tpu.memory_space<vmem>>
      %dma_wait3A_581 = tpu.memref_squeeze %dma_wait3A_580 : memref<1x2x4096xf32, #tpu.memory_space<vmem>> -> memref<2x4096xf32, #tpu.memory_space<vmem>>
      %dma_wait3A_582 = arith.constant 0 : i32
      %dma_wait3A_583 = tpu.memref_slice %arg3[%add3A_567, %dma_wait3A_582] : memref<2048x4096xf32, #tpu.memory_space<hbm>> -> memref<2x4096xf32, #tpu.memory_space<hbm>>
      tpu.wait_dma2 semaphore(%dma_wait3A_577 : memref<!tpu.dma_semaphore, #tpu.memory_space<semaphore_mem>>) src(%dma_wait3A_583 : memref<2x4096xf32, #tpu.memory_space<hbm>>) dst(%dma_wait3A_581 : memref<2x4096xf32, #tpu.memory_space<vmem>>)
      %add3A_584 = arith.constant 1 : i32
      %add3A_585 = arith.addi %add3A_564, %add3A_584 : i32
      %lt3A_586 = arith.constant 32 : i32
      %lt3A_587 = arith.cmpi slt, %add3A_585, %lt3A_586 : i32
      %convert_element_type3A_588 = arith.extui %lt3A_587 : i1 to i32
      %cond3A_589 = arith.constant 0 : i32
      %cond3A_590 = arith.cmpi ne, %convert_element_type3A_588, %cond3A_589 : i32
      scf.if %cond3A_590 {
        %add3A_824 = arith.constant 1 : i32
        %add3A_825 = arith.addi %add3A_564, %add3A_824 : i32
        %mul3A_826 = arith.constant 2 : i32
        %mul3A_827 = arith.muli %add3A_825, %mul3A_826 : i32
        %add3A_828 = arith.addi %mul3A_2, %mul3A_827 : i32
        %dma_start3A_829 = arith.constant 0 : i32
        %dma_start3A_830 = arith.constant 0 : i32
        %dma_start3A_831 = arith.constant 0 : i32
        %dma_start3A_832 = arith.constant 0 : i32
        %dma_start3A_833 = tpu.memref_slice %arg5[%dma_start3A_829, %dma_start3A_831, %dma_start3A_832] : memref<2x2x4096xf32, #tpu.memory_space<vmem>> -> memref<1x2x4096xf32, #tpu.memory_space<vmem>>
        %dma_start3A_834 = tpu.memref_squeeze %dma_start3A_833 : memref<1x2x4096xf32, #tpu.memory_space<vmem>> -> memref<2x4096xf32, #tpu.memory_space<vmem>>
        %dma_start3A_835 = arith.constant 0 : i32
        %dma_start3A_836 = tpu.memref_slice %arg3[%add3A_828, %dma_start3A_835] : memref<2048x4096xf32, #tpu.memory_space<hbm>> -> memref<2x4096xf32, #tpu.memory_space<hbm>>
        %dma_start3A_837 = tpu.memref_slice %arg7[%dma_start3A_830] : memref<2x!tpu.dma_semaphore, #tpu.memory_space<semaphore_mem>> -> memref<1x!tpu.dma_semaphore, #tpu.memory_space<semaphore_mem>>
        %dma_start3A_838 = tpu.memref_squeeze %dma_start3A_837 : memref<1x!tpu.dma_semaphore, #tpu.memory_space<semaphore_mem>> -> memref<!tpu.dma_semaphore, #tpu.memory_space<semaphore_mem>>
        %dma_start3A_839 = arith.constant 0 : i32
        %dma_start3A_840 = arith.constant 0 : i32
        %dma_start3A_841 = tpu.memref_slice %arg5[%dma_start3A_829, %dma_start3A_839, %dma_start3A_840] : memref<2x2x4096xf32, #tpu.memory_space<vmem>> -> memref<1x2x4096xf32, #tpu.memory_space<vmem>>
        %dma_start3A_842 = tpu.memref_squeeze %dma_start3A_841 : memref<1x2x4096xf32, #tpu.memory_space<vmem>> -> memref<2x4096xf32, #tpu.memory_space<vmem>>
        %dma_start3A_843 = arith.constant 0 : i32
        %dma_start3A_844 = tpu.memref_slice %arg3[%add3A_828, %dma_start3A_843] : memref<2048x4096xf32, #tpu.memory_space<hbm>> -> memref<2x4096xf32, #tpu.memory_space<hbm>>
        tpu.enqueue_dma source(%dma_start3A_844 : memref<2x4096xf32, #tpu.memory_space<hbm>>) target(%dma_start3A_842 : memref<2x4096xf32, #tpu.memory_space<vmem>>) target_semaphore(%dma_start3A_838 : memref<!tpu.dma_semaphore, #tpu.memory_space<semaphore_mem>>)
      } else {
      }
      %mul3A_591 = arith.constant 2 : i32
      %mul3A_592 = arith.muli %add3A_564, %mul3A_591 : i32
      %add3A_593 = arith.addi %mul3A_2, %mul3A_592 : i32
      %dma_wait3A_594 = arith.constant 0 : i32
      %dma_wait3A_595 = arith.constant 0 : i32
      %dma_wait3A_596 = arith.constant 1 : i32
      %dma_wait3A_597 = arith.constant 0 : i32
      %dma_wait3A_598 = arith.constant 1 : i32
      %dma_wait3A_599 = arith.constant 0 : i32
      %dma_wait3A_600 = arith.constant 0 : i32
      %dma_wait3A_601 = tpu.memref_slice %arg6[%dma_wait3A_595, %dma_wait3A_596, %dma_wait3A_599, %dma_wait3A_600] : memref<4x2x2x4096xf32, #tpu.memory_space<vmem>> -> memref<1x1x2x4096xf32, #tpu.memory_space<vmem>>
      %dma_wait3A_602 = tpu.memref_squeeze %dma_wait3A_601 : memref<1x1x2x4096xf32, #tpu.memory_space<vmem>> -> memref<2x4096xf32, #tpu.memory_space<vmem>>
      %dma_wait3A_603 = arith.constant 0 : i32
      %dma_wait3A_604 = tpu.memref_slice %arg2[%dma_wait3A_594, %add3A_593, %dma_wait3A_603] : memref<4x2048x4096xf32, #tpu.memory_space<hbm>> -> memref<1x2x4096xf32, #tpu.memory_space<hbm>>
      %dma_wait3A_605 = tpu.memref_squeeze %dma_wait3A_604 : memref<1x2x4096xf32, #tpu.memory_space<hbm>> -> memref<2x4096xf32, #tpu.memory_space<hbm>>
      %dma_wait3A_606 = tpu.memref_slice %arg8[%dma_wait3A_597, %dma_wait3A_598] : memref<4x2x!tpu.dma_semaphore, #tpu.memory_space<semaphore_mem>> -> memref<1x1x!tpu.dma_semaphore, #tpu.memory_space<semaphore_mem>>
      %dma_wait3A_607 = tpu.memref_squeeze %dma_wait3A_606 : memref<1x1x!tpu.dma_semaphore, #tpu.memory_space<semaphore_mem>> -> memref<!tpu.dma_semaphore, #tpu.memory_space<semaphore_mem>>
      %dma_wait3A_608 = arith.constant 0 : i32
      %dma_wait3A_609 = arith.constant 0 : i32
      %dma_wait3A_610 = tpu.memref_slice %arg6[%dma_wait3A_595, %dma_wait3A_596, %dma_wait3A_608, %dma_wait3A_609] : memref<4x2x2x4096xf32, #tpu.memory_space<vmem>> -> memref<1x1x2x4096xf32, #tpu.memory_space<vmem>>
      %dma_wait3A_611 = tpu.memref_squeeze %dma_wait3A_610 : memref<1x1x2x4096xf32, #tpu.memory_space<vmem>> -> memref<2x4096xf32, #tpu.memory_space<vmem>>
      %dma_wait3A_612 = arith.constant 0 : i32
      %dma_wait3A_613 = tpu.memref_slice %arg2[%dma_wait3A_594, %add3A_593, %dma_wait3A_612] : memref<4x2048x4096xf32, #tpu.memory_space<hbm>> -> memref<1x2x4096xf32, #tpu.memory_space<hbm>>
      %dma_wait3A_614 = tpu.memref_squeeze %dma_wait3A_613 : memref<1x2x4096xf32, #tpu.memory_space<hbm>> -> memref<2x4096xf32, #tpu.memory_space<hbm>>
      tpu.wait_dma2 semaphore(%dma_wait3A_607 : memref<!tpu.dma_semaphore, #tpu.memory_space<semaphore_mem>>) src(%dma_wait3A_614 : memref<2x4096xf32, #tpu.memory_space<hbm>>) dst(%dma_wait3A_611 : memref<2x4096xf32, #tpu.memory_space<vmem>>)
      %add3A_615 = arith.constant 1 : i32
      %add3A_616 = arith.addi %add3A_564, %add3A_615 : i32
      %lt3A_617 = arith.constant 32 : i32
      %lt3A_618 = arith.cmpi slt, %add3A_616, %lt3A_617 : i32
      %convert_element_type3A_619 = arith.extui %lt3A_618 : i1 to i32
      %cond3A_620 = arith.constant 0 : i32
      %cond3A_621 = arith.cmpi ne, %convert_element_type3A_619, %cond3A_620 : i32
      scf.if %cond3A_621 {
        %ge3A = arith.constant 1 : i32
        %ge3A_824 = arith.cmpi sge, %add3A_564, %ge3A : i32
        %convert_element_type3A_825 = arith.extui %ge3A_824 : i1 to i32
        %cond3A_826 = arith.constant 0 : i32
        %cond3A_827 = arith.cmpi ne, %convert_element_type3A_825, %cond3A_826 : i32
        scf.if %cond3A_827 {
          %sub3A = arith.constant 1 : i32
          %sub3A_854 = arith.subi %add3A_564, %sub3A : i32
          %mul3A_855 = arith.constant 2 : i32
          %mul3A_856 = arith.muli %sub3A_854, %mul3A_855 : i32
          %add3A_857 = arith.addi %mul3A_2, %mul3A_856 : i32
          %dma_wait3A_858 = arith.constant 0 : i32
          %dma_wait3A_859 = arith.constant 0 : i32
          %dma_wait3A_860 = arith.constant 0 : i32
          %dma_wait3A_861 = arith.constant 0 : i32
          %dma_wait3A_862 = arith.constant 0 : i32
          %dma_wait3A_863 = arith.constant 0 : i32
          %dma_wait3A_864 = arith.constant 0 : i32
          %dma_wait3A_865 = tpu.memref_slice %arg6[%dma_wait3A_858, %dma_wait3A_859, %dma_wait3A_863, %dma_wait3A_864] : memref<4x2x2x4096xf32, #tpu.memory_space<vmem>> -> memref<1x1x2x4096xf32, #tpu.memory_space<vmem>>
          %dma_wait3A_866 = tpu.memref_squeeze %dma_wait3A_865 : memref<1x1x2x4096xf32, #tpu.memory_space<vmem>> -> memref<2x4096xf32, #tpu.memory_space<vmem>>
          %dma_wait3A_867 = arith.constant 0 : i32
          %dma_wait3A_868 = tpu.memref_slice %arg4[%dma_wait3A_860, %add3A_857, %dma_wait3A_867] : memref<4x2048x4096xf32, #tpu.memory_space<hbm>> -> memref<1x2x4096xf32, #tpu.memory_space<hbm>>
          %dma_wait3A_869 = tpu.memref_squeeze %dma_wait3A_868 : memref<1x2x4096xf32, #tpu.memory_space<hbm>> -> memref<2x4096xf32, #tpu.memory_space<hbm>>
          %dma_wait3A_870 = tpu.memref_slice %arg9[%dma_wait3A_861, %dma_wait3A_862] : memref<4x2x!tpu.dma_semaphore, #tpu.memory_space<semaphore_mem>> -> memref<1x1x!tpu.dma_semaphore, #tpu.memory_space<semaphore_mem>>
          %dma_wait3A_871 = tpu.memref_squeeze %dma_wait3A_870 : memref<1x1x!tpu.dma_semaphore, #tpu.memory_space<semaphore_mem>> -> memref<!tpu.dma_semaphore, #tpu.memory_space<semaphore_mem>>
          %dma_wait3A_872 = arith.constant 0 : i32
          %dma_wait3A_873 = tpu.memref_slice %arg4[%dma_wait3A_860, %add3A_857, %dma_wait3A_872] : memref<4x2048x4096xf32, #tpu.memory_space<hbm>> -> memref<1x2x4096xf32, #tpu.memory_space<hbm>>
          %dma_wait3A_874 = tpu.memref_squeeze %dma_wait3A_873 : memref<1x2x4096xf32, #tpu.memory_space<hbm>> -> memref<2x4096xf32, #tpu.memory_space<hbm>>
          %dma_wait3A_875 = arith.constant 0 : i32
          %dma_wait3A_876 = arith.constant 0 : i32
          %dma_wait3A_877 = tpu.memref_slice %arg6[%dma_wait3A_858, %dma_wait3A_859, %dma_wait3A_875, %dma_wait3A_876] : memref<4x2x2x4096xf32, #tpu.memory_space<vmem>> -> memref<1x1x2x4096xf32, #tpu.memory_space<vmem>>
          %dma_wait3A_878 = tpu.memref_squeeze %dma_wait3A_877 : memref<1x1x2x4096xf32, #tpu.memory_space<vmem>> -> memref<2x4096xf32, #tpu.memory_space<vmem>>
          tpu.wait_dma2 semaphore(%dma_wait3A_871 : memref<!tpu.dma_semaphore, #tpu.memory_space<semaphore_mem>>) src(%dma_wait3A_878 : memref<2x4096xf32, #tpu.memory_space<vmem>>) dst(%dma_wait3A_874 : memref<2x4096xf32, #tpu.memory_space<hbm>>)
        } else {
        }
        %add3A_828 = arith.constant 1 : i32
        %add3A_829 = arith.addi %add3A_564, %add3A_828 : i32
        %mul3A_830 = arith.constant 2 : i32
        %mul3A_831 = arith.muli %add3A_829, %mul3A_830 : i32
        %add3A_832 = arith.addi %mul3A_2, %mul3A_831 : i32
        %dma_start3A_833 = arith.constant 0 : i32
        %dma_start3A_834 = arith.constant 0 : i32
        %dma_start3A_835 = arith.constant 0 : i32
        %dma_start3A_836 = arith.constant 0 : i32
        %dma_start3A_837 = arith.constant 0 : i32
        %dma_start3A_838 = arith.constant 0 : i32
        %dma_start3A_839 = arith.constant 0 : i32
        %dma_start3A_840 = tpu.memref_slice %arg6[%dma_start3A_834, %dma_start3A_835, %dma_start3A_838, %dma_start3A_839] : memref<4x2x2x4096xf32, #tpu.memory_space<vmem>> -> memref<1x1x2x4096xf32, #tpu.memory_space<vmem>>
        %dma_start3A_841 = tpu.memref_squeeze %dma_start3A_840 : memref<1x1x2x4096xf32, #tpu.memory_space<vmem>> -> memref<2x4096xf32, #tpu.memory_space<vmem>>
        %dma_start3A_842 = arith.constant 0 : i32
        %dma_start3A_843 = tpu.memref_slice %arg2[%dma_start3A_833, %add3A_832, %dma_start3A_842] : memref<4x2048x4096xf32, #tpu.memory_space<hbm>> -> memref<1x2x4096xf32, #tpu.memory_space<hbm>>
        %dma_start3A_844 = tpu.memref_squeeze %dma_start3A_843 : memref<1x2x4096xf32, #tpu.memory_space<hbm>> -> memref<2x4096xf32, #tpu.memory_space<hbm>>
        %dma_start3A_845 = tpu.memref_slice %arg8[%dma_start3A_836, %dma_start3A_837] : memref<4x2x!tpu.dma_semaphore, #tpu.memory_space<semaphore_mem>> -> memref<1x1x!tpu.dma_semaphore, #tpu.memory_space<semaphore_mem>>
        %dma_start3A_846 = tpu.memref_squeeze %dma_start3A_845 : memref<1x1x!tpu.dma_semaphore, #tpu.memory_space<semaphore_mem>> -> memref<!tpu.dma_semaphore, #tpu.memory_space<semaphore_mem>>
        %dma_start3A_847 = arith.constant 0 : i32
        %dma_start3A_848 = arith.constant 0 : i32
        %dma_start3A_849 = tpu.memref_slice %arg6[%dma_start3A_834, %dma_start3A_835, %dma_start3A_847, %dma_start3A_848] : memref<4x2x2x4096xf32, #tpu.memory_space<vmem>> -> memref<1x1x2x4096xf32, #tpu.memory_space<vmem>>
        %dma_start3A_850 = tpu.memref_squeeze %dma_start3A_849 : memref<1x1x2x4096xf32, #tpu.memory_space<vmem>> -> memref<2x4096xf32, #tpu.memory_space<vmem>>
        %dma_start3A_851 = arith.constant 0 : i32
        %dma_start3A_852 = tpu.memref_slice %arg2[%dma_start3A_833, %add3A_832, %dma_start3A_851] : memref<4x2048x4096xf32, #tpu.memory_space<hbm>> -> memref<1x2x4096xf32, #tpu.memory_space<hbm>>
        %dma_start3A_853 = tpu.memref_squeeze %dma_start3A_852 : memref<1x2x4096xf32, #tpu.memory_space<hbm>> -> memref<2x4096xf32, #tpu.memory_space<hbm>>
        tpu.enqueue_dma source(%dma_start3A_853 : memref<2x4096xf32, #tpu.memory_space<hbm>>) target(%dma_start3A_850 : memref<2x4096xf32, #tpu.memory_space<vmem>>) target_semaphore(%dma_start3A_846 : memref<!tpu.dma_semaphore, #tpu.memory_space<semaphore_mem>>)
      } else {
      }
      %parallel_loop3A_622 = arith.constant 0 : i32
      %parallel_loop3A_623 = arith.constant 512 : i32
      %parallel_loop3A_624 = arith.constant 1 : i32
      scf.for %parallel_loop3A_824 = %parallel_loop3A_622 to %parallel_loop3A_623 step %parallel_loop3A_624  : i32 {
        %parallel_loop3A_825 = arith.constant 256 : i32
        %parallel_loop3A_826 = arith.divsi %parallel_loop3A_824, %parallel_loop3A_825 : i32
        %parallel_loop3A_827 = arith.constant 0 : i32
        %parallel_loop3A_828 = arith.cmpi sgt, %parallel_loop3A_824, %parallel_loop3A_827 : i32
        %parallel_loop3A_829 = arith.extui %parallel_loop3A_828 : i1 to i32
        %parallel_loop3A_830 = arith.constant 0 : i32
        %parallel_loop3A_831 = arith.cmpi slt, %parallel_loop3A_824, %parallel_loop3A_830 : i32
        %parallel_loop3A_832 = arith.extui %parallel_loop3A_831 : i1 to i32
        %parallel_loop3A_833 = arith.subi %parallel_loop3A_829, %parallel_loop3A_832 : i32
        %parallel_loop3A_834 = arith.constant 0 : i32
        %parallel_loop3A_835 = arith.cmpi sgt, %parallel_loop3A_825, %parallel_loop3A_834 : i32
        %parallel_loop3A_836 = arith.extui %parallel_loop3A_835 : i1 to i32
        %parallel_loop3A_837 = arith.constant 0 : i32
        %parallel_loop3A_838 = arith.cmpi slt, %parallel_loop3A_825, %parallel_loop3A_837 : i32
        %parallel_loop3A_839 = arith.extui %parallel_loop3A_838 : i1 to i32
        %parallel_loop3A_840 = arith.subi %parallel_loop3A_836, %parallel_loop3A_839 : i32
        %parallel_loop3A_841 = arith.cmpi ne, %parallel_loop3A_833, %parallel_loop3A_840 : i32
        %parallel_loop3A_842 = arith.remsi %parallel_loop3A_824, %parallel_loop3A_825 : i32
        %parallel_loop3A_843 = arith.constant 0 : i32
        %parallel_loop3A_844 = arith.cmpi ne, %parallel_loop3A_842, %parallel_loop3A_843 : i32
        %parallel_loop3A_845 = arith.andi %parallel_loop3A_841, %parallel_loop3A_844 : i1
        %parallel_loop3A_846 = arith.constant 1 : i32
        %parallel_loop3A_847 = arith.subi %parallel_loop3A_826, %parallel_loop3A_846 : i32
        %parallel_loop3A_848 = arith.select %parallel_loop3A_845, %parallel_loop3A_847, %parallel_loop3A_826 : i32
        %parallel_loop3A_849 = arith.constant 256 : i32
        %parallel_loop3A_850 = arith.constant 0 : i32
        %parallel_loop3A_851 = arith.cmpi eq, %parallel_loop3A_849, %parallel_loop3A_850 : i32
        %parallel_loop3A_852 = arith.constant 1 : i32
        %parallel_loop3A_853 = arith.select %parallel_loop3A_851, %parallel_loop3A_852, %parallel_loop3A_849 : i32
        %parallel_loop3A_854 = arith.remsi %parallel_loop3A_824, %parallel_loop3A_853 : i32
        %parallel_loop3A_855 = arith.constant 0 : i32
        %parallel_loop3A_856 = arith.cmpi ne, %parallel_loop3A_854, %parallel_loop3A_855 : i32
        %parallel_loop3A_857 = arith.constant 0 : i32
        %parallel_loop3A_858 = arith.cmpi slt, %parallel_loop3A_854, %parallel_loop3A_857 : i32
        %parallel_loop3A_859 = arith.constant 0 : i32
        %parallel_loop3A_860 = arith.cmpi slt, %parallel_loop3A_853, %parallel_loop3A_859 : i32
        %parallel_loop3A_861 = arith.xori %parallel_loop3A_858, %parallel_loop3A_860 : i1
        %parallel_loop3A_862 = arith.andi %parallel_loop3A_861, %parallel_loop3A_856 : i1
        %parallel_loop3A_863 = arith.addi %parallel_loop3A_854, %parallel_loop3A_853 : i32
        %parallel_loop3A_864 = arith.select %parallel_loop3A_862, %parallel_loop3A_863, %parallel_loop3A_854 : i32
        %parallel_loop3A_865 = arith.constant 16 : i32
        %parallel_loop3A_866 = arith.muli %parallel_loop3A_864, %parallel_loop3A_865 : i32
        %parallel_loop3A_867 = arith.constant 1 : i32
        %parallel_loop3A_868 = arith.index_cast %parallel_loop3A_867 : i32 to index
        %parallel_loop3A_869 = arith.index_cast %parallel_loop3A_848 : i32 to index
        %parallel_loop3A_870 = arith.index_cast %parallel_loop3A_866 : i32 to index
        %parallel_loop3A_871 = tpu.vector_load %arg5[%parallel_loop3A_868, %parallel_loop3A_869, %parallel_loop3A_870] {strides = array<i32>} : memref<2x2x4096xf32, #tpu.memory_space<vmem>>, vector<1x1x16xf32>,
        %parallel_loop3A_872 = vector.shape_cast %parallel_loop3A_871 : vector<1x1x16xf32> to vector<16xf32>
        %parallel_loop3A_873 = arith.constant 0 : i32
        %parallel_loop3A_874 = arith.constant 1 : i32
        %parallel_loop3A_875 = arith.index_cast %parallel_loop3A_873 : i32 to index
        %parallel_loop3A_876 = arith.index_cast %parallel_loop3A_874 : i32 to index
        %parallel_loop3A_877 = arith.index_cast %parallel_loop3A_848 : i32 to index
        %parallel_loop3A_878 = arith.index_cast %parallel_loop3A_866 : i32 to index
        %parallel_loop3A_879 = tpu.vector_load %arg6[%parallel_loop3A_875, %parallel_loop3A_876, %parallel_loop3A_877, %parallel_loop3A_878] {strides = array<i32>} : memref<4x2x2x4096xf32, #tpu.memory_space<vmem>>, vector<1x1x1x16xf32>,
        %parallel_loop3A_880 = vector.shape_cast %parallel_loop3A_879 : vector<1x1x1x16xf32> to vector<16xf32>
        %parallel_loop3A_881 = vector.shape_cast %parallel_loop3A_872 : vector<16xf32> to vector<1x1x1x16xf32>
        tpu.vector_store %arg6[%parallel_loop3A_875, %parallel_loop3A_876, %parallel_loop3A_877, %parallel_loop3A_878], %parallel_loop3A_881 {add = true, strides = array<i32>} : memref<4x2x2x4096xf32, #tpu.memory_space<vmem>>, vector<1x1x1x16xf32>,
      } {sc.loop_unroll_factor = 8 : i64, sc.parallel_access}
      %mul3A_625 = arith.constant 2 : i32
      %mul3A_626 = arith.muli %add3A_564, %mul3A_625 : i32
      %add3A_627 = arith.addi %mul3A_2, %mul3A_626 : i32
      %dma_start3A_628 = arith.constant 0 : i32
      %dma_start3A_629 = arith.constant 1 : i32
      %dma_start3A_630 = arith.constant 0 : i32
      %dma_start3A_631 = arith.constant 0 : i32
      %dma_start3A_632 = arith.constant 1 : i32
      %dma_start3A_633 = arith.constant 0 : i32
      %dma_start3A_634 = arith.constant 0 : i32
      %dma_start3A_635 = tpu.memref_slice %arg6[%dma_start3A_628, %dma_start3A_629, %dma_start3A_633, %dma_start3A_634] : memref<4x2x2x4096xf32, #tpu.memory_space<vmem>> -> memref<1x1x2x4096xf32, #tpu.memory_space<vmem>>
      %dma_start3A_636 = tpu.memref_squeeze %dma_start3A_635 : memref<1x1x2x4096xf32, #tpu.memory_space<vmem>> -> memref<2x4096xf32, #tpu.memory_space<vmem>>
      %dma_start3A_637 = arith.constant 0 : i32
      %dma_start3A_638 = tpu.memref_slice %arg4[%dma_start3A_630, %add3A_627, %dma_start3A_637] : memref<4x2048x4096xf32, #tpu.memory_space<hbm>> -> memref<1x2x4096xf32, #tpu.memory_space<hbm>>
      %dma_start3A_639 = tpu.memref_squeeze %dma_start3A_638 : memref<1x2x4096xf32, #tpu.memory_space<hbm>> -> memref<2x4096xf32, #tpu.memory_space<hbm>>
      %dma_start3A_640 = tpu.memref_slice %arg9[%dma_start3A_631, %dma_start3A_632] : memref<4x2x!tpu.dma_semaphore, #tpu.memory_space<semaphore_mem>> -> memref<1x1x!tpu.dma_semaphore, #tpu.memory_space<semaphore_mem>>
      %dma_start3A_641 = tpu.memref_squeeze %dma_start3A_640 : memref<1x1x!tpu.dma_semaphore, #tpu.memory_space<semaphore_mem>> -> memref<!tpu.dma_semaphore, #tpu.memory_space<semaphore_mem>>
      %dma_start3A_642 = arith.constant 0 : i32
      %dma_start3A_643 = tpu.memref_slice %arg4[%dma_start3A_630, %add3A_627, %dma_start3A_642] : memref<4x2048x4096xf32, #tpu.memory_space<hbm>> -> memref<1x2x4096xf32, #tpu.memory_space<hbm>>
      %dma_start3A_644 = tpu.memref_squeeze %dma_start3A_643 : memref<1x2x4096xf32, #tpu.memory_space<hbm>> -> memref<2x4096xf32, #tpu.memory_space<hbm>>
      %dma_start3A_645 = arith.constant 0 : i32
      %dma_start3A_646 = arith.constant 0 : i32
      %dma_start3A_647 = tpu.memref_slice %arg6[%dma_start3A_628, %dma_start3A_629, %dma_start3A_645, %dma_start3A_646] : memref<4x2x2x4096xf32, #tpu.memory_space<vmem>> -> memref<1x1x2x4096xf32, #tpu.memory_space<vmem>>
      %dma_start3A_648 = tpu.memref_squeeze %dma_start3A_647 : memref<1x1x2x4096xf32, #tpu.memory_space<vmem>> -> memref<2x4096xf32, #tpu.memory_space<vmem>>
      tpu.enqueue_dma source(%dma_start3A_648 : memref<2x4096xf32, #tpu.memory_space<vmem>>) target(%dma_start3A_644 : memref<2x4096xf32, #tpu.memory_space<hbm>>) target_semaphore(%dma_start3A_641 : memref<!tpu.dma_semaphore, #tpu.memory_space<semaphore_mem>>)
      %mul3A_649 = arith.constant 2 : i32
      %mul3A_650 = arith.muli %add3A_564, %mul3A_649 : i32
      %add3A_651 = arith.addi %mul3A_2, %mul3A_650 : i32
      %dma_wait3A_652 = arith.constant 1 : i32
      %dma_wait3A_653 = arith.constant 1 : i32
      %dma_wait3A_654 = arith.constant 1 : i32
      %dma_wait3A_655 = arith.constant 1 : i32
      %dma_wait3A_656 = arith.constant 1 : i32
      %dma_wait3A_657 = arith.constant 0 : i32
      %dma_wait3A_658 = arith.constant 0 : i32
      %dma_wait3A_659 = tpu.memref_slice %arg6[%dma_wait3A_653, %dma_wait3A_654, %dma_wait3A_657, %dma_wait3A_658] : memref<4x2x2x4096xf32, #tpu.memory_space<vmem>> -> memref<1x1x2x4096xf32, #tpu.memory_space<vmem>>
      %dma_wait3A_660 = tpu.memref_squeeze %dma_wait3A_659 : memref<1x1x2x4096xf32, #tpu.memory_space<vmem>> -> memref<2x4096xf32, #tpu.memory_space<vmem>>
      %dma_wait3A_661 = arith.constant 0 : i32
      %dma_wait3A_662 = tpu.memref_slice %arg2[%dma_wait3A_652, %add3A_651, %dma_wait3A_661] : memref<4x2048x4096xf32, #tpu.memory_space<hbm>> -> memref<1x2x4096xf32, #tpu.memory_space<hbm>>
      %dma_wait3A_663 = tpu.memref_squeeze %dma_wait3A_662 : memref<1x2x4096xf32, #tpu.memory_space<hbm>> -> memref<2x4096xf32, #tpu.memory_space<hbm>>
      %dma_wait3A_664 = tpu.memref_slice %arg8[%dma_wait3A_655, %dma_wait3A_656] : memref<4x2x!tpu.dma_semaphore, #tpu.memory_space<semaphore_mem>> -> memref<1x1x!tpu.dma_semaphore, #tpu.memory_space<semaphore_mem>>
      %dma_wait3A_665 = tpu.memref_squeeze %dma_wait3A_664 : memref<1x1x!tpu.dma_semaphore, #tpu.memory_space<semaphore_mem>> -> memref<!tpu.dma_semaphore, #tpu.memory_space<semaphore_mem>>
      %dma_wait3A_666 = arith.constant 0 : i32
      %dma_wait3A_667 = arith.constant 0 : i32
      %dma_wait3A_668 = tpu.memref_slice %arg6[%dma_wait3A_653, %dma_wait3A_654, %dma_wait3A_666, %dma_wait3A_667] : memref<4x2x2x4096xf32, #tpu.memory_space<vmem>> -> memref<1x1x2x4096xf32, #tpu.memory_space<vmem>>
      %dma_wait3A_669 = tpu.memref_squeeze %dma_wait3A_668 : memref<1x1x2x4096xf32, #tpu.memory_space<vmem>> -> memref<2x4096xf32, #tpu.memory_space<vmem>>
      %dma_wait3A_670 = arith.constant 0 : i32
      %dma_wait3A_671 = tpu.memref_slice %arg2[%dma_wait3A_652, %add3A_651, %dma_wait3A_670] : memref<4x2048x4096xf32, #tpu.memory_space<hbm>> -> memref<1x2x4096xf32, #tpu.memory_space<hbm>>
      %dma_wait3A_672 = tpu.memref_squeeze %dma_wait3A_671 : memref<1x2x4096xf32, #tpu.memory_space<hbm>> -> memref<2x4096xf32, #tpu.memory_space<hbm>>
      tpu.wait_dma2 semaphore(%dma_wait3A_665 : memref<!tpu.dma_semaphore, #tpu.memory_space<semaphore_mem>>) src(%dma_wait3A_672 : memref<2x4096xf32, #tpu.memory_space<hbm>>) dst(%dma_wait3A_669 : memref<2x4096xf32, #tpu.memory_space<vmem>>)
      %add3A_673 = arith.constant 1 : i32
      %add3A_674 = arith.addi %add3A_564, %add3A_673 : i32
      %lt3A_675 = arith.constant 32 : i32
      %lt3A_676 = arith.cmpi slt, %add3A_674, %lt3A_675 : i32
      %convert_element_type3A_677 = arith.extui %lt3A_676 : i1 to i32
      %cond3A_678 = arith.constant 0 : i32
      %cond3A_679 = arith.cmpi ne, %convert_element_type3A_677, %cond3A_678 : i32
      scf.if %cond3A_679 {
        %ge3A = arith.constant 1 : i32
        %ge3A_824 = arith.cmpi sge, %add3A_564, %ge3A : i32
        %convert_element_type3A_825 = arith.extui %ge3A_824 : i1 to i32
        %cond3A_826 = arith.constant 0 : i32
        %cond3A_827 = arith.cmpi ne, %convert_element_type3A_825, %cond3A_826 : i32
        scf.if %cond3A_827 {
          %sub3A = arith.constant 1 : i32
          %sub3A_854 = arith.subi %add3A_564, %sub3A : i32
          %mul3A_855 = arith.constant 2 : i32
          %mul3A_856 = arith.muli %sub3A_854, %mul3A_855 : i32
          %add3A_857 = arith.addi %mul3A_2, %mul3A_856 : i32
          %dma_wait3A_858 = arith.constant 1 : i32
          %dma_wait3A_859 = arith.constant 0 : i32
          %dma_wait3A_860 = arith.constant 1 : i32
          %dma_wait3A_861 = arith.constant 1 : i32
          %dma_wait3A_862 = arith.constant 0 : i32
          %dma_wait3A_863 = arith.constant 0 : i32
          %dma_wait3A_864 = arith.constant 0 : i32
          %dma_wait3A_865 = tpu.memref_slice %arg6[%dma_wait3A_858, %dma_wait3A_859, %dma_wait3A_863, %dma_wait3A_864] : memref<4x2x2x4096xf32, #tpu.memory_space<vmem>> -> memref<1x1x2x4096xf32, #tpu.memory_space<vmem>>
          %dma_wait3A_866 = tpu.memref_squeeze %dma_wait3A_865 : memref<1x1x2x4096xf32, #tpu.memory_space<vmem>> -> memref<2x4096xf32, #tpu.memory_space<vmem>>
          %dma_wait3A_867 = arith.constant 0 : i32
          %dma_wait3A_868 = tpu.memref_slice %arg4[%dma_wait3A_860, %add3A_857, %dma_wait3A_867] : memref<4x2048x4096xf32, #tpu.memory_space<hbm>> -> memref<1x2x4096xf32, #tpu.memory_space<hbm>>
          %dma_wait3A_869 = tpu.memref_squeeze %dma_wait3A_868 : memref<1x2x4096xf32, #tpu.memory_space<hbm>> -> memref<2x4096xf32, #tpu.memory_space<hbm>>
          %dma_wait3A_870 = tpu.memref_slice %arg9[%dma_wait3A_861, %dma_wait3A_862] : memref<4x2x!tpu.dma_semaphore, #tpu.memory_space<semaphore_mem>> -> memref<1x1x!tpu.dma_semaphore, #tpu.memory_space<semaphore_mem>>
          %dma_wait3A_871 = tpu.memref_squeeze %dma_wait3A_870 : memref<1x1x!tpu.dma_semaphore, #tpu.memory_space<semaphore_mem>> -> memref<!tpu.dma_semaphore, #tpu.memory_space<semaphore_mem>>
          %dma_wait3A_872 = arith.constant 0 : i32
          %dma_wait3A_873 = tpu.memref_slice %arg4[%dma_wait3A_860, %add3A_857, %dma_wait3A_872] : memref<4x2048x4096xf32, #tpu.memory_space<hbm>> -> memref<1x2x4096xf32, #tpu.memory_space<hbm>>
          %dma_wait3A_874 = tpu.memref_squeeze %dma_wait3A_873 : memref<1x2x4096xf32, #tpu.memory_space<hbm>> -> memref<2x4096xf32, #tpu.memory_space<hbm>>
          %dma_wait3A_875 = arith.constant 0 : i32
          %dma_wait3A_876 = arith.constant 0 : i32
          %dma_wait3A_877 = tpu.memref_slice %arg6[%dma_wait3A_858, %dma_wait3A_859, %dma_wait3A_875, %dma_wait3A_876] : memref<4x2x2x4096xf32, #tpu.memory_space<vmem>> -> memref<1x1x2x4096xf32, #tpu.memory_space<vmem>>
          %dma_wait3A_878 = tpu.memref_squeeze %dma_wait3A_877 : memref<1x1x2x4096xf32, #tpu.memory_space<vmem>> -> memref<2x4096xf32, #tpu.memory_space<vmem>>
          tpu.wait_dma2 semaphore(%dma_wait3A_871 : memref<!tpu.dma_semaphore, #tpu.memory_space<semaphore_mem>>) src(%dma_wait3A_878 : memref<2x4096xf32, #tpu.memory_space<vmem>>) dst(%dma_wait3A_874 : memref<2x4096xf32, #tpu.memory_space<hbm>>)
        } else {
        }
        %add3A_828 = arith.constant 1 : i32
        %add3A_829 = arith.addi %add3A_564, %add3A_828 : i32
        %mul3A_830 = arith.constant 2 : i32
        %mul3A_831 = arith.muli %add3A_829, %mul3A_830 : i32
        %add3A_832 = arith.addi %mul3A_2, %mul3A_831 : i32
        %dma_start3A_833 = arith.constant 1 : i32
        %dma_start3A_834 = arith.constant 1 : i32
        %dma_start3A_835 = arith.constant 0 : i32
        %dma_start3A_836 = arith.constant 1 : i32
        %dma_start3A_837 = arith.constant 0 : i32
        %dma_start3A_838 = arith.constant 0 : i32
        %dma_start3A_839 = arith.constant 0 : i32
        %dma_start3A_840 = tpu.memref_slice %arg6[%dma_start3A_834, %dma_start3A_835, %dma_start3A_838, %dma_start3A_839] : memref<4x2x2x4096xf32, #tpu.memory_space<vmem>> -> memref<1x1x2x4096xf32, #tpu.memory_space<vmem>>
        %dma_start3A_841 = tpu.memref_squeeze %dma_start3A_840 : memref<1x1x2x4096xf32, #tpu.memory_space<vmem>> -> memref<2x4096xf32, #tpu.memory_space<vmem>>
        %dma_start3A_842 = arith.constant 0 : i32
        %dma_start3A_843 = tpu.memref_slice %arg2[%dma_start3A_833, %add3A_832, %dma_start3A_842] : memref<4x2048x4096xf32, #tpu.memory_space<hbm>> -> memref<1x2x4096xf32, #tpu.memory_space<hbm>>
        %dma_start3A_844 = tpu.memref_squeeze %dma_start3A_843 : memref<1x2x4096xf32, #tpu.memory_space<hbm>> -> memref<2x4096xf32, #tpu.memory_space<hbm>>
        %dma_start3A_845 = tpu.memref_slice %arg8[%dma_start3A_836, %dma_start3A_837] : memref<4x2x!tpu.dma_semaphore, #tpu.memory_space<semaphore_mem>> -> memref<1x1x!tpu.dma_semaphore, #tpu.memory_space<semaphore_mem>>
        %dma_start3A_846 = tpu.memref_squeeze %dma_start3A_845 : memref<1x1x!tpu.dma_semaphore, #tpu.memory_space<semaphore_mem>> -> memref<!tpu.dma_semaphore, #tpu.memory_space<semaphore_mem>>
        %dma_start3A_847 = arith.constant 0 : i32
        %dma_start3A_848 = arith.constant 0 : i32
        %dma_start3A_849 = tpu.memref_slice %arg6[%dma_start3A_834, %dma_start3A_835, %dma_start3A_847, %dma_start3A_848] : memref<4x2x2x4096xf32, #tpu.memory_space<vmem>> -> memref<1x1x2x4096xf32, #tpu.memory_space<vmem>>
        %dma_start3A_850 = tpu.memref_squeeze %dma_start3A_849 : memref<1x1x2x4096xf32, #tpu.memory_space<vmem>> -> memref<2x4096xf32, #tpu.memory_space<vmem>>
        %dma_start3A_851 = arith.constant 0 : i32
        %dma_start3A_852 = tpu.memref_slice %arg2[%dma_start3A_833, %add3A_832, %dma_start3A_851] : memref<4x2048x4096xf32, #tpu.memory_space<hbm>> -> memref<1x2x4096xf32, #tpu.memory_space<hbm>>
        %dma_start3A_853 = tpu.memref_squeeze %dma_start3A_852 : memref<1x2x4096xf32, #tpu.memory_space<hbm>> -> memref<2x4096xf32, #tpu.memory_space<hbm>>
        tpu.enqueue_dma source(%dma_start3A_853 : memref<2x4096xf32, #tpu.memory_space<hbm>>) target(%dma_start3A_850 : memref<2x4096xf32, #tpu.memory_space<vmem>>) target_semaphore(%dma_start3A_846 : memref<!tpu.dma_semaphore, #tpu.memory_space<semaphore_mem>>)
      } else {
      }
      %parallel_loop3A_680 = arith.constant 0 : i32
      %parallel_loop3A_681 = arith.constant 512 : i32
      %parallel_loop3A_682 = arith.constant 1 : i32
      scf.for %parallel_loop3A_824 = %parallel_loop3A_680 to %parallel_loop3A_681 step %parallel_loop3A_682  : i32 {
        %parallel_loop3A_825 = arith.constant 256 : i32
        %parallel_loop3A_826 = arith.divsi %parallel_loop3A_824, %parallel_loop3A_825 : i32
        %parallel_loop3A_827 = arith.constant 0 : i32
        %parallel_loop3A_828 = arith.cmpi sgt, %parallel_loop3A_824, %parallel_loop3A_827 : i32
        %parallel_loop3A_829 = arith.extui %parallel_loop3A_828 : i1 to i32
        %parallel_loop3A_830 = arith.constant 0 : i32
        %parallel_loop3A_831 = arith.cmpi slt, %parallel_loop3A_824, %parallel_loop3A_830 : i32
        %parallel_loop3A_832 = arith.extui %parallel_loop3A_831 : i1 to i32
        %parallel_loop3A_833 = arith.subi %parallel_loop3A_829, %parallel_loop3A_832 : i32
        %parallel_loop3A_834 = arith.constant 0 : i32
        %parallel_loop3A_835 = arith.cmpi sgt, %parallel_loop3A_825, %parallel_loop3A_834 : i32
        %parallel_loop3A_836 = arith.extui %parallel_loop3A_835 : i1 to i32
        %parallel_loop3A_837 = arith.constant 0 : i32
        %parallel_loop3A_838 = arith.cmpi slt, %parallel_loop3A_825, %parallel_loop3A_837 : i32
        %parallel_loop3A_839 = arith.extui %parallel_loop3A_838 : i1 to i32
        %parallel_loop3A_840 = arith.subi %parallel_loop3A_836, %parallel_loop3A_839 : i32
        %parallel_loop3A_841 = arith.cmpi ne, %parallel_loop3A_833, %parallel_loop3A_840 : i32
        %parallel_loop3A_842 = arith.remsi %parallel_loop3A_824, %parallel_loop3A_825 : i32
        %parallel_loop3A_843 = arith.constant 0 : i32
        %parallel_loop3A_844 = arith.cmpi ne, %parallel_loop3A_842, %parallel_loop3A_843 : i32
        %parallel_loop3A_845 = arith.andi %parallel_loop3A_841, %parallel_loop3A_844 : i1
        %parallel_loop3A_846 = arith.constant 1 : i32
        %parallel_loop3A_847 = arith.subi %parallel_loop3A_826, %parallel_loop3A_846 : i32
        %parallel_loop3A_848 = arith.select %parallel_loop3A_845, %parallel_loop3A_847, %parallel_loop3A_826 : i32
        %parallel_loop3A_849 = arith.constant 256 : i32
        %parallel_loop3A_850 = arith.constant 0 : i32
        %parallel_loop3A_851 = arith.cmpi eq, %parallel_loop3A_849, %parallel_loop3A_850 : i32
        %parallel_loop3A_852 = arith.constant 1 : i32
        %parallel_loop3A_853 = arith.select %parallel_loop3A_851, %parallel_loop3A_852, %parallel_loop3A_849 : i32
        %parallel_loop3A_854 = arith.remsi %parallel_loop3A_824, %parallel_loop3A_853 : i32
        %parallel_loop3A_855 = arith.constant 0 : i32
        %parallel_loop3A_856 = arith.cmpi ne, %parallel_loop3A_854, %parallel_loop3A_855 : i32
        %parallel_loop3A_857 = arith.constant 0 : i32
        %parallel_loop3A_858 = arith.cmpi slt, %parallel_loop3A_854, %parallel_loop3A_857 : i32
        %parallel_loop3A_859 = arith.constant 0 : i32
        %parallel_loop3A_860 = arith.cmpi slt, %parallel_loop3A_853, %parallel_loop3A_859 : i32
        %parallel_loop3A_861 = arith.xori %parallel_loop3A_858, %parallel_loop3A_860 : i1
        %parallel_loop3A_862 = arith.andi %parallel_loop3A_861, %parallel_loop3A_856 : i1
        %parallel_loop3A_863 = arith.addi %parallel_loop3A_854, %parallel_loop3A_853 : i32
        %parallel_loop3A_864 = arith.select %parallel_loop3A_862, %parallel_loop3A_863, %parallel_loop3A_854 : i32
        %parallel_loop3A_865 = arith.constant 16 : i32
        %parallel_loop3A_866 = arith.muli %parallel_loop3A_864, %parallel_loop3A_865 : i32
        %parallel_loop3A_867 = arith.constant 1 : i32
        %parallel_loop3A_868 = arith.index_cast %parallel_loop3A_867 : i32 to index
        %parallel_loop3A_869 = arith.index_cast %parallel_loop3A_848 : i32 to index
        %parallel_loop3A_870 = arith.index_cast %parallel_loop3A_866 : i32 to index
        %parallel_loop3A_871 = tpu.vector_load %arg5[%parallel_loop3A_868, %parallel_loop3A_869, %parallel_loop3A_870] {strides = array<i32>} : memref<2x2x4096xf32, #tpu.memory_space<vmem>>, vector<1x1x16xf32>,
        %parallel_loop3A_872 = vector.shape_cast %parallel_loop3A_871 : vector<1x1x16xf32> to vector<16xf32>
        %parallel_loop3A_873 = arith.constant 1 : i32
        %parallel_loop3A_874 = arith.constant 1 : i32
        %parallel_loop3A_875 = arith.index_cast %parallel_loop3A_873 : i32 to index
        %parallel_loop3A_876 = arith.index_cast %parallel_loop3A_874 : i32 to index
        %parallel_loop3A_877 = arith.index_cast %parallel_loop3A_848 : i32 to index
        %parallel_loop3A_878 = arith.index_cast %parallel_loop3A_866 : i32 to index
        %parallel_loop3A_879 = tpu.vector_load %arg6[%parallel_loop3A_875, %parallel_loop3A_876, %parallel_loop3A_877, %parallel_loop3A_878] {strides = array<i32>} : memref<4x2x2x4096xf32, #tpu.memory_space<vmem>>, vector<1x1x1x16xf32>,
        %parallel_loop3A_880 = vector.shape_cast %parallel_loop3A_879 : vector<1x1x1x16xf32> to vector<16xf32>
        %parallel_loop3A_881 = vector.shape_cast %parallel_loop3A_872 : vector<16xf32> to vector<1x1x1x16xf32>
        tpu.vector_store %arg6[%parallel_loop3A_875, %parallel_loop3A_876, %parallel_loop3A_877, %parallel_loop3A_878], %parallel_loop3A_881 {add = true, strides = array<i32>} : memref<4x2x2x4096xf32, #tpu.memory_space<vmem>>, vector<1x1x1x16xf32>,
      } {sc.loop_unroll_factor = 8 : i64, sc.parallel_access}
      %mul3A_683 = arith.constant 2 : i32
      %mul3A_684 = arith.muli %add3A_564, %mul3A_683 : i32
      %add3A_685 = arith.addi %mul3A_2, %mul3A_684 : i32
      %dma_start3A_686 = arith.constant 1 : i32
      %dma_start3A_687 = arith.constant 1 : i32
      %dma_start3A_688 = arith.constant 1 : i32
      %dma_start3A_689 = arith.constant 1 : i32
      %dma_start3A_690 = arith.constant 1 : i32
      %dma_start3A_691 = arith.constant 0 : i32
      %dma_start3A_692 = arith.constant 0 : i32
      %dma_start3A_693 = tpu.memref_slice %arg6[%dma_start3A_686, %dma_start3A_687, %dma_start3A_691, %dma_start3A_692] : memref<4x2x2x4096xf32, #tpu.memory_space<vmem>> -> memref<1x1x2x4096xf32, #tpu.memory_space<vmem>>
      %dma_start3A_694 = tpu.memref_squeeze %dma_start3A_693 : memref<1x1x2x4096xf32, #tpu.memory_space<vmem>> -> memref<2x4096xf32, #tpu.memory_space<vmem>>
      %dma_start3A_695 = arith.constant 0 : i32
      %dma_start3A_696 = tpu.memref_slice %arg4[%dma_start3A_688, %add3A_685, %dma_start3A_695] : memref<4x2048x4096xf32, #tpu.memory_space<hbm>> -> memref<1x2x4096xf32, #tpu.memory_space<hbm>>
      %dma_start3A_697 = tpu.memref_squeeze %dma_start3A_696 : memref<1x2x4096xf32, #tpu.memory_space<hbm>> -> memref<2x4096xf32, #tpu.memory_space<hbm>>
      %dma_start3A_698 = tpu.memref_slice %arg9[%dma_start3A_689, %dma_start3A_690] : memref<4x2x!tpu.dma_semaphore, #tpu.memory_space<semaphore_mem>> -> memref<1x1x!tpu.dma_semaphore, #tpu.memory_space<semaphore_mem>>
      %dma_start3A_699 = tpu.memref_squeeze %dma_start3A_698 : memref<1x1x!tpu.dma_semaphore, #tpu.memory_space<semaphore_mem>> -> memref<!tpu.dma_semaphore, #tpu.memory_space<semaphore_mem>>
      %dma_start3A_700 = arith.constant 0 : i32
      %dma_start3A_701 = tpu.memref_slice %arg4[%dma_start3A_688, %add3A_685, %dma_start3A_700] : memref<4x2048x4096xf32, #tpu.memory_space<hbm>> -> memref<1x2x4096xf32, #tpu.memory_space<hbm>>
      %dma_start3A_702 = tpu.memref_squeeze %dma_start3A_701 : memref<1x2x4096xf32, #tpu.memory_space<hbm>> -> memref<2x4096xf32, #tpu.memory_space<hbm>>
      %dma_start3A_703 = arith.constant 0 : i32
      %dma_start3A_704 = arith.constant 0 : i32
      %dma_start3A_705 = tpu.memref_slice %arg6[%dma_start3A_686, %dma_start3A_687, %dma_start3A_703, %dma_start3A_704] : memref<4x2x2x4096xf32, #tpu.memory_space<vmem>> -> memref<1x1x2x4096xf32, #tpu.memory_space<vmem>>
      %dma_start3A_706 = tpu.memref_squeeze %dma_start3A_705 : memref<1x1x2x4096xf32, #tpu.memory_space<vmem>> -> memref<2x4096xf32, #tpu.memory_space<vmem>>
      tpu.enqueue_dma source(%dma_start3A_706 : memref<2x4096xf32, #tpu.memory_space<vmem>>) target(%dma_start3A_702 : memref<2x4096xf32, #tpu.memory_space<hbm>>) target_semaphore(%dma_start3A_699 : memref<!tpu.dma_semaphore, #tpu.memory_space<semaphore_mem>>)
      %mul3A_707 = arith.constant 2 : i32
      %mul3A_708 = arith.muli %add3A_564, %mul3A_707 : i32
      %add3A_709 = arith.addi %mul3A_2, %mul3A_708 : i32
      %dma_wait3A_710 = arith.constant 2 : i32
      %dma_wait3A_711 = arith.constant 2 : i32
      %dma_wait3A_712 = arith.constant 1 : i32
      %dma_wait3A_713 = arith.constant 2 : i32
      %dma_wait3A_714 = arith.constant 1 : i32
      %dma_wait3A_715 = arith.constant 0 : i32
      %dma_wait3A_716 = arith.constant 0 : i32
      %dma_wait3A_717 = tpu.memref_slice %arg6[%dma_wait3A_711, %dma_wait3A_712, %dma_wait3A_715, %dma_wait3A_716] : memref<4x2x2x4096xf32, #tpu.memory_space<vmem>> -> memref<1x1x2x4096xf32, #tpu.memory_space<vmem>>
      %dma_wait3A_718 = tpu.memref_squeeze %dma_wait3A_717 : memref<1x1x2x4096xf32, #tpu.memory_space<vmem>> -> memref<2x4096xf32, #tpu.memory_space<vmem>>
      %dma_wait3A_719 = arith.constant 0 : i32
      %dma_wait3A_720 = tpu.memref_slice %arg2[%dma_wait3A_710, %add3A_709, %dma_wait3A_719] : memref<4x2048x4096xf32, #tpu.memory_space<hbm>> -> memref<1x2x4096xf32, #tpu.memory_space<hbm>>
      %dma_wait3A_721 = tpu.memref_squeeze %dma_wait3A_720 : memref<1x2x4096xf32, #tpu.memory_space<hbm>> -> memref<2x4096xf32, #tpu.memory_space<hbm>>
      %dma_wait3A_722 = tpu.memref_slice %arg8[%dma_wait3A_713, %dma_wait3A_714] : memref<4x2x!tpu.dma_semaphore, #tpu.memory_space<semaphore_mem>> -> memref<1x1x!tpu.dma_semaphore, #tpu.memory_space<semaphore_mem>>
      %dma_wait3A_723 = tpu.memref_squeeze %dma_wait3A_722 : memref<1x1x!tpu.dma_semaphore, #tpu.memory_space<semaphore_mem>> -> memref<!tpu.dma_semaphore, #tpu.memory_space<semaphore_mem>>
      %dma_wait3A_724 = arith.constant 0 : i32
      %dma_wait3A_725 = arith.constant 0 : i32
      %dma_wait3A_726 = tpu.memref_slice %arg6[%dma_wait3A_711, %dma_wait3A_712, %dma_wait3A_724, %dma_wait3A_725] : memref<4x2x2x4096xf32, #tpu.memory_space<vmem>> -> memref<1x1x2x4096xf32, #tpu.memory_space<vmem>>
      %dma_wait3A_727 = tpu.memref_squeeze %dma_wait3A_726 : memref<1x1x2x4096xf32, #tpu.memory_space<vmem>> -> memref<2x4096xf32, #tpu.memory_space<vmem>>
      %dma_wait3A_728 = arith.constant 0 : i32
      %dma_wait3A_729 = tpu.memref_slice %arg2[%dma_wait3A_710, %add3A_709, %dma_wait3A_728] : memref<4x2048x4096xf32, #tpu.memory_space<hbm>> -> memref<1x2x4096xf32, #tpu.memory_space<hbm>>
      %dma_wait3A_730 = tpu.memref_squeeze %dma_wait3A_729 : memref<1x2x4096xf32, #tpu.memory_space<hbm>> -> memref<2x4096xf32, #tpu.memory_space<hbm>>
      tpu.wait_dma2 semaphore(%dma_wait3A_723 : memref<!tpu.dma_semaphore, #tpu.memory_space<semaphore_mem>>) src(%dma_wait3A_730 : memref<2x4096xf32, #tpu.memory_space<hbm>>) dst(%dma_wait3A_727 : memref<2x4096xf32, #tpu.memory_space<vmem>>)
      %add3A_731 = arith.constant 1 : i32
      %add3A_732 = arith.addi %add3A_564, %add3A_731 : i32
      %lt3A_733 = arith.constant 32 : i32
      %lt3A_734 = arith.cmpi slt, %add3A_732, %lt3A_733 : i32
      %convert_element_type3A_735 = arith.extui %lt3A_734 : i1 to i32
      %cond3A_736 = arith.constant 0 : i32
      %cond3A_737 = arith.cmpi ne, %convert_element_type3A_735, %cond3A_736 : i32
      scf.if %cond3A_737 {
        %ge3A = arith.constant 1 : i32
        %ge3A_824 = arith.cmpi sge, %add3A_564, %ge3A : i32
        %convert_element_type3A_825 = arith.extui %ge3A_824 : i1 to i32
        %cond3A_826 = arith.constant 0 : i32
        %cond3A_827 = arith.cmpi ne, %convert_element_type3A_825, %cond3A_826 : i32
        scf.if %cond3A_827 {
          %sub3A = arith.constant 1 : i32
          %sub3A_854 = arith.subi %add3A_564, %sub3A : i32
          %mul3A_855 = arith.constant 2 : i32
          %mul3A_856 = arith.muli %sub3A_854, %mul3A_855 : i32
          %add3A_857 = arith.addi %mul3A_2, %mul3A_856 : i32
          %dma_wait3A_858 = arith.constant 2 : i32
          %dma_wait3A_859 = arith.constant 0 : i32
          %dma_wait3A_860 = arith.constant 2 : i32
          %dma_wait3A_861 = arith.constant 2 : i32
          %dma_wait3A_862 = arith.constant 0 : i32
          %dma_wait3A_863 = arith.constant 0 : i32
          %dma_wait3A_864 = arith.constant 0 : i32
          %dma_wait3A_865 = tpu.memref_slice %arg6[%dma_wait3A_858, %dma_wait3A_859, %dma_wait3A_863, %dma_wait3A_864] : memref<4x2x2x4096xf32, #tpu.memory_space<vmem>> -> memref<1x1x2x4096xf32, #tpu.memory_space<vmem>>
          %dma_wait3A_866 = tpu.memref_squeeze %dma_wait3A_865 : memref<1x1x2x4096xf32, #tpu.memory_space<vmem>> -> memref<2x4096xf32, #tpu.memory_space<vmem>>
          %dma_wait3A_867 = arith.constant 0 : i32
          %dma_wait3A_868 = tpu.memref_slice %arg4[%dma_wait3A_860, %add3A_857, %dma_wait3A_867] : memref<4x2048x4096xf32, #tpu.memory_space<hbm>> -> memref<1x2x4096xf32, #tpu.memory_space<hbm>>
          %dma_wait3A_869 = tpu.memref_squeeze %dma_wait3A_868 : memref<1x2x4096xf32, #tpu.memory_space<hbm>> -> memref<2x4096xf32, #tpu.memory_space<hbm>>
          %dma_wait3A_870 = tpu.memref_slice %arg9[%dma_wait3A_861, %dma_wait3A_862] : memref<4x2x!tpu.dma_semaphore, #tpu.memory_space<semaphore_mem>> -> memref<1x1x!tpu.dma_semaphore, #tpu.memory_space<semaphore_mem>>
          %dma_wait3A_871 = tpu.memref_squeeze %dma_wait3A_870 : memref<1x1x!tpu.dma_semaphore, #tpu.memory_space<semaphore_mem>> -> memref<!tpu.dma_semaphore, #tpu.memory_space<semaphore_mem>>
          %dma_wait3A_872 = arith.constant 0 : i32
          %dma_wait3A_873 = tpu.memref_slice %arg4[%dma_wait3A_860, %add3A_857, %dma_wait3A_872] : memref<4x2048x4096xf32, #tpu.memory_space<hbm>> -> memref<1x2x4096xf32, #tpu.memory_space<hbm>>
          %dma_wait3A_874 = tpu.memref_squeeze %dma_wait3A_873 : memref<1x2x4096xf32, #tpu.memory_space<hbm>> -> memref<2x4096xf32, #tpu.memory_space<hbm>>
          %dma_wait3A_875 = arith.constant 0 : i32
          %dma_wait3A_876 = arith.constant 0 : i32
          %dma_wait3A_877 = tpu.memref_slice %arg6[%dma_wait3A_858, %dma_wait3A_859, %dma_wait3A_875, %dma_wait3A_876] : memref<4x2x2x4096xf32, #tpu.memory_space<vmem>> -> memref<1x1x2x4096xf32, #tpu.memory_space<vmem>>
          %dma_wait3A_878 = tpu.memref_squeeze %dma_wait3A_877 : memref<1x1x2x4096xf32, #tpu.memory_space<vmem>> -> memref<2x4096xf32, #tpu.memory_space<vmem>>
          tpu.wait_dma2 semaphore(%dma_wait3A_871 : memref<!tpu.dma_semaphore, #tpu.memory_space<semaphore_mem>>) src(%dma_wait3A_878 : memref<2x4096xf32, #tpu.memory_space<vmem>>) dst(%dma_wait3A_874 : memref<2x4096xf32, #tpu.memory_space<hbm>>)
        } else {
        }
        %add3A_828 = arith.constant 1 : i32
        %add3A_829 = arith.addi %add3A_564, %add3A_828 : i32
        %mul3A_830 = arith.constant 2 : i32
        %mul3A_831 = arith.muli %add3A_829, %mul3A_830 : i32
        %add3A_832 = arith.addi %mul3A_2, %mul3A_831 : i32
        %dma_start3A_833 = arith.constant 2 : i32
        %dma_start3A_834 = arith.constant 2 : i32
        %dma_start3A_835 = arith.constant 0 : i32
        %dma_start3A_836 = arith.constant 2 : i32
        %dma_start3A_837 = arith.constant 0 : i32
        %dma_start3A_838 = arith.constant 0 : i32
        %dma_start3A_839 = arith.constant 0 : i32
        %dma_start3A_840 = tpu.memref_slice %arg6[%dma_start3A_834, %dma_start3A_835, %dma_start3A_838, %dma_start3A_839] : memref<4x2x2x4096xf32, #tpu.memory_space<vmem>> -> memref<1x1x2x4096xf32, #tpu.memory_space<vmem>>
        %dma_start3A_841 = tpu.memref_squeeze %dma_start3A_840 : memref<1x1x2x4096xf32, #tpu.memory_space<vmem>> -> memref<2x4096xf32, #tpu.memory_space<vmem>>
        %dma_start3A_842 = arith.constant 0 : i32
        %dma_start3A_843 = tpu.memref_slice %arg2[%dma_start3A_833, %add3A_832, %dma_start3A_842] : memref<4x2048x4096xf32, #tpu.memory_space<hbm>> -> memref<1x2x4096xf32, #tpu.memory_space<hbm>>
        %dma_start3A_844 = tpu.memref_squeeze %dma_start3A_843 : memref<1x2x4096xf32, #tpu.memory_space<hbm>> -> memref<2x4096xf32, #tpu.memory_space<hbm>>
        %dma_start3A_845 = tpu.memref_slice %arg8[%dma_start3A_836, %dma_start3A_837] : memref<4x2x!tpu.dma_semaphore, #tpu.memory_space<semaphore_mem>> -> memref<1x1x!tpu.dma_semaphore, #tpu.memory_space<semaphore_mem>>
        %dma_start3A_846 = tpu.memref_squeeze %dma_start3A_845 : memref<1x1x!tpu.dma_semaphore, #tpu.memory_space<semaphore_mem>> -> memref<!tpu.dma_semaphore, #tpu.memory_space<semaphore_mem>>
        %dma_start3A_847 = arith.constant 0 : i32
        %dma_start3A_848 = arith.constant 0 : i32
        %dma_start3A_849 = tpu.memref_slice %arg6[%dma_start3A_834, %dma_start3A_835, %dma_start3A_847, %dma_start3A_848] : memref<4x2x2x4096xf32, #tpu.memory_space<vmem>> -> memref<1x1x2x4096xf32, #tpu.memory_space<vmem>>
        %dma_start3A_850 = tpu.memref_squeeze %dma_start3A_849 : memref<1x1x2x4096xf32, #tpu.memory_space<vmem>> -> memref<2x4096xf32, #tpu.memory_space<vmem>>
        %dma_start3A_851 = arith.constant 0 : i32
        %dma_start3A_852 = tpu.memref_slice %arg2[%dma_start3A_833, %add3A_832, %dma_start3A_851] : memref<4x2048x4096xf32, #tpu.memory_space<hbm>> -> memref<1x2x4096xf32, #tpu.memory_space<hbm>>
        %dma_start3A_853 = tpu.memref_squeeze %dma_start3A_852 : memref<1x2x4096xf32, #tpu.memory_space<hbm>> -> memref<2x4096xf32, #tpu.memory_space<hbm>>
        tpu.enqueue_dma source(%dma_start3A_853 : memref<2x4096xf32, #tpu.memory_space<hbm>>) target(%dma_start3A_850 : memref<2x4096xf32, #tpu.memory_space<vmem>>) target_semaphore(%dma_start3A_846 : memref<!tpu.dma_semaphore, #tpu.memory_space<semaphore_mem>>)
      } else {
      }
      %parallel_loop3A_738 = arith.constant 0 : i32
      %parallel_loop3A_739 = arith.constant 512 : i32
      %parallel_loop3A_740 = arith.constant 1 : i32
      scf.for %parallel_loop3A_824 = %parallel_loop3A_738 to %parallel_loop3A_739 step %parallel_loop3A_740  : i32 {
        %parallel_loop3A_825 = arith.constant 256 : i32
        %parallel_loop3A_826 = arith.divsi %parallel_loop3A_824, %parallel_loop3A_825 : i32
        %parallel_loop3A_827 = arith.constant 0 : i32
        %parallel_loop3A_828 = arith.cmpi sgt, %parallel_loop3A_824, %parallel_loop3A_827 : i32
        %parallel_loop3A_829 = arith.extui %parallel_loop3A_828 : i1 to i32
        %parallel_loop3A_830 = arith.constant 0 : i32
        %parallel_loop3A_831 = arith.cmpi slt, %parallel_loop3A_824, %parallel_loop3A_830 : i32
        %parallel_loop3A_832 = arith.extui %parallel_loop3A_831 : i1 to i32
        %parallel_loop3A_833 = arith.subi %parallel_loop3A_829, %parallel_loop3A_832 : i32
        %parallel_loop3A_834 = arith.constant 0 : i32
        %parallel_loop3A_835 = arith.cmpi sgt, %parallel_loop3A_825, %parallel_loop3A_834 : i32
        %parallel_loop3A_836 = arith.extui %parallel_loop3A_835 : i1 to i32
        %parallel_loop3A_837 = arith.constant 0 : i32
        %parallel_loop3A_838 = arith.cmpi slt, %parallel_loop3A_825, %parallel_loop3A_837 : i32
        %parallel_loop3A_839 = arith.extui %parallel_loop3A_838 : i1 to i32
        %parallel_loop3A_840 = arith.subi %parallel_loop3A_836, %parallel_loop3A_839 : i32
        %parallel_loop3A_841 = arith.cmpi ne, %parallel_loop3A_833, %parallel_loop3A_840 : i32
        %parallel_loop3A_842 = arith.remsi %parallel_loop3A_824, %parallel_loop3A_825 : i32
        %parallel_loop3A_843 = arith.constant 0 : i32
        %parallel_loop3A_844 = arith.cmpi ne, %parallel_loop3A_842, %parallel_loop3A_843 : i32
        %parallel_loop3A_845 = arith.andi %parallel_loop3A_841, %parallel_loop3A_844 : i1
        %parallel_loop3A_846 = arith.constant 1 : i32
        %parallel_loop3A_847 = arith.subi %parallel_loop3A_826, %parallel_loop3A_846 : i32
        %parallel_loop3A_848 = arith.select %parallel_loop3A_845, %parallel_loop3A_847, %parallel_loop3A_826 : i32
        %parallel_loop3A_849 = arith.constant 256 : i32
        %parallel_loop3A_850 = arith.constant 0 : i32
        %parallel_loop3A_851 = arith.cmpi eq, %parallel_loop3A_849, %parallel_loop3A_850 : i32
        %parallel_loop3A_852 = arith.constant 1 : i32
        %parallel_loop3A_853 = arith.select %parallel_loop3A_851, %parallel_loop3A_852, %parallel_loop3A_849 : i32
        %parallel_loop3A_854 = arith.remsi %parallel_loop3A_824, %parallel_loop3A_853 : i32
        %parallel_loop3A_855 = arith.constant 0 : i32
        %parallel_loop3A_856 = arith.cmpi ne, %parallel_loop3A_854, %parallel_loop3A_855 : i32
        %parallel_loop3A_857 = arith.constant 0 : i32
        %parallel_loop3A_858 = arith.cmpi slt, %parallel_loop3A_854, %parallel_loop3A_857 : i32
        %parallel_loop3A_859 = arith.constant 0 : i32
        %parallel_loop3A_860 = arith.cmpi slt, %parallel_loop3A_853, %parallel_loop3A_859 : i32
        %parallel_loop3A_861 = arith.xori %parallel_loop3A_858, %parallel_loop3A_860 : i1
        %parallel_loop3A_862 = arith.andi %parallel_loop3A_861, %parallel_loop3A_856 : i1
        %parallel_loop3A_863 = arith.addi %parallel_loop3A_854, %parallel_loop3A_853 : i32
        %parallel_loop3A_864 = arith.select %parallel_loop3A_862, %parallel_loop3A_863, %parallel_loop3A_854 : i32
        %parallel_loop3A_865 = arith.constant 16 : i32
        %parallel_loop3A_866 = arith.muli %parallel_loop3A_864, %parallel_loop3A_865 : i32
        %parallel_loop3A_867 = arith.constant 1 : i32
        %parallel_loop3A_868 = arith.index_cast %parallel_loop3A_867 : i32 to index
        %parallel_loop3A_869 = arith.index_cast %parallel_loop3A_848 : i32 to index
        %parallel_loop3A_870 = arith.index_cast %parallel_loop3A_866 : i32 to index
        %parallel_loop3A_871 = tpu.vector_load %arg5[%parallel_loop3A_868, %parallel_loop3A_869, %parallel_loop3A_870] {strides = array<i32>} : memref<2x2x4096xf32, #tpu.memory_space<vmem>>, vector<1x1x16xf32>,
        %parallel_loop3A_872 = vector.shape_cast %parallel_loop3A_871 : vector<1x1x16xf32> to vector<16xf32>
        %parallel_loop3A_873 = arith.constant 2 : i32
        %parallel_loop3A_874 = arith.constant 1 : i32
        %parallel_loop3A_875 = arith.index_cast %parallel_loop3A_873 : i32 to index
        %parallel_loop3A_876 = arith.index_cast %parallel_loop3A_874 : i32 to index
        %parallel_loop3A_877 = arith.index_cast %parallel_loop3A_848 : i32 to index
        %parallel_loop3A_878 = arith.index_cast %parallel_loop3A_866 : i32 to index
        %parallel_loop3A_879 = tpu.vector_load %arg6[%parallel_loop3A_875, %parallel_loop3A_876, %parallel_loop3A_877, %parallel_loop3A_878] {strides = array<i32>} : memref<4x2x2x4096xf32, #tpu.memory_space<vmem>>, vector<1x1x1x16xf32>,
        %parallel_loop3A_880 = vector.shape_cast %parallel_loop3A_879 : vector<1x1x1x16xf32> to vector<16xf32>
        %parallel_loop3A_881 = vector.shape_cast %parallel_loop3A_872 : vector<16xf32> to vector<1x1x1x16xf32>
        tpu.vector_store %arg6[%parallel_loop3A_875, %parallel_loop3A_876, %parallel_loop3A_877, %parallel_loop3A_878], %parallel_loop3A_881 {add = true, strides = array<i32>} : memref<4x2x2x4096xf32, #tpu.memory_space<vmem>>, vector<1x1x1x16xf32>,
      } {sc.loop_unroll_factor = 8 : i64, sc.parallel_access}
      %mul3A_741 = arith.constant 2 : i32
      %mul3A_742 = arith.muli %add3A_564, %mul3A_741 : i32
      %add3A_743 = arith.addi %mul3A_2, %mul3A_742 : i32
      %dma_start3A_744 = arith.constant 2 : i32
      %dma_start3A_745 = arith.constant 1 : i32
      %dma_start3A_746 = arith.constant 2 : i32
      %dma_start3A_747 = arith.constant 2 : i32
      %dma_start3A_748 = arith.constant 1 : i32
      %dma_start3A_749 = arith.constant 0 : i32
      %dma_start3A_750 = arith.constant 0 : i32
      %dma_start3A_751 = tpu.memref_slice %arg6[%dma_start3A_744, %dma_start3A_745, %dma_start3A_749, %dma_start3A_750] : memref<4x2x2x4096xf32, #tpu.memory_space<vmem>> -> memref<1x1x2x4096xf32, #tpu.memory_space<vmem>>
      %dma_start3A_752 = tpu.memref_squeeze %dma_start3A_751 : memref<1x1x2x4096xf32, #tpu.memory_space<vmem>> -> memref<2x4096xf32, #tpu.memory_space<vmem>>
      %dma_start3A_753 = arith.constant 0 : i32
      %dma_start3A_754 = tpu.memref_slice %arg4[%dma_start3A_746, %add3A_743, %dma_start3A_753] : memref<4x2048x4096xf32, #tpu.memory_space<hbm>> -> memref<1x2x4096xf32, #tpu.memory_space<hbm>>
      %dma_start3A_755 = tpu.memref_squeeze %dma_start3A_754 : memref<1x2x4096xf32, #tpu.memory_space<hbm>> -> memref<2x4096xf32, #tpu.memory_space<hbm>>
      %dma_start3A_756 = tpu.memref_slice %arg9[%dma_start3A_747, %dma_start3A_748] : memref<4x2x!tpu.dma_semaphore, #tpu.memory_space<semaphore_mem>> -> memref<1x1x!tpu.dma_semaphore, #tpu.memory_space<semaphore_mem>>
      %dma_start3A_757 = tpu.memref_squeeze %dma_start3A_756 : memref<1x1x!tpu.dma_semaphore, #tpu.memory_space<semaphore_mem>> -> memref<!tpu.dma_semaphore, #tpu.memory_space<semaphore_mem>>
      %dma_start3A_758 = arith.constant 0 : i32
      %dma_start3A_759 = tpu.memref_slice %arg4[%dma_start3A_746, %add3A_743, %dma_start3A_758] : memref<4x2048x4096xf32, #tpu.memory_space<hbm>> -> memref<1x2x4096xf32, #tpu.memory_space<hbm>>
      %dma_start3A_760 = tpu.memref_squeeze %dma_start3A_759 : memref<1x2x4096xf32, #tpu.memory_space<hbm>> -> memref<2x4096xf32, #tpu.memory_space<hbm>>
      %dma_start3A_761 = arith.constant 0 : i32
      %dma_start3A_762 = arith.constant 0 : i32
      %dma_start3A_763 = tpu.memref_slice %arg6[%dma_start3A_744, %dma_start3A_745, %dma_start3A_761, %dma_start3A_762] : memref<4x2x2x4096xf32, #tpu.memory_space<vmem>> -> memref<1x1x2x4096xf32, #tpu.memory_space<vmem>>
      %dma_start3A_764 = tpu.memref_squeeze %dma_start3A_763 : memref<1x1x2x4096xf32, #tpu.memory_space<vmem>> -> memref<2x4096xf32, #tpu.memory_space<vmem>>
      tpu.enqueue_dma source(%dma_start3A_764 : memref<2x4096xf32, #tpu.memory_space<vmem>>) target(%dma_start3A_760 : memref<2x4096xf32, #tpu.memory_space<hbm>>) target_semaphore(%dma_start3A_757 : memref<!tpu.dma_semaphore, #tpu.memory_space<semaphore_mem>>)
      %mul3A_765 = arith.constant 2 : i32
      %mul3A_766 = arith.muli %add3A_564, %mul3A_765 : i32
      %add3A_767 = arith.addi %mul3A_2, %mul3A_766 : i32
      %dma_wait3A_768 = arith.constant 3 : i32
      %dma_wait3A_769 = arith.constant 3 : i32
      %dma_wait3A_770 = arith.constant 1 : i32
      %dma_wait3A_771 = arith.constant 3 : i32
      %dma_wait3A_772 = arith.constant 1 : i32
      %dma_wait3A_773 = arith.constant 0 : i32
      %dma_wait3A_774 = arith.constant 0 : i32
      %dma_wait3A_775 = tpu.memref_slice %arg6[%dma_wait3A_769, %dma_wait3A_770, %dma_wait3A_773, %dma_wait3A_774] : memref<4x2x2x4096xf32, #tpu.memory_space<vmem>> -> memref<1x1x2x4096xf32, #tpu.memory_space<vmem>>
      %dma_wait3A_776 = tpu.memref_squeeze %dma_wait3A_775 : memref<1x1x2x4096xf32, #tpu.memory_space<vmem>> -> memref<2x4096xf32, #tpu.memory_space<vmem>>
      %dma_wait3A_777 = arith.constant 0 : i32
      %dma_wait3A_778 = tpu.memref_slice %arg2[%dma_wait3A_768, %add3A_767, %dma_wait3A_777] : memref<4x2048x4096xf32, #tpu.memory_space<hbm>> -> memref<1x2x4096xf32, #tpu.memory_space<hbm>>
      %dma_wait3A_779 = tpu.memref_squeeze %dma_wait3A_778 : memref<1x2x4096xf32, #tpu.memory_space<hbm>> -> memref<2x4096xf32, #tpu.memory_space<hbm>>
      %dma_wait3A_780 = tpu.memref_slice %arg8[%dma_wait3A_771, %dma_wait3A_772] : memref<4x2x!tpu.dma_semaphore, #tpu.memory_space<semaphore_mem>> -> memref<1x1x!tpu.dma_semaphore, #tpu.memory_space<semaphore_mem>>
      %dma_wait3A_781 = tpu.memref_squeeze %dma_wait3A_780 : memref<1x1x!tpu.dma_semaphore, #tpu.memory_space<semaphore_mem>> -> memref<!tpu.dma_semaphore, #tpu.memory_space<semaphore_mem>>
      %dma_wait3A_782 = arith.constant 0 : i32
      %dma_wait3A_783 = arith.constant 0 : i32
      %dma_wait3A_784 = tpu.memref_slice %arg6[%dma_wait3A_769, %dma_wait3A_770, %dma_wait3A_782, %dma_wait3A_783] : memref<4x2x2x4096xf32, #tpu.memory_space<vmem>> -> memref<1x1x2x4096xf32, #tpu.memory_space<vmem>>
      %dma_wait3A_785 = tpu.memref_squeeze %dma_wait3A_784 : memref<1x1x2x4096xf32, #tpu.memory_space<vmem>> -> memref<2x4096xf32, #tpu.memory_space<vmem>>
      %dma_wait3A_786 = arith.constant 0 : i32
      %dma_wait3A_787 = tpu.memref_slice %arg2[%dma_wait3A_768, %add3A_767, %dma_wait3A_786] : memref<4x2048x4096xf32, #tpu.memory_space<hbm>> -> memref<1x2x4096xf32, #tpu.memory_space<hbm>>
      %dma_wait3A_788 = tpu.memref_squeeze %dma_wait3A_787 : memref<1x2x4096xf32, #tpu.memory_space<hbm>> -> memref<2x4096xf32, #tpu.memory_space<hbm>>
      tpu.wait_dma2 semaphore(%dma_wait3A_781 : memref<!tpu.dma_semaphore, #tpu.memory_space<semaphore_mem>>) src(%dma_wait3A_788 : memref<2x4096xf32, #tpu.memory_space<hbm>>) dst(%dma_wait3A_785 : memref<2x4096xf32, #tpu.memory_space<vmem>>)
      %add3A_789 = arith.constant 1 : i32
      %add3A_790 = arith.addi %add3A_564, %add3A_789 : i32
      %lt3A_791 = arith.constant 32 : i32
      %lt3A_792 = arith.cmpi slt, %add3A_790, %lt3A_791 : i32
      %convert_element_type3A_793 = arith.extui %lt3A_792 : i1 to i32
      %cond3A_794 = arith.constant 0 : i32
      %cond3A_795 = arith.cmpi ne, %convert_element_type3A_793, %cond3A_794 : i32
      scf.if %cond3A_795 {
        %ge3A = arith.constant 1 : i32
        %ge3A_824 = arith.cmpi sge, %add3A_564, %ge3A : i32
        %convert_element_type3A_825 = arith.extui %ge3A_824 : i1 to i32
        %cond3A_826 = arith.constant 0 : i32
        %cond3A_827 = arith.cmpi ne, %convert_element_type3A_825, %cond3A_826 : i32
        scf.if %cond3A_827 {
          %sub3A = arith.constant 1 : i32
          %sub3A_854 = arith.subi %add3A_564, %sub3A : i32
          %mul3A_855 = arith.constant 2 : i32
          %mul3A_856 = arith.muli %sub3A_854, %mul3A_855 : i32
          %add3A_857 = arith.addi %mul3A_2, %mul3A_856 : i32
          %dma_wait3A_858 = arith.constant 3 : i32
          %dma_wait3A_859 = arith.constant 0 : i32
          %dma_wait3A_860 = arith.constant 3 : i32
          %dma_wait3A_861 = arith.constant 3 : i32
          %dma_wait3A_862 = arith.constant 0 : i32
          %dma_wait3A_863 = arith.constant 0 : i32
          %dma_wait3A_864 = arith.constant 0 : i32
          %dma_wait3A_865 = tpu.memref_slice %arg6[%dma_wait3A_858, %dma_wait3A_859, %dma_wait3A_863, %dma_wait3A_864] : memref<4x2x2x4096xf32, #tpu.memory_space<vmem>> -> memref<1x1x2x4096xf32, #tpu.memory_space<vmem>>
          %dma_wait3A_866 = tpu.memref_squeeze %dma_wait3A_865 : memref<1x1x2x4096xf32, #tpu.memory_space<vmem>> -> memref<2x4096xf32, #tpu.memory_space<vmem>>
          %dma_wait3A_867 = arith.constant 0 : i32
          %dma_wait3A_868 = tpu.memref_slice %arg4[%dma_wait3A_860, %add3A_857, %dma_wait3A_867] : memref<4x2048x4096xf32, #tpu.memory_space<hbm>> -> memref<1x2x4096xf32, #tpu.memory_space<hbm>>
          %dma_wait3A_869 = tpu.memref_squeeze %dma_wait3A_868 : memref<1x2x4096xf32, #tpu.memory_space<hbm>> -> memref<2x4096xf32, #tpu.memory_space<hbm>>
          %dma_wait3A_870 = tpu.memref_slice %arg9[%dma_wait3A_861, %dma_wait3A_862] : memref<4x2x!tpu.dma_semaphore, #tpu.memory_space<semaphore_mem>> -> memref<1x1x!tpu.dma_semaphore, #tpu.memory_space<semaphore_mem>>
          %dma_wait3A_871 = tpu.memref_squeeze %dma_wait3A_870 : memref<1x1x!tpu.dma_semaphore, #tpu.memory_space<semaphore_mem>> -> memref<!tpu.dma_semaphore, #tpu.memory_space<semaphore_mem>>
          %dma_wait3A_872 = arith.constant 0 : i32
          %dma_wait3A_873 = tpu.memref_slice %arg4[%dma_wait3A_860, %add3A_857, %dma_wait3A_872] : memref<4x2048x4096xf32, #tpu.memory_space<hbm>> -> memref<1x2x4096xf32, #tpu.memory_space<hbm>>
          %dma_wait3A_874 = tpu.memref_squeeze %dma_wait3A_873 : memref<1x2x4096xf32, #tpu.memory_space<hbm>> -> memref<2x4096xf32, #tpu.memory_space<hbm>>
          %dma_wait3A_875 = arith.constant 0 : i32
          %dma_wait3A_876 = arith.constant 0 : i32
          %dma_wait3A_877 = tpu.memref_slice %arg6[%dma_wait3A_858, %dma_wait3A_859, %dma_wait3A_875, %dma_wait3A_876] : memref<4x2x2x4096xf32, #tpu.memory_space<vmem>> -> memref<1x1x2x4096xf32, #tpu.memory_space<vmem>>
          %dma_wait3A_878 = tpu.memref_squeeze %dma_wait3A_877 : memref<1x1x2x4096xf32, #tpu.memory_space<vmem>> -> memref<2x4096xf32, #tpu.memory_space<vmem>>
          tpu.wait_dma2 semaphore(%dma_wait3A_871 : memref<!tpu.dma_semaphore, #tpu.memory_space<semaphore_mem>>) src(%dma_wait3A_878 : memref<2x4096xf32, #tpu.memory_space<vmem>>) dst(%dma_wait3A_874 : memref<2x4096xf32, #tpu.memory_space<hbm>>)
        } else {
        }
        %add3A_828 = arith.constant 1 : i32
        %add3A_829 = arith.addi %add3A_564, %add3A_828 : i32
        %mul3A_830 = arith.constant 2 : i32
        %mul3A_831 = arith.muli %add3A_829, %mul3A_830 : i32
        %add3A_832 = arith.addi %mul3A_2, %mul3A_831 : i32
        %dma_start3A_833 = arith.constant 3 : i32
        %dma_start3A_834 = arith.constant 3 : i32
        %dma_start3A_835 = arith.constant 0 : i32
        %dma_start3A_836 = arith.constant 3 : i32
        %dma_start3A_837 = arith.constant 0 : i32
        %dma_start3A_838 = arith.constant 0 : i32
        %dma_start3A_839 = arith.constant 0 : i32
        %dma_start3A_840 = tpu.memref_slice %arg6[%dma_start3A_834, %dma_start3A_835, %dma_start3A_838, %dma_start3A_839] : memref<4x2x2x4096xf32, #tpu.memory_space<vmem>> -> memref<1x1x2x4096xf32, #tpu.memory_space<vmem>>
        %dma_start3A_841 = tpu.memref_squeeze %dma_start3A_840 : memref<1x1x2x4096xf32, #tpu.memory_space<vmem>> -> memref<2x4096xf32, #tpu.memory_space<vmem>>
        %dma_start3A_842 = arith.constant 0 : i32
        %dma_start3A_843 = tpu.memref_slice %arg2[%dma_start3A_833, %add3A_832, %dma_start3A_842] : memref<4x2048x4096xf32, #tpu.memory_space<hbm>> -> memref<1x2x4096xf32, #tpu.memory_space<hbm>>
        %dma_start3A_844 = tpu.memref_squeeze %dma_start3A_843 : memref<1x2x4096xf32, #tpu.memory_space<hbm>> -> memref<2x4096xf32, #tpu.memory_space<hbm>>
        %dma_start3A_845 = tpu.memref_slice %arg8[%dma_start3A_836, %dma_start3A_837] : memref<4x2x!tpu.dma_semaphore, #tpu.memory_space<semaphore_mem>> -> memref<1x1x!tpu.dma_semaphore, #tpu.memory_space<semaphore_mem>>
        %dma_start3A_846 = tpu.memref_squeeze %dma_start3A_845 : memref<1x1x!tpu.dma_semaphore, #tpu.memory_space<semaphore_mem>> -> memref<!tpu.dma_semaphore, #tpu.memory_space<semaphore_mem>>
        %dma_start3A_847 = arith.constant 0 : i32
        %dma_start3A_848 = arith.constant 0 : i32
        %dma_start3A_849 = tpu.memref_slice %arg6[%dma_start3A_834, %dma_start3A_835, %dma_start3A_847, %dma_start3A_848] : memref<4x2x2x4096xf32, #tpu.memory_space<vmem>> -> memref<1x1x2x4096xf32, #tpu.memory_space<vmem>>
        %dma_start3A_850 = tpu.memref_squeeze %dma_start3A_849 : memref<1x1x2x4096xf32, #tpu.memory_space<vmem>> -> memref<2x4096xf32, #tpu.memory_space<vmem>>
        %dma_start3A_851 = arith.constant 0 : i32
        %dma_start3A_852 = tpu.memref_slice %arg2[%dma_start3A_833, %add3A_832, %dma_start3A_851] : memref<4x2048x4096xf32, #tpu.memory_space<hbm>> -> memref<1x2x4096xf32, #tpu.memory_space<hbm>>
        %dma_start3A_853 = tpu.memref_squeeze %dma_start3A_852 : memref<1x2x4096xf32, #tpu.memory_space<hbm>> -> memref<2x4096xf32, #tpu.memory_space<hbm>>
        tpu.enqueue_dma source(%dma_start3A_853 : memref<2x4096xf32, #tpu.memory_space<hbm>>) target(%dma_start3A_850 : memref<2x4096xf32, #tpu.memory_space<vmem>>) target_semaphore(%dma_start3A_846 : memref<!tpu.dma_semaphore, #tpu.memory_space<semaphore_mem>>)
      } else {
      }
      %parallel_loop3A_796 = arith.constant 0 : i32
      %parallel_loop3A_797 = arith.constant 512 : i32
      %parallel_loop3A_798 = arith.constant 1 : i32
      scf.for %parallel_loop3A_824 = %parallel_loop3A_796 to %parallel_loop3A_797 step %parallel_loop3A_798  : i32 {
        %parallel_loop3A_825 = arith.constant 256 : i32
        %parallel_loop3A_826 = arith.divsi %parallel_loop3A_824, %parallel_loop3A_825 : i32
        %parallel_loop3A_827 = arith.constant 0 : i32
        %parallel_loop3A_828 = arith.cmpi sgt, %parallel_loop3A_824, %parallel_loop3A_827 : i32
        %parallel_loop3A_829 = arith.extui %parallel_loop3A_828 : i1 to i32
        %parallel_loop3A_830 = arith.constant 0 : i32
        %parallel_loop3A_831 = arith.cmpi slt, %parallel_loop3A_824, %parallel_loop3A_830 : i32
        %parallel_loop3A_832 = arith.extui %parallel_loop3A_831 : i1 to i32
        %parallel_loop3A_833 = arith.subi %parallel_loop3A_829, %parallel_loop3A_832 : i32
        %parallel_loop3A_834 = arith.constant 0 : i32
        %parallel_loop3A_835 = arith.cmpi sgt, %parallel_loop3A_825, %parallel_loop3A_834 : i32
        %parallel_loop3A_836 = arith.extui %parallel_loop3A_835 : i1 to i32
        %parallel_loop3A_837 = arith.constant 0 : i32
        %parallel_loop3A_838 = arith.cmpi slt, %parallel_loop3A_825, %parallel_loop3A_837 : i32
        %parallel_loop3A_839 = arith.extui %parallel_loop3A_838 : i1 to i32
        %parallel_loop3A_840 = arith.subi %parallel_loop3A_836, %parallel_loop3A_839 : i32
        %parallel_loop3A_841 = arith.cmpi ne, %parallel_loop3A_833, %parallel_loop3A_840 : i32
        %parallel_loop3A_842 = arith.remsi %parallel_loop3A_824, %parallel_loop3A_825 : i32
        %parallel_loop3A_843 = arith.constant 0 : i32
        %parallel_loop3A_844 = arith.cmpi ne, %parallel_loop3A_842, %parallel_loop3A_843 : i32
        %parallel_loop3A_845 = arith.andi %parallel_loop3A_841, %parallel_loop3A_844 : i1
        %parallel_loop3A_846 = arith.constant 1 : i32
        %parallel_loop3A_847 = arith.subi %parallel_loop3A_826, %parallel_loop3A_846 : i32
        %parallel_loop3A_848 = arith.select %parallel_loop3A_845, %parallel_loop3A_847, %parallel_loop3A_826 : i32
        %parallel_loop3A_849 = arith.constant 256 : i32
        %parallel_loop3A_850 = arith.constant 0 : i32
        %parallel_loop3A_851 = arith.cmpi eq, %parallel_loop3A_849, %parallel_loop3A_850 : i32
        %parallel_loop3A_852 = arith.constant 1 : i32
        %parallel_loop3A_853 = arith.select %parallel_loop3A_851, %parallel_loop3A_852, %parallel_loop3A_849 : i32
        %parallel_loop3A_854 = arith.remsi %parallel_loop3A_824, %parallel_loop3A_853 : i32
        %parallel_loop3A_855 = arith.constant 0 : i32
        %parallel_loop3A_856 = arith.cmpi ne, %parallel_loop3A_854, %parallel_loop3A_855 : i32
        %parallel_loop3A_857 = arith.constant 0 : i32
        %parallel_loop3A_858 = arith.cmpi slt, %parallel_loop3A_854, %parallel_loop3A_857 : i32
        %parallel_loop3A_859 = arith.constant 0 : i32
        %parallel_loop3A_860 = arith.cmpi slt, %parallel_loop3A_853, %parallel_loop3A_859 : i32
        %parallel_loop3A_861 = arith.xori %parallel_loop3A_858, %parallel_loop3A_860 : i1
        %parallel_loop3A_862 = arith.andi %parallel_loop3A_861, %parallel_loop3A_856 : i1
        %parallel_loop3A_863 = arith.addi %parallel_loop3A_854, %parallel_loop3A_853 : i32
        %parallel_loop3A_864 = arith.select %parallel_loop3A_862, %parallel_loop3A_863, %parallel_loop3A_854 : i32
        %parallel_loop3A_865 = arith.constant 16 : i32
        %parallel_loop3A_866 = arith.muli %parallel_loop3A_864, %parallel_loop3A_865 : i32
        %parallel_loop3A_867 = arith.constant 1 : i32
        %parallel_loop3A_868 = arith.index_cast %parallel_loop3A_867 : i32 to index
        %parallel_loop3A_869 = arith.index_cast %parallel_loop3A_848 : i32 to index
        %parallel_loop3A_870 = arith.index_cast %parallel_loop3A_866 : i32 to index
        %parallel_loop3A_871 = tpu.vector_load %arg5[%parallel_loop3A_868, %parallel_loop3A_869, %parallel_loop3A_870] {strides = array<i32>} : memref<2x2x4096xf32, #tpu.memory_space<vmem>>, vector<1x1x16xf32>,
        %parallel_loop3A_872 = vector.shape_cast %parallel_loop3A_871 : vector<1x1x16xf32> to vector<16xf32>
        %parallel_loop3A_873 = arith.constant 3 : i32
        %parallel_loop3A_874 = arith.constant 1 : i32
        %parallel_loop3A_875 = arith.index_cast %parallel_loop3A_873 : i32 to index
        %parallel_loop3A_876 = arith.index_cast %parallel_loop3A_874 : i32 to index
        %parallel_loop3A_877 = arith.index_cast %parallel_loop3A_848 : i32 to index
        %parallel_loop3A_878 = arith.index_cast %parallel_loop3A_866 : i32 to index
        %parallel_loop3A_879 = tpu.vector_load %arg6[%parallel_loop3A_875, %parallel_loop3A_876, %parallel_loop3A_877, %parallel_loop3A_878] {strides = array<i32>} : memref<4x2x2x4096xf32, #tpu.memory_space<vmem>>, vector<1x1x1x16xf32>,
        %parallel_loop3A_880 = vector.shape_cast %parallel_loop3A_879 : vector<1x1x1x16xf32> to vector<16xf32>
        %parallel_loop3A_881 = vector.shape_cast %parallel_loop3A_872 : vector<16xf32> to vector<1x1x1x16xf32>
        tpu.vector_store %arg6[%parallel_loop3A_875, %parallel_loop3A_876, %parallel_loop3A_877, %parallel_loop3A_878], %parallel_loop3A_881 {add = true, strides = array<i32>} : memref<4x2x2x4096xf32, #tpu.memory_space<vmem>>, vector<1x1x1x16xf32>,
      } {sc.loop_unroll_factor = 8 : i64, sc.parallel_access}
      %mul3A_799 = arith.constant 2 : i32
      %mul3A_800 = arith.muli %add3A_564, %mul3A_799 : i32
      %add3A_801 = arith.addi %mul3A_2, %mul3A_800 : i32
      %dma_start3A_802 = arith.constant 3 : i32
      %dma_start3A_803 = arith.constant 1 : i32
      %dma_start3A_804 = arith.constant 3 : i32
      %dma_start3A_805 = arith.constant 3 : i32
      %dma_start3A_806 = arith.constant 1 : i32
      %dma_start3A_807 = arith.constant 0 : i32
      %dma_start3A_808 = arith.constant 0 : i32
      %dma_start3A_809 = tpu.memref_slice %arg6[%dma_start3A_802, %dma_start3A_803, %dma_start3A_807, %dma_start3A_808] : memref<4x2x2x4096xf32, #tpu.memory_space<vmem>> -> memref<1x1x2x4096xf32, #tpu.memory_space<vmem>>
      %dma_start3A_810 = tpu.memref_squeeze %dma_start3A_809 : memref<1x1x2x4096xf32, #tpu.memory_space<vmem>> -> memref<2x4096xf32, #tpu.memory_space<vmem>>
      %dma_start3A_811 = arith.constant 0 : i32
      %dma_start3A_812 = tpu.memref_slice %arg4[%dma_start3A_804, %add3A_801, %dma_start3A_811] : memref<4x2048x4096xf32, #tpu.memory_space<hbm>> -> memref<1x2x4096xf32, #tpu.memory_space<hbm>>
      %dma_start3A_813 = tpu.memref_squeeze %dma_start3A_812 : memref<1x2x4096xf32, #tpu.memory_space<hbm>> -> memref<2x4096xf32, #tpu.memory_space<hbm>>
      %dma_start3A_814 = tpu.memref_slice %arg9[%dma_start3A_805, %dma_start3A_806] : memref<4x2x!tpu.dma_semaphore, #tpu.memory_space<semaphore_mem>> -> memref<1x1x!tpu.dma_semaphore, #tpu.memory_space<semaphore_mem>>
      %dma_start3A_815 = tpu.memref_squeeze %dma_start3A_814 : memref<1x1x!tpu.dma_semaphore, #tpu.memory_space<semaphore_mem>> -> memref<!tpu.dma_semaphore, #tpu.memory_space<semaphore_mem>>
      %dma_start3A_816 = arith.constant 0 : i32
      %dma_start3A_817 = tpu.memref_slice %arg4[%dma_start3A_804, %add3A_801, %dma_start3A_816] : memref<4x2048x4096xf32, #tpu.memory_space<hbm>> -> memref<1x2x4096xf32, #tpu.memory_space<hbm>>
      %dma_start3A_818 = tpu.memref_squeeze %dma_start3A_817 : memref<1x2x4096xf32, #tpu.memory_space<hbm>> -> memref<2x4096xf32, #tpu.memory_space<hbm>>
      %dma_start3A_819 = arith.constant 0 : i32
      %dma_start3A_820 = arith.constant 0 : i32
      %dma_start3A_821 = tpu.memref_slice %arg6[%dma_start3A_802, %dma_start3A_803, %dma_start3A_819, %dma_start3A_820] : memref<4x2x2x4096xf32, #tpu.memory_space<vmem>> -> memref<1x1x2x4096xf32, #tpu.memory_space<vmem>>
      %dma_start3A_822 = tpu.memref_squeeze %dma_start3A_821 : memref<1x1x2x4096xf32, #tpu.memory_space<vmem>> -> memref<2x4096xf32, #tpu.memory_space<vmem>>
      tpu.enqueue_dma source(%dma_start3A_822 : memref<2x4096xf32, #tpu.memory_space<vmem>>) target(%dma_start3A_818 : memref<2x4096xf32, #tpu.memory_space<hbm>>) target_semaphore(%dma_start3A_815 : memref<!tpu.dma_semaphore, #tpu.memory_space<semaphore_mem>>)
      %scan3A_823 = arith.constant 0 : i32
      scf.yield %scan3A_823 : i32
    }
    %scan3A_117 = arith.constant 16 : i32
    %add3A_118 = arith.constant 60 : i32
    %add3A_119 = arith.addi %mul3A_2, %add3A_118 : i32
    %dma_wait3A = arith.constant 0 : i32
    %dma_wait3A_120 = arith.constant 0 : i32
    %dma_wait3A_121 = arith.constant 0 : i32
    %dma_wait3A_122 = arith.constant 0 : i32
    %dma_wait3A_123 = arith.constant 0 : i32
    %dma_wait3A_124 = arith.constant 0 : i32
    %dma_wait3A_125 = arith.constant 0 : i32
    %dma_wait3A_126 = tpu.memref_slice %arg6[%dma_wait3A, %dma_wait3A_120, %dma_wait3A_124, %dma_wait3A_125] : memref<4x2x2x4096xf32, #tpu.memory_space<vmem>> -> memref<1x1x2x4096xf32, #tpu.memory_space<vmem>>
    %dma_wait3A_127 = tpu.memref_squeeze %dma_wait3A_126 : memref<1x1x2x4096xf32, #tpu.memory_space<vmem>> -> memref<2x4096xf32, #tpu.memory_space<vmem>>
    %dma_wait3A_128 = arith.constant 0 : i32
    %dma_wait3A_129 = tpu.memref_slice %arg4[%dma_wait3A_121, %add3A_119, %dma_wait3A_128] : memref<4x2048x4096xf32, #tpu.memory_space<hbm>> -> memref<1x2x4096xf32, #tpu.memory_space<hbm>>
    %dma_wait3A_130 = tpu.memref_squeeze %dma_wait3A_129 : memref<1x2x4096xf32, #tpu.memory_space<hbm>> -> memref<2x4096xf32, #tpu.memory_space<hbm>>
    %dma_wait3A_131 = tpu.memref_slice %arg9[%dma_wait3A_122, %dma_wait3A_123] : memref<4x2x!tpu.dma_semaphore, #tpu.memory_space<semaphore_mem>> -> memref<1x1x!tpu.dma_semaphore, #tpu.memory_space<semaphore_mem>>
    %dma_wait3A_132 = tpu.memref_squeeze %dma_wait3A_131 : memref<1x1x!tpu.dma_semaphore, #tpu.memory_space<semaphore_mem>> -> memref<!tpu.dma_semaphore, #tpu.memory_space<semaphore_mem>>
    %dma_wait3A_133 = arith.constant 0 : i32
    %dma_wait3A_134 = tpu.memref_slice %arg4[%dma_wait3A_121, %add3A_119, %dma_wait3A_133] : memref<4x2048x4096xf32, #tpu.memory_space<hbm>> -> memref<1x2x4096xf32, #tpu.memory_space<hbm>>
    %dma_wait3A_135 = tpu.memref_squeeze %dma_wait3A_134 : memref<1x2x4096xf32, #tpu.memory_space<hbm>> -> memref<2x4096xf32, #tpu.memory_space<hbm>>
    %dma_wait3A_136 = arith.constant 0 : i32
    %dma_wait3A_137 = arith.constant 0 : i32
    %dma_wait3A_138 = tpu.memref_slice %arg6[%dma_wait3A, %dma_wait3A_120, %dma_wait3A_136, %dma_wait3A_137] : memref<4x2x2x4096xf32, #tpu.memory_space<vmem>> -> memref<1x1x2x4096xf32, #tpu.memory_space<vmem>>
    %dma_wait3A_139 = tpu.memref_squeeze %dma_wait3A_138 : memref<1x1x2x4096xf32, #tpu.memory_space<vmem>> -> memref<2x4096xf32, #tpu.memory_space<vmem>>
    tpu.wait_dma2 semaphore(%dma_wait3A_132 : memref<!tpu.dma_semaphore, #tpu.memory_space<semaphore_mem>>) src(%dma_wait3A_139 : memref<2x4096xf32, #tpu.memory_space<vmem>>) dst(%dma_wait3A_135 : memref<2x4096xf32, #tpu.memory_space<hbm>>)
    %add3A_140 = arith.constant 62 : i32
    %add3A_141 = arith.addi %mul3A_2, %add3A_140 : i32
    %dma_wait3A_142 = arith.constant 0 : i32
    %dma_wait3A_143 = arith.constant 1 : i32
    %dma_wait3A_144 = arith.constant 0 : i32
    %dma_wait3A_145 = arith.constant 0 : i32
    %dma_wait3A_146 = arith.constant 1 : i32
    %dma_wait3A_147 = arith.constant 0 : i32
    %dma_wait3A_148 = arith.constant 0 : i32
    %dma_wait3A_149 = tpu.memref_slice %arg6[%dma_wait3A_142, %dma_wait3A_143, %dma_wait3A_147, %dma_wait3A_148] : memref<4x2x2x4096xf32, #tpu.memory_space<vmem>> -> memref<1x1x2x4096xf32, #tpu.memory_space<vmem>>
    %dma_wait3A_150 = tpu.memref_squeeze %dma_wait3A_149 : memref<1x1x2x4096xf32, #tpu.memory_space<vmem>> -> memref<2x4096xf32, #tpu.memory_space<vmem>>
    %dma_wait3A_151 = arith.constant 0 : i32
    %dma_wait3A_152 = tpu.memref_slice %arg4[%dma_wait3A_144, %add3A_141, %dma_wait3A_151] : memref<4x2048x4096xf32, #tpu.memory_space<hbm>> -> memref<1x2x4096xf32, #tpu.memory_space<hbm>>
    %dma_wait3A_153 = tpu.memref_squeeze %dma_wait3A_152 : memref<1x2x4096xf32, #tpu.memory_space<hbm>> -> memref<2x4096xf32, #tpu.memory_space<hbm>>
    %dma_wait3A_154 = tpu.memref_slice %arg9[%dma_wait3A_145, %dma_wait3A_146] : memref<4x2x!tpu.dma_semaphore, #tpu.memory_space<semaphore_mem>> -> memref<1x1x!tpu.dma_semaphore, #tpu.memory_space<semaphore_mem>>
    %dma_wait3A_155 = tpu.memref_squeeze %dma_wait3A_154 : memref<1x1x!tpu.dma_semaphore, #tpu.memory_space<semaphore_mem>> -> memref<!tpu.dma_semaphore, #tpu.memory_space<semaphore_mem>>
    %dma_wait3A_156 = arith.constant 0 : i32
    %dma_wait3A_157 = tpu.memref_slice %arg4[%dma_wait3A_144, %add3A_141, %dma_wait3A_156] : memref<4x2048x4096xf32, #tpu.memory_space<hbm>> -> memref<1x2x4096xf32, #tpu.memory_space<hbm>>
    %dma_wait3A_158 = tpu.memref_squeeze %dma_wait3A_157 : memref<1x2x4096xf32, #tpu.memory_space<hbm>> -> memref<2x4096xf32, #tpu.memory_space<hbm>>
    %dma_wait3A_159 = arith.constant 0 : i32
    %dma_wait3A_160 = arith.constant 0 : i32
    %dma_wait3A_161 = tpu.memref_slice %arg6[%dma_wait3A_142, %dma_wait3A_143, %dma_wait3A_159, %dma_wait3A_160] : memref<4x2x2x4096xf32, #tpu.memory_space<vmem>> -> memref<1x1x2x4096xf32, #tpu.memory_space<vmem>>
    %dma_wait3A_162 = tpu.memref_squeeze %dma_wait3A_161 : memref<1x1x2x4096xf32, #tpu.memory_space<vmem>> -> memref<2x4096xf32, #tpu.memory_space<vmem>>
    tpu.wait_dma2 semaphore(%dma_wait3A_155 : memref<!tpu.dma_semaphore, #tpu.memory_space<semaphore_mem>>) src(%dma_wait3A_162 : memref<2x4096xf32, #tpu.memory_space<vmem>>) dst(%dma_wait3A_158 : memref<2x4096xf32, #tpu.memory_space<hbm>>)
    %add3A_163 = arith.constant 60 : i32
    %add3A_164 = arith.addi %mul3A_2, %add3A_163 : i32
    %dma_wait3A_165 = arith.constant 1 : i32
    %dma_wait3A_166 = arith.constant 0 : i32
    %dma_wait3A_167 = arith.constant 1 : i32
    %dma_wait3A_168 = arith.constant 1 : i32
    %dma_wait3A_169 = arith.constant 0 : i32
    %dma_wait3A_170 = arith.constant 0 : i32
    %dma_wait3A_171 = arith.constant 0 : i32
    %dma_wait3A_172 = tpu.memref_slice %arg6[%dma_wait3A_165, %dma_wait3A_166, %dma_wait3A_170, %dma_wait3A_171] : memref<4x2x2x4096xf32, #tpu.memory_space<vmem>> -> memref<1x1x2x4096xf32, #tpu.memory_space<vmem>>
    %dma_wait3A_173 = tpu.memref_squeeze %dma_wait3A_172 : memref<1x1x2x4096xf32, #tpu.memory_space<vmem>> -> memref<2x4096xf32, #tpu.memory_space<vmem>>
    %dma_wait3A_174 = arith.constant 0 : i32
    %dma_wait3A_175 = tpu.memref_slice %arg4[%dma_wait3A_167, %add3A_164, %dma_wait3A_174] : memref<4x2048x4096xf32, #tpu.memory_space<hbm>> -> memref<1x2x4096xf32, #tpu.memory_space<hbm>>
    %dma_wait3A_176 = tpu.memref_squeeze %dma_wait3A_175 : memref<1x2x4096xf32, #tpu.memory_space<hbm>> -> memref<2x4096xf32, #tpu.memory_space<hbm>>
    %dma_wait3A_177 = tpu.memref_slice %arg9[%dma_wait3A_168, %dma_wait3A_169] : memref<4x2x!tpu.dma_semaphore, #tpu.memory_space<semaphore_mem>> -> memref<1x1x!tpu.dma_semaphore, #tpu.memory_space<semaphore_mem>>
    %dma_wait3A_178 = tpu.memref_squeeze %dma_wait3A_177 : memref<1x1x!tpu.dma_semaphore, #tpu.memory_space<semaphore_mem>> -> memref<!tpu.dma_semaphore, #tpu.memory_space<semaphore_mem>>
    %dma_wait3A_179 = arith.constant 0 : i32
    %dma_wait3A_180 = tpu.memref_slice %arg4[%dma_wait3A_167, %add3A_164, %dma_wait3A_179] : memref<4x2048x4096xf32, #tpu.memory_space<hbm>> -> memref<1x2x4096xf32, #tpu.memory_space<hbm>>
    %dma_wait3A_181 = tpu.memref_squeeze %dma_wait3A_180 : memref<1x2x4096xf32, #tpu.memory_space<hbm>> -> memref<2x4096xf32, #tpu.memory_space<hbm>>
    %dma_wait3A_182 = arith.constant 0 : i32
    %dma_wait3A_183 = arith.constant 0 : i32
    %dma_wait3A_184 = tpu.memref_slice %arg6[%dma_wait3A_165, %dma_wait3A_166, %dma_wait3A_182, %dma_wait3A_183] : memref<4x2x2x4096xf32, #tpu.memory_space<vmem>> -> memref<1x1x2x4096xf32, #tpu.memory_space<vmem>>
    %dma_wait3A_185 = tpu.memref_squeeze %dma_wait3A_184 : memref<1x1x2x4096xf32, #tpu.memory_space<vmem>> -> memref<2x4096xf32, #tpu.memory_space<vmem>>
    tpu.wait_dma2 semaphore(%dma_wait3A_178 : memref<!tpu.dma_semaphore, #tpu.memory_space<semaphore_mem>>) src(%dma_wait3A_185 : memref<2x4096xf32, #tpu.memory_space<vmem>>) dst(%dma_wait3A_181 : memref<2x4096xf32, #tpu.memory_space<hbm>>)
    %add3A_186 = arith.constant 62 : i32
    %add3A_187 = arith.addi %mul3A_2, %add3A_186 : i32
    %dma_wait3A_188 = arith.constant 1 : i32
    %dma_wait3A_189 = arith.constant 1 : i32
    %dma_wait3A_190 = arith.constant 1 : i32
    %dma_wait3A_191 = arith.constant 1 : i32
    %dma_wait3A_192 = arith.constant 1 : i32
    %dma_wait3A_193 = arith.constant 0 : i32
    %dma_wait3A_194 = arith.constant 0 : i32
    %dma_wait3A_195 = tpu.memref_slice %arg6[%dma_wait3A_188, %dma_wait3A_189, %dma_wait3A_193, %dma_wait3A_194] : memref<4x2x2x4096xf32, #tpu.memory_space<vmem>> -> memref<1x1x2x4096xf32, #tpu.memory_space<vmem>>
    %dma_wait3A_196 = tpu.memref_squeeze %dma_wait3A_195 : memref<1x1x2x4096xf32, #tpu.memory_space<vmem>> -> memref<2x4096xf32, #tpu.memory_space<vmem>>
    %dma_wait3A_197 = arith.constant 0 : i32
    %dma_wait3A_198 = tpu.memref_slice %arg4[%dma_wait3A_190, %add3A_187, %dma_wait3A_197] : memref<4x2048x4096xf32, #tpu.memory_space<hbm>> -> memref<1x2x4096xf32, #tpu.memory_space<hbm>>
    %dma_wait3A_199 = tpu.memref_squeeze %dma_wait3A_198 : memref<1x2x4096xf32, #tpu.memory_space<hbm>> -> memref<2x4096xf32, #tpu.memory_space<hbm>>
    %dma_wait3A_200 = tpu.memref_slice %arg9[%dma_wait3A_191, %dma_wait3A_192] : memref<4x2x!tpu.dma_semaphore, #tpu.memory_space<semaphore_mem>> -> memref<1x1x!tpu.dma_semaphore, #tpu.memory_space<semaphore_mem>>
    %dma_wait3A_201 = tpu.memref_squeeze %dma_wait3A_200 : memref<1x1x!tpu.dma_semaphore, #tpu.memory_space<semaphore_mem>> -> memref<!tpu.dma_semaphore, #tpu.memory_space<semaphore_mem>>
    %dma_wait3A_202 = arith.constant 0 : i32
    %dma_wait3A_203 = tpu.memref_slice %arg4[%dma_wait3A_190, %add3A_187, %dma_wait3A_202] : memref<4x2048x4096xf32, #tpu.memory_space<hbm>> -> memref<1x2x4096xf32, #tpu.memory_space<hbm>>
    %dma_wait3A_204 = tpu.memref_squeeze %dma_wait3A_203 : memref<1x2x4096xf32, #tpu.memory_space<hbm>> -> memref<2x4096xf32, #tpu.memory_space<hbm>>
    %dma_wait3A_205 = arith.constant 0 : i32
    %dma_wait3A_206 = arith.constant 0 : i32
    %dma_wait3A_207 = tpu.memref_slice %arg6[%dma_wait3A_188, %dma_wait3A_189, %dma_wait3A_205, %dma_wait3A_206] : memref<4x2x2x4096xf32, #tpu.memory_space<vmem>> -> memref<1x1x2x4096xf32, #tpu.memory_space<vmem>>
    %dma_wait3A_208 = tpu.memref_squeeze %dma_wait3A_207 : memref<1x1x2x4096xf32, #tpu.memory_space<vmem>> -> memref<2x4096xf32, #tpu.memory_space<vmem>>
    tpu.wait_dma2 semaphore(%dma_wait3A_201 : memref<!tpu.dma_semaphore, #tpu.memory_space<semaphore_mem>>) src(%dma_wait3A_208 : memref<2x4096xf32, #tpu.memory_space<vmem>>) dst(%dma_wait3A_204 : memref<2x4096xf32, #tpu.memory_space<hbm>>)
    %add3A_209 = arith.constant 60 : i32
    %add3A_210 = arith.addi %mul3A_2, %add3A_209 : i32
    %dma_wait3A_211 = arith.constant 2 : i32
    %dma_wait3A_212 = arith.constant 0 : i32
    %dma_wait3A_213 = arith.constant 2 : i32
    %dma_wait3A_214 = arith.constant 2 : i32
    %dma_wait3A_215 = arith.constant 0 : i32
    %dma_wait3A_216 = arith.constant 0 : i32
    %dma_wait3A_217 = arith.constant 0 : i32
    %dma_wait3A_218 = tpu.memref_slice %arg6[%dma_wait3A_211, %dma_wait3A_212, %dma_wait3A_216, %dma_wait3A_217] : memref<4x2x2x4096xf32, #tpu.memory_space<vmem>> -> memref<1x1x2x4096xf32, #tpu.memory_space<vmem>>
    %dma_wait3A_219 = tpu.memref_squeeze %dma_wait3A_218 : memref<1x1x2x4096xf32, #tpu.memory_space<vmem>> -> memref<2x4096xf32, #tpu.memory_space<vmem>>
    %dma_wait3A_220 = arith.constant 0 : i32
    %dma_wait3A_221 = tpu.memref_slice %arg4[%dma_wait3A_213, %add3A_210, %dma_wait3A_220] : memref<4x2048x4096xf32, #tpu.memory_space<hbm>> -> memref<1x2x4096xf32, #tpu.memory_space<hbm>>
    %dma_wait3A_222 = tpu.memref_squeeze %dma_wait3A_221 : memref<1x2x4096xf32, #tpu.memory_space<hbm>> -> memref<2x4096xf32, #tpu.memory_space<hbm>>
    %dma_wait3A_223 = tpu.memref_slice %arg9[%dma_wait3A_214, %dma_wait3A_215] : memref<4x2x!tpu.dma_semaphore, #tpu.memory_space<semaphore_mem>> -> memref<1x1x!tpu.dma_semaphore, #tpu.memory_space<semaphore_mem>>
    %dma_wait3A_224 = tpu.memref_squeeze %dma_wait3A_223 : memref<1x1x!tpu.dma_semaphore, #tpu.memory_space<semaphore_mem>> -> memref<!tpu.dma_semaphore, #tpu.memory_space<semaphore_mem>>
    %dma_wait3A_225 = arith.constant 0 : i32
    %dma_wait3A_226 = tpu.memref_slice %arg4[%dma_wait3A_213, %add3A_210, %dma_wait3A_225] : memref<4x2048x4096xf32, #tpu.memory_space<hbm>> -> memref<1x2x4096xf32, #tpu.memory_space<hbm>>
    %dma_wait3A_227 = tpu.memref_squeeze %dma_wait3A_226 : memref<1x2x4096xf32, #tpu.memory_space<hbm>> -> memref<2x4096xf32, #tpu.memory_space<hbm>>
    %dma_wait3A_228 = arith.constant 0 : i32
    %dma_wait3A_229 = arith.constant 0 : i32
    %dma_wait3A_230 = tpu.memref_slice %arg6[%dma_wait3A_211, %dma_wait3A_212, %dma_wait3A_228, %dma_wait3A_229] : memref<4x2x2x4096xf32, #tpu.memory_space<vmem>> -> memref<1x1x2x4096xf32, #tpu.memory_space<vmem>>
    %dma_wait3A_231 = tpu.memref_squeeze %dma_wait3A_230 : memref<1x1x2x4096xf32, #tpu.memory_space<vmem>> -> memref<2x4096xf32, #tpu.memory_space<vmem>>
    tpu.wait_dma2 semaphore(%dma_wait3A_224 : memref<!tpu.dma_semaphore, #tpu.memory_space<semaphore_mem>>) src(%dma_wait3A_231 : memref<2x4096xf32, #tpu.memory_space<vmem>>) dst(%dma_wait3A_227 : memref<2x4096xf32, #tpu.memory_space<hbm>>)
    %add3A_232 = arith.constant 62 : i32
    %add3A_233 = arith.addi %mul3A_2, %add3A_232 : i32
    %dma_wait3A_234 = arith.constant 2 : i32
    %dma_wait3A_235 = arith.constant 1 : i32
    %dma_wait3A_236 = arith.constant 2 : i32
    %dma_wait3A_237 = arith.constant 2 : i32
    %dma_wait3A_238 = arith.constant 1 : i32
    %dma_wait3A_239 = arith.constant 0 : i32
    %dma_wait3A_240 = arith.constant 0 : i32
    %dma_wait3A_241 = tpu.memref_slice %arg6[%dma_wait3A_234, %dma_wait3A_235, %dma_wait3A_239, %dma_wait3A_240] : memref<4x2x2x4096xf32, #tpu.memory_space<vmem>> -> memref<1x1x2x4096xf32, #tpu.memory_space<vmem>>
    %dma_wait3A_242 = tpu.memref_squeeze %dma_wait3A_241 : memref<1x1x2x4096xf32, #tpu.memory_space<vmem>> -> memref<2x4096xf32, #tpu.memory_space<vmem>>
    %dma_wait3A_243 = arith.constant 0 : i32
    %dma_wait3A_244 = tpu.memref_slice %arg4[%dma_wait3A_236, %add3A_233, %dma_wait3A_243] : memref<4x2048x4096xf32, #tpu.memory_space<hbm>> -> memref<1x2x4096xf32, #tpu.memory_space<hbm>>
    %dma_wait3A_245 = tpu.memref_squeeze %dma_wait3A_244 : memref<1x2x4096xf32, #tpu.memory_space<hbm>> -> memref<2x4096xf32, #tpu.memory_space<hbm>>
    %dma_wait3A_246 = tpu.memref_slice %arg9[%dma_wait3A_237, %dma_wait3A_238] : memref<4x2x!tpu.dma_semaphore, #tpu.memory_space<semaphore_mem>> -> memref<1x1x!tpu.dma_semaphore, #tpu.memory_space<semaphore_mem>>
    %dma_wait3A_247 = tpu.memref_squeeze %dma_wait3A_246 : memref<1x1x!tpu.dma_semaphore, #tpu.memory_space<semaphore_mem>> -> memref<!tpu.dma_semaphore, #tpu.memory_space<semaphore_mem>>
    %dma_wait3A_248 = arith.constant 0 : i32
    %dma_wait3A_249 = tpu.memref_slice %arg4[%dma_wait3A_236, %add3A_233, %dma_wait3A_248] : memref<4x2048x4096xf32, #tpu.memory_space<hbm>> -> memref<1x2x4096xf32, #tpu.memory_space<hbm>>
    %dma_wait3A_250 = tpu.memref_squeeze %dma_wait3A_249 : memref<1x2x4096xf32, #tpu.memory_space<hbm>> -> memref<2x4096xf32, #tpu.memory_space<hbm>>
    %dma_wait3A_251 = arith.constant 0 : i32
    %dma_wait3A_252 = arith.constant 0 : i32
    %dma_wait3A_253 = tpu.memref_slice %arg6[%dma_wait3A_234, %dma_wait3A_235, %dma_wait3A_251, %dma_wait3A_252] : memref<4x2x2x4096xf32, #tpu.memory_space<vmem>> -> memref<1x1x2x4096xf32, #tpu.memory_space<vmem>>
    %dma_wait3A_254 = tpu.memref_squeeze %dma_wait3A_253 : memref<1x1x2x4096xf32, #tpu.memory_space<vmem>> -> memref<2x4096xf32, #tpu.memory_space<vmem>>
    tpu.wait_dma2 semaphore(%dma_wait3A_247 : memref<!tpu.dma_semaphore, #tpu.memory_space<semaphore_mem>>) src(%dma_wait3A_254 : memref<2x4096xf32, #tpu.memory_space<vmem>>) dst(%dma_wait3A_250 : memref<2x4096xf32, #tpu.memory_space<hbm>>)
    %add3A_255 = arith.constant 60 : i32
    %add3A_256 = arith.addi %mul3A_2, %add3A_255 : i32
    %dma_wait3A_257 = arith.constant 3 : i32
    %dma_wait3A_258 = arith.constant 0 : i32
    %dma_wait3A_259 = arith.constant 3 : i32
    %dma_wait3A_260 = arith.constant 3 : i32
    %dma_wait3A_261 = arith.constant 0 : i32
    %dma_wait3A_262 = arith.constant 0 : i32
    %dma_wait3A_263 = arith.constant 0 : i32
    %dma_wait3A_264 = tpu.memref_slice %arg6[%dma_wait3A_257, %dma_wait3A_258, %dma_wait3A_262, %dma_wait3A_263] : memref<4x2x2x4096xf32, #tpu.memory_space<vmem>> -> memref<1x1x2x4096xf32, #tpu.memory_space<vmem>>
    %dma_wait3A_265 = tpu.memref_squeeze %dma_wait3A_264 : memref<1x1x2x4096xf32, #tpu.memory_space<vmem>> -> memref<2x4096xf32, #tpu.memory_space<vmem>>
    %dma_wait3A_266 = arith.constant 0 : i32
    %dma_wait3A_267 = tpu.memref_slice %arg4[%dma_wait3A_259, %add3A_256, %dma_wait3A_266] : memref<4x2048x4096xf32, #tpu.memory_space<hbm>> -> memref<1x2x4096xf32, #tpu.memory_space<hbm>>
    %dma_wait3A_268 = tpu.memref_squeeze %dma_wait3A_267 : memref<1x2x4096xf32, #tpu.memory_space<hbm>> -> memref<2x4096xf32, #tpu.memory_space<hbm>>
    %dma_wait3A_269 = tpu.memref_slice %arg9[%dma_wait3A_260, %dma_wait3A_261] : memref<4x2x!tpu.dma_semaphore, #tpu.memory_space<semaphore_mem>> -> memref<1x1x!tpu.dma_semaphore, #tpu.memory_space<semaphore_mem>>
    %dma_wait3A_270 = tpu.memref_squeeze %dma_wait3A_269 : memref<1x1x!tpu.dma_semaphore, #tpu.memory_space<semaphore_mem>> -> memref<!tpu.dma_semaphore, #tpu.memory_space<semaphore_mem>>
    %dma_wait3A_271 = arith.constant 0 : i32
    %dma_wait3A_272 = tpu.memref_slice %arg4[%dma_wait3A_259, %add3A_256, %dma_wait3A_271] : memref<4x2048x4096xf32, #tpu.memory_space<hbm>> -> memref<1x2x4096xf32, #tpu.memory_space<hbm>>
    %dma_wait3A_273 = tpu.memref_squeeze %dma_wait3A_272 : memref<1x2x4096xf32, #tpu.memory_space<hbm>> -> memref<2x4096xf32, #tpu.memory_space<hbm>>
    %dma_wait3A_274 = arith.constant 0 : i32
    %dma_wait3A_275 = arith.constant 0 : i32
    %dma_wait3A_276 = tpu.memref_slice %arg6[%dma_wait3A_257, %dma_wait3A_258, %dma_wait3A_274, %dma_wait3A_275] : memref<4x2x2x4096xf32, #tpu.memory_space<vmem>> -> memref<1x1x2x4096xf32, #tpu.memory_space<vmem>>
    %dma_wait3A_277 = tpu.memref_squeeze %dma_wait3A_276 : memref<1x1x2x4096xf32, #tpu.memory_space<vmem>> -> memref<2x4096xf32, #tpu.memory_space<vmem>>
    tpu.wait_dma2 semaphore(%dma_wait3A_270 : memref<!tpu.dma_semaphore, #tpu.memory_space<semaphore_mem>>) src(%dma_wait3A_277 : memref<2x4096xf32, #tpu.memory_space<vmem>>) dst(%dma_wait3A_273 : memref<2x4096xf32, #tpu.memory_space<hbm>>)
    %add3A_278 = arith.constant 62 : i32
    %add3A_279 = arith.addi %mul3A_2, %add3A_278 : i32
    %dma_wait3A_280 = arith.constant 3 : i32
    %dma_wait3A_281 = arith.constant 1 : i32
    %dma_wait3A_282 = arith.constant 3 : i32
    %dma_wait3A_283 = arith.constant 3 : i32
    %dma_wait3A_284 = arith.constant 1 : i32
    %dma_wait3A_285 = arith.constant 0 : i32
    %dma_wait3A_286 = arith.constant 0 : i32
    %dma_wait3A_287 = tpu.memref_slice %arg6[%dma_wait3A_280, %dma_wait3A_281, %dma_wait3A_285, %dma_wait3A_286] : memref<4x2x2x4096xf32, #tpu.memory_space<vmem>> -> memref<1x1x2x4096xf32, #tpu.memory_space<vmem>>
    %dma_wait3A_288 = tpu.memref_squeeze %dma_wait3A_287 : memref<1x1x2x4096xf32, #tpu.memory_space<vmem>> -> memref<2x4096xf32, #tpu.memory_space<vmem>>
    %dma_wait3A_289 = arith.constant 0 : i32
    %dma_wait3A_290 = tpu.memref_slice %arg4[%dma_wait3A_282, %add3A_279, %dma_wait3A_289] : memref<4x2048x4096xf32, #tpu.memory_space<hbm>> -> memref<1x2x4096xf32, #tpu.memory_space<hbm>>
    %dma_wait3A_291 = tpu.memref_squeeze %dma_wait3A_290 : memref<1x2x4096xf32, #tpu.memory_space<hbm>> -> memref<2x4096xf32, #tpu.memory_space<hbm>>
    %dma_wait3A_292 = tpu.memref_slice %arg9[%dma_wait3A_283, %dma_wait3A_284] : memref<4x2x!tpu.dma_semaphore, #tpu.memory_space<semaphore_mem>> -> memref<1x1x!tpu.dma_semaphore, #tpu.memory_space<semaphore_mem>>
    %dma_wait3A_293 = tpu.memref_squeeze %dma_wait3A_292 : memref<1x1x!tpu.dma_semaphore, #tpu.memory_space<semaphore_mem>> -> memref<!tpu.dma_semaphore, #tpu.memory_space<semaphore_mem>>
    %dma_wait3A_294 = arith.constant 0 : i32
    %dma_wait3A_295 = tpu.memref_slice %arg4[%dma_wait3A_282, %add3A_279, %dma_wait3A_294] : memref<4x2048x4096xf32, #tpu.memory_space<hbm>> -> memref<1x2x4096xf32, #tpu.memory_space<hbm>>
    %dma_wait3A_296 = tpu.memref_squeeze %dma_wait3A_295 : memref<1x2x4096xf32, #tpu.memory_space<hbm>> -> memref<2x4096xf32, #tpu.memory_space<hbm>>
    %dma_wait3A_297 = arith.constant 0 : i32
    %dma_wait3A_298 = arith.constant 0 : i32
    %dma_wait3A_299 = tpu.memref_slice %arg6[%dma_wait3A_280, %dma_wait3A_281, %dma_wait3A_297, %dma_wait3A_298] : memref<4x2x2x4096xf32, #tpu.memory_space<vmem>> -> memref<1x1x2x4096xf32, #tpu.memory_space<vmem>>
    %dma_wait3A_300 = tpu.memref_squeeze %dma_wait3A_299 : memref<1x1x2x4096xf32, #tpu.memory_space<vmem>> -> memref<2x4096xf32, #tpu.memory_space<vmem>>
    tpu.wait_dma2 semaphore(%dma_wait3A_293 : memref<!tpu.dma_semaphore, #tpu.memory_space<semaphore_mem>>) src(%dma_wait3A_300 : memref<2x4096xf32, #tpu.memory_space<vmem>>) dst(%dma_wait3A_296 : memref<2x4096xf32, #tpu.memory_space<hbm>>)
    return
  }
}

</mosaic_0001>

<sc_bundles>
// kernel: kernel.3.cloned.1.call-start
scs
__scs_entry_jumppad:
0x0: {  	(pc) =	sbr.rel $0x88, $3  }
0x1: {  	(tag) =	ssettag $0x0;
	lr =	simm.s32 $0x1  }
0x2: {  	[smem:$0x3F9F] =	sst lr;
	_ =	strace $0xD0000000  }
0x3: {  	_ = 	snop  }
0x4: {  	_ = 	snop  }
0x5: {  	_ = 	snop  }
0x6: {  	_ = 	snop  }
0x7: {  	_ = 	snop  }
__scs_overlays_trampoline_lowered:
0x8: {  	[smem:$0x3FAE] =	sst s0  }
0x9: {  	[smem:$0x3FAF] =	sst s1  }
0xa: {  	[smem:$0x3FB0] =	sst s2  }
0xb: {  	[smem:$0x3FB1] =	sst s3  }
0xc: {  	[smem:$0x3FB2] =	sst s4  }
0xd: {  	[smem:$0x3FB3] =	sst s5  }
0xe: {  	[smem:$0x3FB4] =	sst s6  }
0xf: {  	[smem:$0x3FB5] =	sst s7  }
0x10: {  	[smem:$0x3FB6] =	sst s8  }
0x11: {  	[smem:$0x3FB7] =	sst s9;
	s0 =	simm.s32 @!p0 $0x0  }
0x12: {  	s1 =	sld [smem:$0x3F9D];
	s0 =	simm.s32 @p0 $0x1  }
0x13: {  	[smem:$0x3FB8] =	sst s0;
	s0 =	simm.s32 @!p1 $0x0  }
0x14: {  	s2 =	sld [smem:$0x3F9C];
	s0 =	simm.s32 @p1 $0x1  }
0x15: {  	[smem:$0x3FB9] =	sst s0;
	s0 =	simm.s32 @!p2 $0x0  }
0x16: {  	s3 =	sld [smem:$0x3FDB];
	s0 =	simm.s32 @p2 $0x1  }
0x17: {  	s4 =	simm.s32 $0x1BF5;
	[smem:$0x3FBB] =	sst s0  }
0x18: {  	s0 =	sld [smem:$0x3F9E];
	_ =	swait.ge [sflag:s4], $0x0  }
0x19: {  	s7 =	sld [smem:$0x3F9F]  }
0x1a: {  	s8 =	sadd.s32 $0xFFFFE003, lr  }
0x1b: {  	s9 =	sadd.s32 $0xFFFFFEF7, lr;
	s5 =	simm.s32 $0xFFFFFFFF;
	p2 =	slt.u32 s8, $0xFFFFF086  }
0x1c: {  	p1 =	slt.u32 s9, $0xF7A;
	s5 =	simm.s32 @!p2 $0x0  }
0x1d: {  	s5 =	simm.s32 @p1 $0x1;
	p0 =	seq.s32 s7, s2  }
0x1e: {  	s7 =	smul.u32 @!p0 $0xF7A, s2;
	p2 =	seq.s32 @!p0 s5, $0x0  }
0x1f: {  	s9 =	smul.u32 $0xF7A, s1;
	s8 =	simm.s32 @!p0 $0x1BF5;
	p2 =	por !p2, p0  }
0x20: {  	[sflag:s8] =	ssyncset.s32 @!p0 $0xFFFFF086;
	s6 =	sadd.s32 @!p0 s3, s7;
	s7 =	simm.s32 @!p0 $0x108  }
0x21: {  	s3 =	sadd.s32 s3, s9;
	s6 =	sadd.s32 @!p0 $0x88, s6;
	s7 =	simm.s32 @p2 $0x1082  }
0x22: {  	[simem:s7], [sflag:s8] =	dma.local @!p0 [hbm:s6], $0xF7A  }
0x23: {  	s9 =	sor.u32 $0xD0000000, s2;
	s6 =	simm.s32 $0x108;
	_ =	swait.ge @!p0 [sflag:s8], $0x0  }
0x24: {  	s3 =	sadd.s32 $0x88, s3;
	s6 =	simm.s32 @!p1 $0x1082;
	[sflag:s4] =	ssyncset.s32 $0xFFFFF086  }
0x25: {  	[simem:s6], [sflag:s4] =	dma.local [hbm:s3], $0xF7A  }
0x26: {  	[smem:$0x3F9F] =	sst s1;
	(tag) =	ssettag s2;
	_ =	strace s9  }
0x27: {  	s1 =	sld [smem:$0x3FAF]  }
0x28: {  	s2 =	sld [smem:$0x3FB0]  }
0x29: {  	s4 =	sld [smem:$0x3FB2]  }
0x2a: {  	p0 =	seq.s32 s5, $0x0;
	s5 =	sld [smem:$0x3FB3]  }
0x2b: {  	s6 =	sld [smem:$0x3FB4]  }
0x2c: {  	s7 =	sld [smem:$0x3FB5]  }
0x2d: {  	s3 =	simm.s32 $0x108;
	s8 =	sld [smem:$0x3FB6]  }
0x2e: {  	s3 =	simm.s32 @!p0 $0x1082;
	s9 =	sld [smem:$0x3FB7]  }
0x2f: {  	lr =	sadd.s32 s0, s3;
	s0 =	sld [smem:$0x3FAE]  }
0x30: {  	s3 =	sld [smem:$0x3FB1]  }
0x31: {  	[smem:$0x3FBA] =	sst s10  }
0x32: {  	s10 =	sld [smem:$0x3FB8];
	_ =	sdelay $0x3  }
0x33: {  	p0 =	seq.s32 s10, $0x1;
	s10 =	sld [smem:$0x3FBA];
	_ =	sdelay $0x3  }
0x34: {  	[smem:$0x3FBA] =	sst s10  }
0x35: {  	s10 =	sld [smem:$0x3FB9];
	_ =	sdelay $0x3  }
0x36: {  	p1 =	seq.s32 s10, $0x1;
	s10 =	sld [smem:$0x3FBA];
	_ =	sdelay $0x3  }
0x37: {  	[smem:$0x3FBA] =	sst s10  }
0x38: {  	s10 =	sld [smem:$0x3FBB]  }
0x39: {  	_ = 	snop;
	(pc) =	sbr.ind lr, $3  }
0x3a: {  	_ = 	snop  }
0x3b: {  	_ = 	snop  }
0x3c: {  	p2 =	seq.s32 s10, $0x1;
	s10 =	sld [smem:$0x3FBA]  }
0x3d: {  	_ =	shalt  }
0x3e: {  	_ =	shalt  }
0x3f: {  	_ =	shalt  }
0x40: {  	_ =	shalt  }
0x41: {  	_ =	shalt  }
0x42: {  	_ =	shalt  }
0x43: {  	_ =	shalt  }
0x44: {  	_ =	shalt  }
0x45: {  	_ =	shalt  }
0x46: {  	_ =	shalt  }
0x47: {  	_ =	shalt  }
0x48: {  	_ =	shalt  }
0x49: {  	_ =	shalt  }
0x4a: {  	_ =	shalt  }
0x4b: {  	_ =	shalt  }
0x4c: {  	_ =	shalt  }
0x4d: {  	_ =	shalt  }
0x4e: {  	_ =	shalt  }
0x4f: {  	_ =	shalt  }
0x50: {  	_ =	shalt  }
0x51: {  	_ =	shalt  }
0x52: {  	_ =	shalt  }
0x53: {  	_ =	shalt  }
0x54: {  	_ =	shalt  }
0x55: {  	_ =	shalt  }
0x56: {  	_ =	shalt  }
0x57: {  	_ =	shalt  }
0x58: {  	_ =	shalt  }
0x59: {  	_ =	shalt  }
0x5a: {  	_ =	shalt  }
0x5b: {  	_ =	shalt  }
0x5c: {  	_ =	shalt  }
0x5d: {  	_ =	shalt  }
0x5e: {  	_ =	shalt  }
0x5f: {  	_ =	shalt  }
0x60: {  	_ =	shalt  }
0x61: {  	_ =	shalt  }
0x62: {  	_ =	shalt  }
0x63: {  	_ =	shalt  }
0x64: {  	_ =	shalt  }
0x65: {  	_ =	shalt  }
0x66: {  	_ =	shalt  }
0x67: {  	_ =	shalt  }
0x68: {  	_ =	shalt  }
0x69: {  	_ =	shalt  }
0x6a: {  	_ =	shalt  }
0x6b: {  	_ =	shalt  }
0x6c: {  	_ =	shalt  }
0x6d: {  	_ =	shalt  }
0x6e: {  	_ =	shalt  }
0x6f: {  	_ =	shalt  }
0x70: {  	_ =	shalt  }
0x71: {  	_ =	shalt  }
0x72: {  	_ =	shalt  }
0x73: {  	_ =	shalt  }
0x74: {  	_ =	shalt  }
0x75: {  	_ =	shalt  }
0x76: {  	_ =	shalt  }
0x77: {  	_ =	shalt  }
0x78: {  	_ =	shalt  }
0x79: {  	_ =	shalt  }
0x7a: {  	_ =	shalt  }
0x7b: {  	_ =	shalt  }
0x7c: {  	_ =	shalt  }
0x7d: {  	_ =	shalt  }
0x7e: {  	_ =	shalt  }
0x7f: {  	_ =	shalt  }
0x80: {  	_ =	shalt  }
0x81: {  	_ =	shalt  }
0x82: {  	_ =	shalt  }
0x83: {  	_ =	shalt  }
0x84: {  	_ =	shalt  }
0x85: {  	_ =	shalt  }
0x86: {  	_ =	shalt  }
0x87: {  	_ =	shalt  }
.Lfunc_end0:
.L_simem_size_0:
called_computation_lowered:
.L_overlay_start_0:
0x88: {  	s2 =	sld [smem:$0x3FD9]  }
0x89: {  	s3 =	sld [smem:$0x3FFE];
	_ =	sdelay $0x1  }
0x8a: {  	s1 =	srdreg.scid  }
0x8b: {  	s0 =	sand.u32 $0x1, s1  }
0x8c: {  	s18 =	sshll.u32 s0, $0xA;
	s2 =	sadd.s32 s3, s2  }
0x8d: {  	s2 =	sadd.s32 s2, s18  }
0x8e: {  	[smem:$0x3FC6] =	sst s2  }
0x8f: {  	_ = 	snop  }
0x90: {  	s2 =	sld [smem:$0x3FC9]  }
0x91: {  	s19 =	sld [smem:$0x3FC8]  }
0x92: {  	s4 =	sld [smem:$0x3FD0];
	(tm) =	ssettm $0x1  }
0x93: {  	s5 =	sld [smem:$0x3FFB];
	_ =	sdelay $0x3  }
0x94: {  	_ =	strace s5  }
0x95: {  	s5 =	sld [smem:$0x3FFC];
	_ =	sdelay $0x3  }
0x96: {  	_ =	strace s5  }
0x97: {  	s5 =	sld [smem:$0x3FFD];
	_ =	sdelay $0x3  }
0x98: {  	_ =	strace s5  }
0x99: {  	_ =	strace $0x8FFFFFFF  }
0x9a: {  	s20 =	sld [smem:$0x3FDB];
	_ =	sdelay $0x1  }
0x9b: {  	s6 =	simm.s32 $_scs_section_size  }
0x9c: {  	s7 =	simm.s32 $_size__tile_overlayer_lowered;
	s8 =	simm.s32 $_tile_overlayer_lowered  }
0x9d: {  	s23 =	simm.s32 $0x1BFF;
	s22 =	sshll.u32 s8, $0x1;
	s5 =	sadd.s32 s6, s20  }
0x9e: {  	s9 =	simm.s32 $0x0;
	s21 =	sshll.u32 s7, $0x1;
	s7 =	sadd.s32 s22, s5  }
0x9f: {  	[timem:s9], [sflag:s23] =	dma.local [hbm:s7], s21  }
0xa0: {  	_ =	swait.ge [sflag:s23], s21  }
0xa1: {  	s6 =	ssub.s32 $0x0, s21;
	[sflag:s23] =	ssyncset.done $0x0  }
0xa2: {  	[sflag:s23] =	ssyncadd.s32 s6;
	_ =	sdelay $0x1  }
0xa3: {  	s24 =	simm.s32 $0x1B8B  }
0xa4: {  	_ =	swait.ge [sflag:s24], $0x1  }
0xa5: {  	[sflag:s24] =	ssyncset.done $0x0  }
0xa6: {  	s25 =	simm.s32 $0x1B8E;
	[sflag:s24] =	ssyncadd.s32 $0xFFFFFFFF  }
0xa7: {  	s26 =	simm.s32 $execute0_lowered;
	[smem:$0x3FD2] =	sst s25  }
0xa8: {  	s6 =	sshll.u32 s26, $0x1;
	_ =	strace $0x80000046;
	[dreg:$0x1] =	wrdreg $0xFFFFFFFF  }
0xa9: {  	s28 =	simm.s32 $_size_execute0_lowered;
	s5 =	sadd.s32 s5, s6;
	[dreg:$0x0] =	wrdreg $0x0  }
0xaa: {  	s6 =	sshll.u32 s28, $0x1;
	[dreg:$0x2] =	wrdreg s5  }
0xab: {  	[dreg:$0x3] =	wrdreg s6  }
0xac: {  	[dreg:$0x4] =	wrdreg $0xC0  }
0xad: {  	_ =	task [dreg:s9], $0x5FFFF  }
0xae: {  	[dreg:$0x1] =	wrdreg $0xFFFFFFFF  }
0xaf: {  	[dreg:$0x0] =	wrdreg $0x60  }
0xb0: {  	[dreg:$0x2] =	wrdreg s2  }
0xb1: {  	[dreg:$0x3] =	wrdreg s19  }
0xb2: {  	[dreg:$0x4] =	wrdreg s4  }
0xb3: {  	[dreg:$0x5] =	wrdreg $0x9  }
0xb4: {  	_ =	task.clear_ibuf [dreg:s9], $0x6FFFF;
	_ =	strace $0x90000046  }
0xb5: {  	s29 =	simm.s32 $0x9;
	_ =	strace $0x80000048  }
0xb6: {  	_ =	swait.ge [sflag:s29], $0x1  }
0xb7: {  	[sflag:s29] =	ssyncadd.s32 $0xFFFFFFFF  }
0xb8: {  	_ =	strace $0x90000048  }
0xb9: {  	_ =	sfence  }
0xba: {  	s30 =	sld [smem:$0x0];
	_ =	sdelay $0x2  }
0xbb: {  	s31 =	sshll.u32 s1, $0xD;
	s1 =	sshrl.u32 s1, $0x2  }
0xbc: {  	s3 =	sand.u32 $0x4000, s31;
	s1 =	sadd.s32 s1, s30  }
0xbd: {  	s0 =	sor.u32 s3, s0;
	s1 =	sshll.u32 s1, $0x11  }
0xbe: {  	s0 =	sor.u32 s1, s0  }
0xbf: {  	s0 =	sadd.s32 $0x8F2B, s0  }
0xc0: {  	[sflag:s0] =	ssyncadd.remote.s32 $0x1  }
0xc1: {  	_ =	sfence.sel $0xFFFF  }
0xc2: {  	[dreg:$0x0] =	wrdreg $0xFFFFFFFF;
	(pc) =	sbr.abs _section_cstart, $3  }
0xc3: {  	[dreg:$0x1] =	wrdreg $0xFFFFFFFF  }
0xc4: {  	_ =	task.clear_ibuf [dreg:s9], $0x2FFFF;
	_ =	strace $0x9FFFFFFF  }
0xc5: {  	(tm) =	ssettm $0x7FFFFFFF  }
tec
execute0_lowered:
.L_overlay_start_1:
0x0: {  	(tag) =	ssettag $0x1  }
0x1: {  	s29 =	rddreg [dreg:$0x0]  }
0x2: {  	s31 =	rddreg [dreg:$0x1]  }
0x3: {  	s4 =	rddreg [dreg:$0x2];
	s0 =	srdreg.scid  }
0x4: {  	s3 =	simm.s32 $0x0;
	s2 =	stileid.u32;
	s17 =	simm.s32 $0x100  }
0x5: {  	s18 =	simm.s32 $0x400;
	s5 =	simm.s32 $0x2;
	s0 =	sand.u32 $0x1, s0  }
0x6: {  	s2 =	sshll.u32 s2, $0x7;
	s1 =	ssub.s32 $0x2, s0;
	s0 =	sshll.u32 s0, $0x6  }
0x7: {  	s8 =	simm.s32 $0x6;
	[smem:$0x7FF] =	sst s3;
	s0 =	sor.u32 s0, s2  }
0x8: {  	s10 =	sadd.s32 $0x100000, s29;
	s6 =	sshll.u32 s0, $0x9;
	s0 =	sshll.u32 s0, $0xC  }
0x9: {  	_ =	strace $0x80000047;
	[dreg:$0x4] =	wrdreg s0;
	s23 =	sadd.s32 s31, s6  }
0xa: {  	s11 =	sadd.s32 $0x200000, s29;
	s24 =	sadd.s32 s29, s6;
	[dreg:$0x5] =	wrdreg s23  }
0xb: {  	s12 =	sadd.s32 $0x300000, s29;
	s25 =	sadd.s32 s6, s10;
	[dreg:$0x6] =	wrdreg s24  }
0xc: {  	s22 =	sshrl.u32 s1, $0x1;
	s26 =	sadd.s32 s6, s11;
	[dreg:$0x7] =	wrdreg s25  }
0xd: {  	s1 =	ssub.s32 s1, s22;
	s28 =	sadd.s32 s6, s12;
	[dreg:$0x8] =	wrdreg s26  }
0xe: {  	s9 =	simm.s32 $0x8;
	s30 =	smax.u32 s1, $0x1;
	[dreg:$0x9] =	wrdreg s28  }
0xf: {  	s13 =	simm.s32 $0xA;
	s2 =	simm.s32 $0x0;
	[dreg:$0xa] =	wrdreg s30  }
.LBB2_1:
0x10: {  	[dreg:$0xb] =	wrdreg s2  }
0x11: {  	s0 =	simm.s32 $0x0;
	s1 =	rddreg [dreg:$0x5]  }
0x12: {  	[tilespmem:s0], [sflag:$0x1] =	stream.strided.gather [hbm4b:s1+s17], $0x2000, s18, s17, $0x38;
	[tilespmem:$0x14000] =	vst v63  }
0x13: {  	s21 =	rddreg [dreg:$0x6];
	s22 =	simm.s32 $0x4000  }
0x14: {  	[tilespmem:s22], [sflag:$0x3] =	stream.strided.gather [hbm4b:s21+s17], $0x2000, s18, s17, $0x38;
	[tilespmem:$0x14000] =	vst v63  }
0x15: {  	s23 =	rddreg [dreg:$0x7];
	s24 =	simm.s32 $0x8000  }
0x16: {  	[tilespmem:s24], [sflag:$0x5] =	stream.strided.gather [hbm4b:s23+s17], $0x2000, s18, s17, $0x38;
	[tilespmem:$0x14000] =	vst v63  }
0x17: {  	s25 =	rddreg [dreg:$0x8];
	s26 =	simm.s32 $0xC000  }
0x18: {  	[tilespmem:s26], [sflag:$0x7] =	stream.strided.gather [hbm4b:s25+s17], $0x2000, s18, s17, $0x38;
	[tilespmem:$0x14000] =	vst v63  }
0x19: {  	s28 =	rddreg [dreg:$0x9];
	s30 =	simm.s32 $0x10000;
	s14 =	simm.s32 $0x0  }
0x1a: {  	[tilespmem:s30], [sflag:$0x9] =	stream.strided.gather [hbm4b:s28+s17], $0x2000, s18, s17, $0x38;
	[tilespmem:$0x14000] =	vst v63  }
.LBB2_2:
0x1b: {  	s15 =	sshllo.u32 s14, $0x1  }
0x1c: {  	s1 =	sshll.u32 s14, $0xB;
	s2 =	sshll.u32 s15, $0x5  }
0x1d: {  	s0 =	simm.s32 $0x1;
	s1 =	sand.u32 $0x7000, s1;
	s2 =	sand.u32 $0x60, s2  }
0x1e: {  	_ =	swait.ge [sflag:s0], $0x2000;
	s1 =	sor.u32 s2, s1  }
0x1f: {  	s20 =	simm.s32 $0x2000;
	[sflag:s0] =	ssyncset.done $0x0;
	s19 =	sor.u32 s6, s1  }
0x20: {  	s21 =	simm.s32 $0x3;
	[sflag:s0] =	ssyncadd.s32 $0xFFFFE000;
	s1 =	sadd.s32 s31, s19  }
0x21: {  	[tilespmem:s20], [sflag:$0x2] =	stream.strided.gather [hbm4b:s1+s17], $0x2000, s18, s17, $0x38;
	[tilespmem:$0x14000] =	vst v63  }
0x22: {  	_ =	swait.ge [sflag:s21], $0x2000  }
0x23: {  	p0 =	seq.s32 s14, $0x0;
	[sflag:s21] =	ssyncset.done $0x0  }
0x24: {  	s1 =	simm.s32 @!p0 $0xC;
	[sflag:s21] =	ssyncadd.s32 $0xFFFFE000  }
0x25: {  	s24 =	simm.s32 $0x0;
	_ =	swait.ge @!p0 [sflag:s1], $0x2000  }
0x26: {  	s23 =	simm.s32 $0x6000;
	s25 =	sand.u32 $0x1F00, s24;
	[sflag:s1] =	ssyncset.done @!p0 $0x0  }
0x27: {  	s22 =	sadd.s32 s29, s19;
	[sflag:s1] =	ssyncadd.s32 @!p0 $0xFFFFE000;
	s1 =	sand.u32 $0x80, s24  }
0x28: {  	[tilespmem:s23], [sflag:$0x4] =	stream.strided.gather [hbm4b:s22+s17], $0x2000, s18, s17, $0x38;
	[tilespmem:$0x14000] =	vst v63  }
0x29: {  	s1 =	sor.u32 s1, s25  }
0x2a: {  	v0 =	vld [tilespmem:s1+$0x70]  }
0x2b: {  	v2 =	vld [tilespmem:s1+$0x0]  }
0x2c: {  	v3 =	vld [tilespmem:s1+$0x10]  }
0x2d: {  	v4 =	vld [tilespmem:s1+$0x20]  }
0x2e: {  	v5 =	vld [tilespmem:s1+$0x30]  }
0x2f: {  	v6 =	vld [tilespmem:s1+$0x40]  }
0x30: {  	s2 =	sor.u32 $0x4070, s1;
	v1 =	vld [tilespmem:s1+$0x50]  }
0x31: {  	s30 =	smov.u32 s29;
	s26 =	sshll.u32 s14, $0xE;
	[tilespmem:s2+$0x0] =	vst.add.f32.msk $0xffff, v0  }
0x32: {  	s0 =	smov.u32 s31;
	s20 =	sshll.u32 s14, $0x9;
	s7 =	sor.u32 $0x4000, s1;
	v0 =	vld [tilespmem:s1+$0x60]  }
0x33: {  	s28 =	sand.u32 $0x200, s20;
	s24 =	sshll.u32 s14, $0x1;
	s21 =	sor.u32 $0x4010, s1;
	[tilespmem:s7+$0x0] =	vst.add.f32.msk $0xffff, v2  }
0x34: {  	s29 =	sor.u32 $0x4020, s1;
	s31 =	sor.u32 $0x4030, s1;
	s3 =	rddreg [dreg:$0x4];
	[tilespmem:s21+$0x0] =	vst.add.f32.msk $0xffff, v3  }
0x35: {  	s22 =	sor.u32 $0x4040, s1;
	s2 =	sand.u32 $0x38000, s26;
	s7 =	sor.u32 $0x4050, s1;
	[tilespmem:s29+$0x0] =	vst.add.f32.msk $0xffff, v4  }
0x36: {  	s1 =	sor.u32 $0x4060, s1;
	s21 =	simm.s32 $0x0;
	[tilespmem:s31+$0x0] =	vst.add.f32.msk $0xffff, v5;
	s16 =	sor.u32 s3, s2  }
0x37: {  	[tilespmem:s22+$0x0] =	vst.add.f32.msk $0xffff, v6;
	s22 =	simm.s32 $0x100;
	s2 =	simm.s32 $0x4;
	s20 =	sor.u32 s28, s16  }
.LBB2_3:
0x38: {  	s26 =	sand.u32 $0x1F00, s22;
	s29 =	sand.u32 $0x80, s2;
	s21 =	sadd.s32 $0x8, s21;
	[tilespmem:s7+$0x0] =	vst.add.f32.msk $0xffff, v1  }
0x39: {  	s26 =	sor.u32 s29, s26;
	p1 =	slt.u32 s21, $0x1F8;
	[tilespmem:s1+$0x0] =	vst.add.f32.msk $0xffff, v0  }
0x3a: {  	s29 =	sor.u32 $0x4000, s26;
	s31 =	sor.u32 $0x4010, s26;
	s3 =	sor.u32 $0x4020, s26;
	v0 =	vld [tilespmem:s26+$0x70]  }
0x3b: {  	s23 =	sor.u32 $0x4030, s26;
	s25 =	sor.u32 $0x4040, s26;
	s7 =	sor.u32 $0x4050, s26;
	v2 =	vld [tilespmem:s26+$0x0]  }
0x3c: {  	s1 =	sor.u32 $0x4060, s26;
	v3 =	vld [tilespmem:s26+$0x10]  }
0x3d: {  	v4 =	vld [tilespmem:s26+$0x20]  }
0x3e: {  	s28 =	sor.u32 $0x4070, s26;
	v5 =	vld [tilespmem:s26+$0x30]  }
0x3f: {  	[tilespmem:s28+$0x0] =	vst.add.f32.msk $0xffff, v0  }
0x40: {  	v6 =	vld [tilespmem:s26+$0x40]  }
0x41: {  	v1 =	vld [tilespmem:s26+$0x50]  }
0x42: {  	v0 =	vld [tilespmem:s26+$0x60]  }
.Ltmp0:
0x43: {  	[tilespmem:s29+$0x0] =	vst.add.f32.msk $0xffff, v2;
	(pc) =	sbr.rel @p1 .LBB2_3-.Ltmp0, $4  }
0x44: {  	[tilespmem:s31+$0x0] =	vst.add.f32.msk $0xffff, v3  }
0x45: {  	[tilespmem:s3+$0x0] =	vst.add.f32.msk $0xffff, v4  }
0x46: {  	[tilespmem:s23+$0x0] =	vst.add.f32.msk $0xffff, v5  }
0x47: {  	s22 =	sadd.s32 $0x100, s22;
	s2 =	sadd.s32 $0x4, s2;
	[tilespmem:s25+$0x0] =	vst.add.f32.msk $0xffff, v6  }
0x48: {  	[tilespmem:s7+$0x0] =	vst.add.f32.msk $0xffff, v1;
	s20 =	sshrl.u32 s20, $0x3  }
0x49: {  	[tilespmem:s1+$0x0] =	vst.add.f32.msk $0xffff, v0;
	s2 =	simm.s32 $0x4000;
	s7 =	simm.s32 $0x5;
	s3 =	sadd.s32 s4, s20  }
0x4a: {  	[hbm4b:s3+s17] =	stream.strided.scatter [tilespmem:s2], [sflag:$0xB], $0x2000, s18, s17, $0x38;
	[tilespmem:$0x14000] =	vst v63  }
0x4b: {  	_ =	swait.ge [sflag:s7], $0x2000  }
0x4c: {  	[sflag:s7] =	ssyncset.done $0x0  }
0x4d: {  	s1 =	simm.s32 @!p0 $0xE;
	[sflag:s7] =	ssyncadd.s32 $0xFFFFE000  }
0x4e: {  	s21 =	sadd.s32 s19, s10;
	_ =	swait.ge @!p0 [sflag:s1], $0x2000  }
0x4f: {  	s22 =	simm.s32 $0xA000;
	s23 =	simm.s32 $0x0;
	[sflag:s1] =	ssyncset.done @!p0 $0x0  }
0x50: {  	s25 =	sand.u32 $0x1F00, s23;
	[sflag:s1] =	ssyncadd.s32 @!p0 $0xFFFFE000;
	s1 =	sand.u32 $0x80, s23  }
0x51: {  	[tilespmem:s22], [sflag:$0x6] =	stream.strided.gather [hbm4b:s21+s17], $0x2000, s18, s17, $0x38;
	[tilespmem:$0x14000] =	vst v63  }
0x52: {  	s1 =	sor.u32 s1, s25  }
0x53: {  	v0 =	vld [tilespmem:s1+$0x70]  }
0x54: {  	v2 =	vld [tilespmem:s1+$0x0]  }
0x55: {  	v3 =	vld [tilespmem:s1+$0x10]  }
0x56: {  	v4 =	vld [tilespmem:s1+$0x20]  }
0x57: {  	v5 =	vld [tilespmem:s1+$0x30]  }
0x58: {  	v6 =	vld [tilespmem:s1+$0x40]  }
0x59: {  	s2 =	sor.u32 $0x8070, s1;
	v1 =	vld [tilespmem:s1+$0x50]  }
0x5a: {  	[tilespmem:s2+$0x0] =	vst.add.f32.msk $0xffff, v0  }
0x5b: {  	s26 =	sor.u32 $0x8000, s1;
	v0 =	vld [tilespmem:s1+$0x60]  }
0x5c: {  	s3 =	sor.u32 $0x8010, s1;
	[tilespmem:s26+$0x0] =	vst.add.f32.msk $0xffff, v2  }
0x5d: {  	s28 =	sor.u32 $0x8020, s1;
	[tilespmem:s3+$0x0] =	vst.add.f32.msk $0xffff, v3  }
0x5e: {  	s29 =	sor.u32 $0x8030, s1;
	[tilespmem:s28+$0x0] =	vst.add.f32.msk $0xffff, v4  }
0x5f: {  	s21 =	simm.s32 $0x0;
	s22 =	simm.s32 $0x100;
	s31 =	sor.u32 $0x8040, s1;
	[tilespmem:s29+$0x0] =	vst.add.f32.msk $0xffff, v5  }
0x60: {  	s7 =	sor.u32 $0x8050, s1;
	s1 =	sor.u32 $0x8060, s1;
	[tilespmem:s31+$0x0] =	vst.add.f32.msk $0xffff, v6;
	s2 =	simm.s32 $0x4  }
.LBB2_5:
0x61: {  	s3 =	sand.u32 $0x1F00, s22;
	s23 =	sand.u32 $0x80, s2;
	s21 =	sadd.s32 $0x8, s21;
	[tilespmem:s7+$0x0] =	vst.add.f32.msk $0xffff, v1  }
0x62: {  	s3 =	sor.u32 s23, s3;
	p1 =	slt.u32 s21, $0x1F8;
	[tilespmem:s1+$0x0] =	vst.add.f32.msk $0xffff, v0  }
0x63: {  	s23 =	sor.u32 $0x8000, s3;
	s25 =	sor.u32 $0x8010, s3;
	s26 =	sor.u32 $0x8020, s3;
	v0 =	vld [tilespmem:s3+$0x70]  }
0x64: {  	s28 =	sor.u32 $0x8030, s3;
	s29 =	sor.u32 $0x8040, s3;
	s7 =	sor.u32 $0x8050, s3;
	v2 =	vld [tilespmem:s3+$0x0]  }
0x65: {  	s1 =	sor.u32 $0x8060, s3;
	v3 =	vld [tilespmem:s3+$0x10]  }
0x66: {  	v4 =	vld [tilespmem:s3+$0x20]  }
0x67: {  	s31 =	sor.u32 $0x8070, s3;
	v5 =	vld [tilespmem:s3+$0x30]  }
0x68: {  	[tilespmem:s31+$0x0] =	vst.add.f32.msk $0xffff, v0  }
0x69: {  	v6 =	vld [tilespmem:s3+$0x40]  }
0x6a: {  	v1 =	vld [tilespmem:s3+$0x50]  }
0x6b: {  	v0 =	vld [tilespmem:s3+$0x60]  }
.Ltmp1:
0x6c: {  	[tilespmem:s23+$0x0] =	vst.add.f32.msk $0xffff, v2;
	(pc) =	sbr.rel @p1 .LBB2_5-.Ltmp1, $4  }
0x6d: {  	[tilespmem:s25+$0x0] =	vst.add.f32.msk $0xffff, v3  }
0x6e: {  	[tilespmem:s26+$0x0] =	vst.add.f32.msk $0xffff, v4  }
0x6f: {  	[tilespmem:s28+$0x0] =	vst.add.f32.msk $0xffff, v5  }
0x70: {  	s22 =	sadd.s32 $0x100, s22;
	s2 =	sadd.s32 $0x4, s2;
	[tilespmem:s29+$0x0] =	vst.add.f32.msk $0xffff, v6  }
0x71: {  	[tilespmem:s7+$0x0] =	vst.add.f32.msk $0xffff, v1;
	s20 =	sadd.s32 s20, s4  }
0x72: {  	[tilespmem:s1+$0x0] =	vst.add.f32.msk $0xffff, v0;
	s2 =	simm.s32 $0x8000;
	s21 =	simm.s32 $0x7;
	s7 =	sadd.s32 $0x100000, s20  }
0x73: {  	[hbm4b:s7+s17] =	stream.strided.scatter [tilespmem:s2], [sflag:$0xD], $0x2000, s18, s17, $0x38;
	[tilespmem:$0x14000] =	vst v63  }
0x74: {  	_ =	swait.ge [sflag:s21], $0x2000  }
0x75: {  	[sflag:s21] =	ssyncset.done $0x0  }
0x76: {  	s1 =	simm.s32 @!p0 $0x10;
	[sflag:s21] =	ssyncadd.s32 $0xFFFFE000  }
0x77: {  	s22 =	sadd.s32 s19, s11;
	_ =	swait.ge @!p0 [sflag:s1], $0x2000  }
0x78: {  	s23 =	simm.s32 $0xE000;
	s25 =	simm.s32 $0x0;
	[sflag:s1] =	ssyncset.done @!p0 $0x0  }
0x79: {  	s26 =	sand.u32 $0x1F00, s25;
	[sflag:s1] =	ssyncadd.s32 @!p0 $0xFFFFE000;
	s1 =	sand.u32 $0x80, s25  }
0x7a: {  	[tilespmem:s23], [sflag:$0x8] =	stream.strided.gather [hbm4b:s22+s17], $0x2000, s18, s17, $0x38;
	[tilespmem:$0x14000] =	vst v63  }
0x7b: {  	s2 =	sor.u32 s1, s26  }
0x7c: {  	v0 =	vld [tilespmem:s2+$0x70]  }
0x7d: {  	v2 =	vld [tilespmem:s2+$0x0]  }
0x7e: {  	v3 =	vld [tilespmem:s2+$0x10]  }
0x7f: {  	v4 =	vld [tilespmem:s2+$0x20]  }
0x80: {  	v5 =	vld [tilespmem:s2+$0x30]  }
0x81: {  	v6 =	vld [tilespmem:s2+$0x40]  }
0x82: {  	s1 =	sor.u32 $0xC070, s2;
	v1 =	vld [tilespmem:s2+$0x50]  }
0x83: {  	[tilespmem:s1+$0x0] =	vst.add.f32.msk $0xffff, v0  }
0x84: {  	s28 =	sor.u32 $0xC000, s2;
	v0 =	vld [tilespmem:s2+$0x60]  }
0x85: {  	s3 =	sor.u32 $0xC010, s2;
	[tilespmem:s28+$0x0] =	vst.add.f32.msk $0xffff, v2  }
0x86: {  	s29 =	sor.u32 $0xC020, s2;
	[tilespmem:s3+$0x0] =	vst.add.f32.msk $0xffff, v3  }
0x87: {  	s31 =	sor.u32 $0xC030, s2;
	[tilespmem:s29+$0x0] =	vst.add.f32.msk $0xffff, v4  }
0x88: {  	s21 =	simm.s32 $0x0;
	s22 =	sor.u32 $0xC040, s2;
	s7 =	sor.u32 $0xC060, s2;
	[tilespmem:s31+$0x0] =	vst.add.f32.msk $0xffff, v5  }
0x89: {  	s1 =	sor.u32 $0xC050, s2;
	[tilespmem:s22+$0x0] =	vst.add.f32.msk $0xffff, v6;
	s22 =	simm.s32 $0x100;
	s2 =	simm.s32 $0x4  }
.LBB2_7:
0x8a: {  	s3 =	sand.u32 $0x1F00, s22;
	s23 =	sand.u32 $0x80, s2;
	s21 =	sadd.s32 $0x8, s21;
	[tilespmem:s1+$0x0] =	vst.add.f32.msk $0xffff, v1  }
0x8b: {  	s3 =	sor.u32 s23, s3;
	p1 =	slt.u32 s21, $0x1F8;
	[tilespmem:s7+$0x0] =	vst.add.f32.msk $0xffff, v0  }
0x8c: {  	s23 =	sor.u32 $0xC000, s3;
	s25 =	sor.u32 $0xC010, s3;
	s26 =	sor.u32 $0xC020, s3;
	v0 =	vld [tilespmem:s3+$0x70]  }
0x8d: {  	s28 =	sor.u32 $0xC030, s3;
	s29 =	sor.u32 $0xC040, s3;
	s1 =	sor.u32 $0xC050, s3;
	v2 =	vld [tilespmem:s3+$0x0]  }
0x8e: {  	s7 =	sor.u32 $0xC060, s3;
	v3 =	vld [tilespmem:s3+$0x10]  }
0x8f: {  	v4 =	vld [tilespmem:s3+$0x20]  }
0x90: {  	s31 =	sor.u32 $0xC070, s3;
	v5 =	vld [tilespmem:s3+$0x30]  }
0x91: {  	[tilespmem:s31+$0x0] =	vst.add.f32.msk $0xffff, v0  }
0x92: {  	v6 =	vld [tilespmem:s3+$0x40]  }
0x93: {  	v1 =	vld [tilespmem:s3+$0x50]  }
0x94: {  	v0 =	vld [tilespmem:s3+$0x60]  }
.Ltmp2:
0x95: {  	[tilespmem:s23+$0x0] =	vst.add.f32.msk $0xffff, v2;
	(pc) =	sbr.rel @p1 .LBB2_7-.Ltmp2, $4  }
0x96: {  	[tilespmem:s25+$0x0] =	vst.add.f32.msk $0xffff, v3  }
0x97: {  	[tilespmem:s26+$0x0] =	vst.add.f32.msk $0xffff, v4  }
0x98: {  	[tilespmem:s28+$0x0] =	vst.add.f32.msk $0xffff, v5  }
0x99: {  	s22 =	sadd.s32 $0x100, s22;
	s2 =	sadd.s32 $0x4, s2;
	[tilespmem:s29+$0x0] =	vst.add.f32.msk $0xffff, v6  }
0x9a: {  	[tilespmem:s1+$0x0] =	vst.add.f32.msk $0xffff, v1  }
0x9b: {  	[tilespmem:s7+$0x0] =	vst.add.f32.msk $0xffff, v0;
	s7 =	sadd.s32 $0x200000, s20;
	s2 =	simm.s32 $0xC000;
	s21 =	simm.s32 $0x9  }
0x9c: {  	[hbm4b:s7+s17] =	stream.strided.scatter [tilespmem:s2], [sflag:$0xF], $0x2000, s18, s17, $0x38;
	[tilespmem:$0x14000] =	vst v63  }
0x9d: {  	_ =	swait.ge [sflag:s21], $0x2000  }
0x9e: {  	[sflag:s21] =	ssyncset.done $0x0  }
0x9f: {  	s1 =	simm.s32 @!p0 $0x12;
	[sflag:s21] =	ssyncadd.s32 $0xFFFFE000  }
0xa0: {  	s22 =	sadd.s32 s19, s12;
	_ =	swait.ge @!p0 [sflag:s1], $0x2000  }
0xa1: {  	s23 =	simm.s32 $0x12000;
	s25 =	simm.s32 $0x0;
	[sflag:s1] =	ssyncset.done @!p0 $0x0  }
0xa2: {  	s26 =	sand.u32 $0x1F00, s25;
	[sflag:s1] =	ssyncadd.s32 @!p0 $0xFFFFE000;
	s1 =	sand.u32 $0x80, s25  }
0xa3: {  	[tilespmem:s23], [sflag:$0xA] =	stream.strided.gather [hbm4b:s22+s17], $0x2000, s18, s17, $0x38;
	[tilespmem:$0x14000] =	vst v63  }
0xa4: {  	s2 =	sor.u32 s1, s26  }
0xa5: {  	v0 =	vld [tilespmem:s2+$0x70]  }
0xa6: {  	v2 =	vld [tilespmem:s2+$0x0]  }
0xa7: {  	v3 =	vld [tilespmem:s2+$0x10]  }
0xa8: {  	v4 =	vld [tilespmem:s2+$0x20]  }
0xa9: {  	v5 =	vld [tilespmem:s2+$0x30]  }
0xaa: {  	v6 =	vld [tilespmem:s2+$0x40]  }
0xab: {  	s1 =	sor.u32 $0x10070, s2;
	v1 =	vld [tilespmem:s2+$0x50]  }
0xac: {  	[tilespmem:s1+$0x0] =	vst.add.f32.msk $0xffff, v0  }
0xad: {  	s28 =	sor.u32 $0x10000, s2;
	v0 =	vld [tilespmem:s2+$0x60]  }
0xae: {  	s3 =	sor.u32 $0x10010, s2;
	[tilespmem:s28+$0x0] =	vst.add.f32.msk $0xffff, v2  }
0xaf: {  	s29 =	sor.u32 $0x10020, s2;
	[tilespmem:s3+$0x0] =	vst.add.f32.msk $0xffff, v3  }
0xb0: {  	s31 =	sor.u32 $0x10030, s2;
	[tilespmem:s29+$0x0] =	vst.add.f32.msk $0xffff, v4  }
0xb1: {  	s19 =	simm.s32 $0x0;
	s21 =	sor.u32 $0x10040, s2;
	s7 =	sor.u32 $0x10060, s2;
	[tilespmem:s31+$0x0] =	vst.add.f32.msk $0xffff, v5  }
0xb2: {  	s1 =	sor.u32 $0x10050, s2;
	[tilespmem:s21+$0x0] =	vst.add.f32.msk $0xffff, v6;
	s21 =	simm.s32 $0x100;
	s2 =	simm.s32 $0x4  }
.LBB2_9:
0xb3: {  	s3 =	sand.u32 $0x1F00, s21;
	s22 =	sand.u32 $0x80, s2;
	s19 =	sadd.s32 $0x8, s19;
	[tilespmem:s1+$0x0] =	vst.add.f32.msk $0xffff, v1  }
0xb4: {  	s3 =	sor.u32 s22, s3;
	p0 =	slt.u32 s19, $0x1F8;
	[tilespmem:s7+$0x0] =	vst.add.f32.msk $0xffff, v0  }
0xb5: {  	s22 =	sor.u32 $0x10000, s3;
	s23 =	sor.u32 $0x10010, s3;
	s25 =	sor.u32 $0x10020, s3;
	v0 =	vld [tilespmem:s3+$0x70]  }
0xb6: {  	s26 =	sor.u32 $0x10030, s3;
	s28 =	sor.u32 $0x10040, s3;
	s1 =	sor.u32 $0x10050, s3;
	v2 =	vld [tilespmem:s3+$0x0]  }
0xb7: {  	s7 =	sor.u32 $0x10060, s3;
	v3 =	vld [tilespmem:s3+$0x10]  }
0xb8: {  	v4 =	vld [tilespmem:s3+$0x20]  }
0xb9: {  	s29 =	sor.u32 $0x10070, s3;
	v5 =	vld [tilespmem:s3+$0x30]  }
0xba: {  	[tilespmem:s29+$0x0] =	vst.add.f32.msk $0xffff, v0  }
0xbb: {  	v6 =	vld [tilespmem:s3+$0x40]  }
0xbc: {  	v1 =	vld [tilespmem:s3+$0x50]  }
0xbd: {  	v0 =	vld [tilespmem:s3+$0x60]  }
.Ltmp3:
0xbe: {  	[tilespmem:s22+$0x0] =	vst.add.f32.msk $0xffff, v2;
	(pc) =	sbr.rel @p0 .LBB2_9-.Ltmp3, $4  }
0xbf: {  	[tilespmem:s23+$0x0] =	vst.add.f32.msk $0xffff, v3  }
0xc0: {  	[tilespmem:s25+$0x0] =	vst.add.f32.msk $0xffff, v4  }
0xc1: {  	[tilespmem:s26+$0x0] =	vst.add.f32.msk $0xffff, v5  }
0xc2: {  	s21 =	sadd.s32 $0x100, s21;
	s2 =	sadd.s32 $0x4, s2;
	[tilespmem:s28+$0x0] =	vst.add.f32.msk $0xffff, v6  }
0xc3: {  	[tilespmem:s1+$0x0] =	vst.add.f32.msk $0xffff, v1;
	s20 =	sadd.s32 $0x300000, s20  }
0xc4: {  	[tilespmem:s7+$0x0] =	vst.add.f32.msk $0xffff, v0;
	s2 =	simm.s32 $0x10000;
	s19 =	sadd.s32 $0x2, s24;
	p0 =	sne.s32 s14, $0xF  }
0xc5: {  	[hbm4b:s20+s17] =	stream.strided.scatter [tilespmem:s2], [sflag:$0x11], $0x2000, s18, s17, $0x38;
	[tilespmem:$0x14000] =	vst v63  }
0xc6: {  	s1 =	sshll.u32 @p0 s19, $0xA  }
0xc7: {  	s2 =	sshll.u32 @p0 s19, $0x5;
	s7 =	simm.s32 @p0 $0x100;
	s20 =	simm.s32 @p0 $0x400  }
0xc8: {  	_ =	swait.ge [sflag:s5], $0x2000;
	s1 =	sadd.s32 @p0 s6, s1;
	s2 =	sand.u32 @p0 $0x40, s2  }
0xc9: {  	[sflag:s5] =	ssyncset.done $0x0;
	s1 =	sand.u32 @p0 $0x1FF000, s1;
	s3 =	sadd.s32 @p0 s0, s2  }
0xca: {  	s21 =	simm.s32 @p0 $0x0;
	[sflag:s5] =	ssyncadd.s32 $0xFFFFE000;
	s3 =	sadd.s32 @p0 s1, s3  }
0xcb: {  	[tilespmem:s21], [sflag:$0x1] =	stream.strided.gather @p0 [hbm4b:s3+s7], $0x2000, s20, s7, $0x38;
	[tilespmem:$0x14000] =	vst v63  }
0xcc: {  	s3 =	simm.s32 @p0 $0x4  }
0xcd: {  	_ =	swait.ge @p0 [sflag:s3], $0x2000  }
0xce: {  	[sflag:s3] =	ssyncset.done @p0 $0x0  }
0xcf: {  	[sflag:s3] =	ssyncadd.s32 @p0 $0xFFFFE000;
	s3 =	simm.s32 @p0 $0xB  }
0xd0: {  	_ =	swait.ge @p0 [sflag:s3], $0x2000  }
0xd1: {  	s2 =	sadd.s32 @p0 s30, s2;
	[sflag:s3] =	ssyncset.done @p0 $0x0  }
0xd2: {  	s1 =	sadd.s32 @p0 s1, s2;
	s2 =	simm.s32 @p0 $0x4000;
	[sflag:s3] =	ssyncadd.s32 @p0 $0xFFFFE000  }
0xd3: {  	[tilespmem:s2], [sflag:$0x3] =	stream.strided.gather @p0 [hbm4b:s1+s7], $0x2000, s20, s7, $0x38;
	[tilespmem:$0x14000] =	vst v63  }
0xd4: {  	s1 =	simm.s32 @!p0 $0x4;
	s20 =	simm.s32 $0x0  }
0xd5: {  	_ =	swait.ge @!p0 [sflag:s1], $0x2000;
	s21 =	sand.u32 $0xFFFFFF80, s20  }
0xd6: {  	[sflag:s1] =	ssyncset.done @!p0 $0x0;
	s2 =	sadd.s32 $0x0, s21  }
0xd7: {  	[sflag:s1] =	ssyncadd.s32 @!p0 $0xFFFFE000;
	s22 =	sor.u32 $0x2070, s2  }
0xd8: {  	s26 =	sor.u32 $0x2000, s2;
	v0 =	vld [tilespmem:s22+$0x0]  }
0xd9: {  	s28 =	sor.u32 $0x2010, s2;
	v3 =	vld [tilespmem:s26+$0x0]  }
0xda: {  	s23 =	sor.u32 $0x2020, s2;
	v4 =	vld [tilespmem:s28+$0x0]  }
0xdb: {  	s25 =	sor.u32 $0x2030, s2;
	v5 =	vld [tilespmem:s23+$0x0]  }
0xdc: {  	s24 =	sor.u32 $0x2040, s2;
	v6 =	vld [tilespmem:s25+$0x0]  }
0xdd: {  	v2 =	vld [tilespmem:s24+$0x0]  }
0xde: {  	s21 =	sor.u32 $0x2060, s2;
	[tilespmem:s22+$0x4000] =	vst.add.f32.msk $0xffff, v0  }
0xdf: {  	v0 =	vld [tilespmem:s21+$0x0]  }
0xe0: {  	s22 =	sor.u32 $0x2050, s2;
	[tilespmem:s26+$0x4000] =	vst.add.f32.msk $0xffff, v3  }
0xe1: {  	v1 =	vld [tilespmem:s22+$0x0]  }
0xe2: {  	s29 =	smov.u32 s30;
	s30 =	sshll.u32 s15, $0x8;
	[tilespmem:s28+$0x4000] =	vst.add.f32.msk $0xffff, v4  }
0xe3: {  	s31 =	smov.u32 s0;
	s1 =	sand.u32 $0x300, s30;
	[tilespmem:s23+$0x4000] =	vst.add.f32.msk $0xffff, v5  }
0xe4: {  	s15 =	sor.u32 s16, s1;
	s16 =	simm.s32 $0x0;
	[tilespmem:s25+$0x4000] =	vst.add.f32.msk $0xffff, v6;
	s2 =	simm.s32 $0x4  }
.LBB2_11:
0xe5: {  	s1 =	sand.u32 $0xFFFFFF80, s2;
	s16 =	sadd.s32 $0x8, s16;
	[tilespmem:s24+$0x4000] =	vst.add.f32.msk $0xffff, v2;
	s20 =	sadd.s32 $0x100, s20  }
0xe6: {  	s1 =	sadd.s32 s1, s20;
	p0 =	slt.u32 s16, $0x1F8;
	[tilespmem:s22+$0x4000] =	vst.add.f32.msk $0xffff, v1  }
0xe7: {  	s3 =	sor.u32 $0x2000, s1;
	s7 =	sor.u32 $0x2010, s1;
	s23 =	sor.u32 $0x2070, s1;
	[tilespmem:s21+$0x4000] =	vst.add.f32.msk $0xffff, v0  }
0xe8: {  	s25 =	sor.u32 $0x2020, s1;
	s26 =	sor.u32 $0x2030, s1;
	s24 =	sor.u32 $0x2040, s1;
	v0 =	vld [tilespmem:s23+$0x0]  }
0xe9: {  	s22 =	sor.u32 $0x2050, s1;
	s21 =	sor.u32 $0x2060, s1;
	v3 =	vld [tilespmem:s3+$0x0]  }
0xea: {  	v4 =	vld [tilespmem:s7+$0x0]  }
0xeb: {  	v5 =	vld [tilespmem:s25+$0x0]  }
0xec: {  	v6 =	vld [tilespmem:s26+$0x0]  }
0xed: {  	[tilespmem:s23+$0x4000] =	vst.add.f32.msk $0xffff, v0  }
0xee: {  	v2 =	vld [tilespmem:s24+$0x0]  }
0xef: {  	v1 =	vld [tilespmem:s22+$0x0]  }
.Ltmp4:
0xf0: {  	v0 =	vld [tilespmem:s21+$0x0];
	(pc) =	sbr.rel @p0 .LBB2_11-.Ltmp4, $4  }
0xf1: {  	[tilespmem:s3+$0x4000] =	vst.add.f32.msk $0xffff, v3  }
0xf2: {  	[tilespmem:s7+$0x4000] =	vst.add.f32.msk $0xffff, v4  }
0xf3: {  	[tilespmem:s25+$0x4000] =	vst.add.f32.msk $0xffff, v5  }
0xf4: {  	s2 =	sadd.s32 $0x4, s2;
	[tilespmem:s26+$0x4000] =	vst.add.f32.msk $0xffff, v6  }
0xf5: {  	[tilespmem:s24+$0x4000] =	vst.add.f32.msk $0xffff, v2  }
0xf6: {  	[tilespmem:s22+$0x4000] =	vst.add.f32.msk $0xffff, v1;
	s20 =	sshrl.u32 s15, $0x3  }
0xf7: {  	[tilespmem:s21+$0x4000] =	vst.add.f32.msk $0xffff, v0;
	s0 =	simm.s32 $0x6000;
	p0 =	seq.s32 s14, $0xF;
	s1 =	sadd.s32 s4, s20  }
0xf8: {  	[hbm4b:s1+s17] =	stream.strided.scatter [tilespmem:s0], [sflag:$0xC], $0x2000, s18, s17, $0x38;
	[tilespmem:$0x14000] =	vst v63  }
0xf9: {  	s22 =	simm.s32 $0x0;
	s2 =	sshll.u32 @!p0 s19, $0xA;
	_ =	swait.ge [sflag:s8], $0x2000  }
0xfa: {  	s3 =	sshll.u32 @!p0 s19, $0x5;
	s7 =	simm.s32 @!p0 $0x8000;
	[sflag:s8] =	ssyncset.done $0x0  }
0xfb: {  	s1 =	simm.s32 @!p0 $0xD;
	s2 =	sadd.s32 @!p0 s6, s2;
	[sflag:s8] =	ssyncadd.s32 $0xFFFFE000  }
0xfc: {  	s16 =	sand.u32 @!p0 $0x40, s3;
	s3 =	simm.s32 @!p0 $0x400;
	_ =	swait.ge @!p0 [sflag:s1], $0x2000  }
0xfd: {  	s15 =	sand.u32 @!p0 $0x1FF000, s2;
	s2 =	sadd.s32 @!p0 s16, s10;
	[sflag:s1] =	ssyncset.done @!p0 $0x0  }
0xfe: {  	[sflag:s1] =	ssyncadd.s32 @!p0 $0xFFFFE000;
	s1 =	sadd.s32 @!p0 s15, s2;
	s2 =	simm.s32 @!p0 $0x100  }
0xff: {  	[tilespmem:s7], [sflag:$0x5] =	stream.strided.gather @!p0 [hbm4b:s1+s2], $0x2000, s3, s2, $0x38;
	[tilespmem:$0x14000] =	vst v63  }
0x100: {  	s23 =	sand.u32 $0x1F00, s22;
	s1 =	sand.u32 $0x80, s22  }
0x101: {  	s1 =	sor.u32 s1, s23  }
0x102: {  	v0 =	vld [tilespmem:s1+$0x2070]  }
0x103: {  	v2 =	vld [tilespmem:s1+$0x2000]  }
0x104: {  	v3 =	vld [tilespmem:s1+$0x2010]  }
0x105: {  	v4 =	vld [tilespmem:s1+$0x2020]  }
0x106: {  	v5 =	vld [tilespmem:s1+$0x2030]  }
0x107: {  	v6 =	vld [tilespmem:s1+$0x2040]  }
0x108: {  	s2 =	sor.u32 $0xA070, s1;
	v1 =	vld [tilespmem:s1+$0x2050]  }
0x109: {  	[tilespmem:s2+$0x0] =	vst.add.f32.msk $0xffff, v0  }
0x10a: {  	s24 =	sor.u32 $0xA000, s1;
	v0 =	vld [tilespmem:s1+$0x2060]  }
0x10b: {  	s25 =	sor.u32 $0xA010, s1;
	[tilespmem:s24+$0x0] =	vst.add.f32.msk $0xffff, v2  }
0x10c: {  	s26 =	sor.u32 $0xA020, s1;
	[tilespmem:s25+$0x0] =	vst.add.f32.msk $0xffff, v3  }
0x10d: {  	s28 =	sor.u32 $0xA030, s1;
	[tilespmem:s26+$0x0] =	vst.add.f32.msk $0xffff, v4  }
0x10e: {  	s21 =	simm.s32 $0x100;
	s19 =	simm.s32 $0x0;
	s30 =	sor.u32 $0xA040, s1;
	[tilespmem:s28+$0x0] =	vst.add.f32.msk $0xffff, v5  }
0x10f: {  	s7 =	sor.u32 $0xA050, s1;
	s1 =	sor.u32 $0xA060, s1;
	[tilespmem:s30+$0x0] =	vst.add.f32.msk $0xffff, v6;
	s2 =	simm.s32 $0x4  }
.LBB2_13:
0x110: {  	s3 =	sand.u32 $0x1F00, s21;
	s22 =	sand.u32 $0x80, s2;
	s19 =	sadd.s32 $0x8, s19;
	[tilespmem:s7+$0x0] =	vst.add.f32.msk $0xffff, v1  }
0x111: {  	s3 =	sor.u32 s22, s3;
	p1 =	slt.u32 s19, $0x1F8;
	[tilespmem:s1+$0x0] =	vst.add.f32.msk $0xffff, v0  }
0x112: {  	s22 =	sor.u32 $0xA000, s3;
	s23 =	sor.u32 $0xA010, s3;
	s24 =	sor.u32 $0xA020, s3;
	v0 =	vld [tilespmem:s3+$0x2070]  }
0x113: {  	s25 =	sor.u32 $0xA030, s3;
	s26 =	sor.u32 $0xA040, s3;
	s7 =	sor.u32 $0xA050, s3;
	v2 =	vld [tilespmem:s3+$0x2000]  }
0x114: {  	s1 =	sor.u32 $0xA060, s3;
	v3 =	vld [tilespmem:s3+$0x2010]  }
0x115: {  	v4 =	vld [tilespmem:s3+$0x2020]  }
0x116: {  	s28 =	sor.u32 $0xA070, s3;
	v5 =	vld [tilespmem:s3+$0x2030]  }
0x117: {  	[tilespmem:s28+$0x0] =	vst.add.f32.msk $0xffff, v0  }
0x118: {  	v6 =	vld [tilespmem:s3+$0x2040]  }
0x119: {  	v1 =	vld [tilespmem:s3+$0x2050]  }
0x11a: {  	v0 =	vld [tilespmem:s3+$0x2060]  }
.Ltmp5:
0x11b: {  	[tilespmem:s22+$0x0] =	vst.add.f32.msk $0xffff, v2;
	(pc) =	sbr.rel @p1 .LBB2_13-.Ltmp5, $4  }
0x11c: {  	[tilespmem:s23+$0x0] =	vst.add.f32.msk $0xffff, v3  }
0x11d: {  	[tilespmem:s24+$0x0] =	vst.add.f32.msk $0xffff, v4  }
0x11e: {  	[tilespmem:s25+$0x0] =	vst.add.f32.msk $0xffff, v5  }
0x11f: {  	s21 =	sadd.s32 $0x100, s21;
	s2 =	sadd.s32 $0x4, s2;
	[tilespmem:s26+$0x0] =	vst.add.f32.msk $0xffff, v6  }
0x120: {  	[tilespmem:s7+$0x0] =	vst.add.f32.msk $0xffff, v1;
	s19 =	sadd.s32 s20, s4  }
0x121: {  	[tilespmem:s1+$0x0] =	vst.add.f32.msk $0xffff, v0;
	s0 =	simm.s32 $0xA000;
	s22 =	sadd.s32 $0x100000, s19  }
0x122: {  	[hbm4b:s22+s17] =	stream.strided.scatter [tilespmem:s0], [sflag:$0xE], $0x2000, s18, s17, $0x38;
	[tilespmem:$0x14000] =	vst v63  }
0x123: {  	_ =	swait.ge [sflag:s9], $0x2000  }
0x124: {  	[sflag:s9] =	ssyncset.done $0x0  }
0x125: {  	s1 =	simm.s32 @!p0 $0xF;
	[sflag:s9] =	ssyncadd.s32 $0xFFFFE000  }
0x126: {  	s2 =	sor.u32 @!p0 s15, s16;
	s3 =	simm.s32 @!p0 $0x400;
	_ =	swait.ge @!p0 [sflag:s1], $0x2000  }
0x127: {  	s7 =	simm.s32 @!p0 $0xC000;
	s23 =	simm.s32 $0x0;
	[sflag:s1] =	ssyncset.done @!p0 $0x0  }
0x128: {  	[sflag:s1] =	ssyncadd.s32 @!p0 $0xFFFFE000;
	s1 =	sadd.s32 @!p0 s2, s11;
	s2 =	simm.s32 @!p0 $0x100  }
0x129: {  	[tilespmem:s7], [sflag:$0x7] =	stream.strided.gather @!p0 [hbm4b:s1+s2], $0x2000, s3, s2, $0x38;
	[tilespmem:$0x14000] =	vst v63  }
0x12a: {  	s24 =	sand.u32 $0x1F00, s23;
	s1 =	sand.u32 $0x80, s23  }
0x12b: {  	s2 =	sor.u32 s1, s24  }
0x12c: {  	v0 =	vld [tilespmem:s2+$0x2070]  }
0x12d: {  	v2 =	vld [tilespmem:s2+$0x2000]  }
0x12e: {  	v3 =	vld [tilespmem:s2+$0x2010]  }
0x12f: {  	v4 =	vld [tilespmem:s2+$0x2020]  }
0x130: {  	v5 =	vld [tilespmem:s2+$0x2030]  }
0x131: {  	v6 =	vld [tilespmem:s2+$0x2040]  }
0x132: {  	s1 =	sor.u32 $0xE070, s2;
	v1 =	vld [tilespmem:s2+$0x2050]  }
0x133: {  	[tilespmem:s1+$0x0] =	vst.add.f32.msk $0xffff, v0  }
0x134: {  	s25 =	sor.u32 $0xE000, s2;
	v0 =	vld [tilespmem:s2+$0x2060]  }
0x135: {  	s26 =	sor.u32 $0xE010, s2;
	[tilespmem:s25+$0x0] =	vst.add.f32.msk $0xffff, v2  }
0x136: {  	s28 =	sor.u32 $0xE020, s2;
	[tilespmem:s26+$0x0] =	vst.add.f32.msk $0xffff, v3  }
0x137: {  	s30 =	sor.u32 $0xE030, s2;
	[tilespmem:s28+$0x0] =	vst.add.f32.msk $0xffff, v4  }
0x138: {  	s20 =	simm.s32 $0x0;
	s21 =	sor.u32 $0xE040, s2;
	s7 =	sor.u32 $0xE060, s2;
	[tilespmem:s30+$0x0] =	vst.add.f32.msk $0xffff, v5  }
0x139: {  	s1 =	sor.u32 $0xE050, s2;
	[tilespmem:s21+$0x0] =	vst.add.f32.msk $0xffff, v6;
	s21 =	simm.s32 $0x100;
	s2 =	simm.s32 $0x4  }
.LBB2_15:
0x13a: {  	s3 =	sand.u32 $0x1F00, s21;
	s22 =	sand.u32 $0x80, s2;
	s20 =	sadd.s32 $0x8, s20;
	[tilespmem:s1+$0x0] =	vst.add.f32.msk $0xffff, v1  }
0x13b: {  	s3 =	sor.u32 s22, s3;
	p1 =	slt.u32 s20, $0x1F8;
	[tilespmem:s7+$0x0] =	vst.add.f32.msk $0xffff, v0  }
0x13c: {  	s22 =	sor.u32 $0xE000, s3;
	s23 =	sor.u32 $0xE010, s3;
	s24 =	sor.u32 $0xE020, s3;
	v0 =	vld [tilespmem:s3+$0x2070]  }
0x13d: {  	s25 =	sor.u32 $0xE030, s3;
	s26 =	sor.u32 $0xE040, s3;
	s1 =	sor.u32 $0xE050, s3;
	v2 =	vld [tilespmem:s3+$0x2000]  }
0x13e: {  	s7 =	sor.u32 $0xE060, s3;
	v3 =	vld [tilespmem:s3+$0x2010]  }
0x13f: {  	v4 =	vld [tilespmem:s3+$0x2020]  }
0x140: {  	s28 =	sor.u32 $0xE070, s3;
	v5 =	vld [tilespmem:s3+$0x2030]  }
0x141: {  	[tilespmem:s28+$0x0] =	vst.add.f32.msk $0xffff, v0  }
0x142: {  	v6 =	vld [tilespmem:s3+$0x2040]  }
0x143: {  	v1 =	vld [tilespmem:s3+$0x2050]  }
0x144: {  	v0 =	vld [tilespmem:s3+$0x2060]  }
.Ltmp6:
0x145: {  	[tilespmem:s22+$0x0] =	vst.add.f32.msk $0xffff, v2;
	(pc) =	sbr.rel @p1 .LBB2_15-.Ltmp6, $4  }
0x146: {  	[tilespmem:s23+$0x0] =	vst.add.f32.msk $0xffff, v3  }
0x147: {  	[tilespmem:s24+$0x0] =	vst.add.f32.msk $0xffff, v4  }
0x148: {  	[tilespmem:s25+$0x0] =	vst.add.f32.msk $0xffff, v5  }
0x149: {  	s21 =	sadd.s32 $0x100, s21;
	s2 =	sadd.s32 $0x4, s2;
	[tilespmem:s26+$0x0] =	vst.add.f32.msk $0xffff, v6  }
0x14a: {  	[tilespmem:s1+$0x0] =	vst.add.f32.msk $0xffff, v1  }
0x14b: {  	[tilespmem:s7+$0x0] =	vst.add.f32.msk $0xffff, v0;
	s21 =	sadd.s32 $0x200000, s19;
	s0 =	simm.s32 $0xE000  }
0x14c: {  	[hbm4b:s21+s17] =	stream.strided.scatter [tilespmem:s0], [sflag:$0x10], $0x2000, s18, s17, $0x38;
	[tilespmem:$0x14000] =	vst v63  }
0x14d: {  	_ =	swait.ge [sflag:s13], $0x2000  }
0x14e: {  	[sflag:s13] =	ssyncset.done $0x0  }
0x14f: {  	s1 =	simm.s32 @!p0 $0x11;
	[sflag:s13] =	ssyncadd.s32 $0xFFFFE000  }
0x150: {  	s2 =	sadd.s32 @!p0 s16, s12;
	s3 =	simm.s32 @!p0 $0x400;
	_ =	swait.ge @!p0 [sflag:s1], $0x2000  }
0x151: {  	s7 =	simm.s32 @!p0 $0x10000;
	s22 =	simm.s32 $0x0;
	[sflag:s1] =	ssyncset.done @!p0 $0x0  }
0x152: {  	[sflag:s1] =	ssyncadd.s32 @!p0 $0xFFFFE000;
	s1 =	sadd.s32 @!p0 s15, s2;
	s2 =	simm.s32 @!p0 $0x100  }
0x153: {  	[tilespmem:s7], [sflag:$0x9] =	stream.strided.gather @!p0 [hbm4b:s1+s2], $0x2000, s3, s2, $0x38;
	[tilespmem:$0x14000] =	vst v63  }
0x154: {  	s23 =	sand.u32 $0x1F00, s22;
	s1 =	sand.u32 $0x80, s22  }
0x155: {  	s2 =	sor.u32 s1, s23  }
0x156: {  	v0 =	vld [tilespmem:s2+$0x2070]  }
0x157: {  	v2 =	vld [tilespmem:s2+$0x2000]  }
0x158: {  	v3 =	vld [tilespmem:s2+$0x2010]  }
0x159: {  	v4 =	vld [tilespmem:s2+$0x2020]  }
0x15a: {  	v5 =	vld [tilespmem:s2+$0x2030]  }
0x15b: {  	v6 =	vld [tilespmem:s2+$0x2040]  }
0x15c: {  	s1 =	sor.u32 $0x12070, s2;
	v1 =	vld [tilespmem:s2+$0x2050]  }
0x15d: {  	[tilespmem:s1+$0x0] =	vst.add.f32.msk $0xffff, v0  }
0x15e: {  	s24 =	sor.u32 $0x12000, s2;
	v0 =	vld [tilespmem:s2+$0x2060]  }
0x15f: {  	s25 =	sor.u32 $0x12010, s2;
	[tilespmem:s24+$0x0] =	vst.add.f32.msk $0xffff, v2  }
0x160: {  	s26 =	sor.u32 $0x12020, s2;
	[tilespmem:s25+$0x0] =	vst.add.f32.msk $0xffff, v3  }
0x161: {  	s28 =	sor.u32 $0x12030, s2;
	[tilespmem:s26+$0x0] =	vst.add.f32.msk $0xffff, v4  }
0x162: {  	s16 =	simm.s32 $0x100;
	s15 =	simm.s32 $0x0;
	s30 =	sor.u32 $0x12040, s2;
	[tilespmem:s28+$0x0] =	vst.add.f32.msk $0xffff, v5  }
0x163: {  	s7 =	sor.u32 $0x12060, s2;
	s1 =	sor.u32 $0x12050, s2;
	[tilespmem:s30+$0x0] =	vst.add.f32.msk $0xffff, v6;
	s2 =	simm.s32 $0x4  }
.LBB2_17:
0x164: {  	s3 =	sand.u32 $0x1F00, s16;
	s20 =	sand.u32 $0x80, s2;
	s15 =	sadd.s32 $0x8, s15;
	[tilespmem:s1+$0x0] =	vst.add.f32.msk $0xffff, v1  }
0x165: {  	s3 =	sor.u32 s20, s3;
	p0 =	slt.u32 s15, $0x1F8;
	[tilespmem:s7+$0x0] =	vst.add.f32.msk $0xffff, v0  }
0x166: {  	s20 =	sor.u32 $0x12000, s3;
	s21 =	sor.u32 $0x12010, s3;
	s22 =	sor.u32 $0x12020, s3;
	v0 =	vld [tilespmem:s3+$0x2070]  }
0x167: {  	s23 =	sor.u32 $0x12030, s3;
	s24 =	sor.u32 $0x12040, s3;
	s1 =	sor.u32 $0x12050, s3;
	v2 =	vld [tilespmem:s3+$0x2000]  }
0x168: {  	s7 =	sor.u32 $0x12060, s3;
	v3 =	vld [tilespmem:s3+$0x2010]  }
0x169: {  	v4 =	vld [tilespmem:s3+$0x2020]  }
0x16a: {  	s25 =	sor.u32 $0x12070, s3;
	v5 =	vld [tilespmem:s3+$0x2030]  }
0x16b: {  	[tilespmem:s25+$0x0] =	vst.add.f32.msk $0xffff, v0  }
0x16c: {  	v6 =	vld [tilespmem:s3+$0x2040]  }
0x16d: {  	v1 =	vld [tilespmem:s3+$0x2050]  }
0x16e: {  	v0 =	vld [tilespmem:s3+$0x2060]  }
.Ltmp7:
0x16f: {  	[tilespmem:s20+$0x0] =	vst.add.f32.msk $0xffff, v2;
	(pc) =	sbr.rel @p0 .LBB2_17-.Ltmp7, $4  }
0x170: {  	[tilespmem:s21+$0x0] =	vst.add.f32.msk $0xffff, v3  }
0x171: {  	[tilespmem:s22+$0x0] =	vst.add.f32.msk $0xffff, v4  }
0x172: {  	[tilespmem:s23+$0x0] =	vst.add.f32.msk $0xffff, v5  }
0x173: {  	s16 =	sadd.s32 $0x100, s16;
	s2 =	sadd.s32 $0x4, s2;
	[tilespmem:s24+$0x0] =	vst.add.f32.msk $0xffff, v6  }
0x174: {  	s14 =	sadd.s32 $0x1, s14  }
0x175: {  	p0 =	sne.s32 s14, $0x10  }
.Ltmp8:
0x176: {  	_ = 	snop;
	(pc) =	sbr.rel @p0 .LBB2_2-.Ltmp8, $4  }
0x177: {  	_ = 	snop  }
0x178: {  	[tilespmem:s1+$0x0] =	vst.add.f32.msk $0xffff, v1  }
0x179: {  	[tilespmem:s7+$0x0] =	vst.add.f32.msk $0xffff, v0;
	s30 =	sadd.s32 $0x300000, s19;
	s0 =	simm.s32 $0x12000  }
0x17a: {  	[hbm4b:s30+s17] =	stream.strided.scatter [tilespmem:s0], [sflag:$0x12], $0x2000, s18, s17, $0x38;
	[tilespmem:$0x14000] =	vst v63  }
0x17b: {  	s0 =	simm.s32 $0xB  }
0x17c: {  	_ =	swait.ge [sflag:s0], $0x2000  }
0x17d: {  	[sflag:s0] =	ssyncset.done $0x0  }
0x17e: {  	s22 =	simm.s32 $0xC;
	[sflag:s0] =	ssyncadd.s32 $0xFFFFE000  }
0x17f: {  	_ =	swait.ge [sflag:s22], $0x2000  }
0x180: {  	[sflag:s22] =	ssyncset.done $0x0  }
0x181: {  	s23 =	simm.s32 $0xD;
	[sflag:s22] =	ssyncadd.s32 $0xFFFFE000  }
0x182: {  	_ =	swait.ge [sflag:s23], $0x2000  }
0x183: {  	[sflag:s23] =	ssyncset.done $0x0  }
0x184: {  	s24 =	simm.s32 $0xE;
	[sflag:s23] =	ssyncadd.s32 $0xFFFFE000  }
0x185: {  	_ =	swait.ge [sflag:s24], $0x2000  }
0x186: {  	[sflag:s24] =	ssyncset.done $0x0  }
0x187: {  	s25 =	simm.s32 $0xF;
	[sflag:s24] =	ssyncadd.s32 $0xFFFFE000  }
0x188: {  	_ =	swait.ge [sflag:s25], $0x2000  }
0x189: {  	[sflag:s25] =	ssyncset.done $0x0  }
0x18a: {  	s26 =	simm.s32 $0x10;
	[sflag:s25] =	ssyncadd.s32 $0xFFFFE000  }
0x18b: {  	_ =	swait.ge [sflag:s26], $0x2000  }
0x18c: {  	[sflag:s26] =	ssyncset.done $0x0  }
0x18d: {  	s28 =	simm.s32 $0x11;
	[sflag:s26] =	ssyncadd.s32 $0xFFFFE000  }
0x18e: {  	_ =	swait.ge [sflag:s28], $0x2000  }
0x18f: {  	[sflag:s28] =	ssyncset.done $0x0  }
0x190: {  	s1 =	simm.s32 $0x12;
	[sflag:s28] =	ssyncadd.s32 $0xFFFFE000  }
0x191: {  	_ =	swait.ge [sflag:s1], $0x2000  }
0x192: {  	s2 =	rddreg [dreg:$0xb]  }
0x193: {  	s30 =	rddreg [dreg:$0xa];
	s2 =	sadd.s32 $0x1, s2  }
0x194: {  	p0 =	sne.s32 s2, s30  }
.Ltmp9:
0x195: {  	_ = 	snop;
	(pc) =	sbr.rel @p0 .LBB2_1-.Ltmp9, $3  }
0x196: {  	_ =	sdelay $0x1  }
0x197: {  	[sflag:s1] =	ssyncset.done $0x0  }
0x198: {  	[sflag:s1] =	ssyncadd.s32 $0xFFFFE000  }
0x199: {  	_ =	sfence.sel $0x180000  }
0x19a: {  	[bflag:$0x0] =	sbarrier.arrive $0xFFFF  }
0x19b: {  	_ =	strace $0x90000047  }
0x19c: {  	s0 =	stileid.u32;
	[bflag:$0x2] =	sbarrier.arrive $0xFFFF  }
0x19d: {  	p0 =	sne.s32 s0, $0x0;
	s0 =	rddreg [dreg:$0x3]  }
0x19e: {  	s0 =	sadd.s32 @!p0 $0x100000, s0  }
0x19f: {  	[sflag:s0] =	ssyncadd.tile.s32 @!p0 $0x1;
	_ =	shalt  }
.Lfunc_end2:
_tile_overlayer_lowered:
.L_overlay_start_2:
0x1a0: {  	(tag) =	ssettag $0x2  }
0x1a1: {  	s0 =	rddreg [dreg:$0x0];
	s2 =	stileid.u32  }
0x1a2: {  	s1 =	rddreg [dreg:$0x1];
	p0 =	sne.s32 s2, $0x0  }
0x1a3: {  	s3 =	rddreg [dreg:$0x2];
	[bflag:$0x3] =	sbarrier.arrive $0xFFFF;
	s2 =	simm.s32 @!p0 $0x1C13  }
0x1a4: {  	[timem:s3], [sflag:s2] =	dma.local @!p0 [hbm:s0], s1  }
0x1a5: {  	s0 =	simm.s32 @!p0 $0x13  }
0x1a6: {  	_ =	swait.ge @!p0 [sflag:s0], s1  }
0x1a7: {  	s1 =	ssub.s32 @!p0 $0x0, s1;
	[sflag:s0] =	ssyncset.done @!p0 $0x0  }
0x1a8: {  	[sflag:s0] =	ssyncadd.s32 @!p0 s1  }
0x1a9: {  	[bflag:$0x3] =	sbarrier.arrive $0xFFFF  }
0x1aa: {  	_ =	shalt  }

</sc_bundles>
